<compile_context>
chip_gen: v7x
topology: tpu7x:2x2x1
jax: 0.10.2.dev20260603
libtpu: 0.0.44.dev20260713+nightly
codegen_flags: <defaults>
</compile_context>

<pallas_src>
import functools

import jax
import jax.numpy as jnp
from jax import lax
from jax.experimental import pallas as pl
from jax.experimental.pallas import tpu as pltpu
from jax.experimental.pallas import tpu_sc as plsc

L = 16
NS = 16
CHUNK = 128


@functools.lru_cache(maxsize=None)
def _build(B):
    bpt = B // NS
    E = 2 * bpt
    NROW = E // CHUNK
    mesh = plsc.VectorSubcoreMesh(core_axis_name="c", subcore_axis_name="s")

    @functools.partial(
        pl.kernel,
        mesh=mesh,
        out_type=[
            jax.ShapeDtypeStruct((B,), jnp.float32),
            jax.ShapeDtypeStruct((B,), jnp.float32),
            jax.ShapeDtypeStruct((B,), jnp.float32),
            jax.ShapeDtypeStruct((B,), jnp.float32),
        ],
        scratch_types=[
            pltpu.VMEM((bpt,), jnp.int32),
            pltpu.VMEM((E,), jnp.float32),
            pltpu.VMEM((L,), jnp.float32),
            pltpu.VMEM((NS * L,), jnp.float32),
            pltpu.VMEM_SHARED((NS * L,), jnp.float32),
            pltpu.SemaphoreType.DMA,
        ],
    )
    def sc_kernel(uidx_hbm, pp0_hbm, pp1_hbm, tp0_hbm, tp1_hbm,
                  out_pp0, out_pp1, out_tp0, out_tp1,
                  uidx_v, rows, accbuf, allp, shared, sem):
        c = lax.axis_index("c")
        sid = lax.axis_index("s")
        base = sid * bpt

        pltpu.sync_copy(uidx_hbm.at[pl.ds(base, bpt)], uidx_v)

        def gather(col0, col1):
            cps = [
                pltpu.async_copy(col.at[uidx_v.at[pl.ds(j * CHUNK, CHUNK)]],
                                 rows.at[pl.ds(h * bpt + j * CHUNK, CHUNK)],
                                 sem)
                for h, col in ((0, col0), (1, col1))
                for j in range(bpt // CHUNK)
            ]
            for cp in cps:
                cp.wait()

        pl.when(c == 0)(lambda: gather(pp0_hbm, pp1_hbm))
        pl.when(c == 1)(lambda: gather(tp0_hbm, tp1_hbm))

        acc = jnp.zeros((L,), jnp.float32)
        for q in range(E // L):
            acc = acc + rows[pl.ds(q * L, L)]
        accbuf[...] = acc

        pltpu.sync_copy(accbuf, shared.at[pl.ds(sid * L, L)])
        plsc.subcore_barrier()
        pltpu.sync_copy(shared, allp)

        tot = jnp.zeros((L,), jnp.float32)
        for t in range(NS):
            tot = tot + allp[pl.ds(t * L, L)]
        total = tot[0]
        for l in range(1, L):
            total = total + tot[l]

        for q in range(E // L):
            rows[pl.ds(q * L, L)] = rows[pl.ds(q * L, L)] / total

        def emit(o0, o1):
            pltpu.sync_copy(rows.at[pl.ds(0, bpt)], o0.at[pl.ds(base, bpt)])
            pltpu.sync_copy(rows.at[pl.ds(bpt, bpt)], o1.at[pl.ds(base, bpt)])

        pl.when(c == 0)(lambda: emit(out_pp0, out_pp1))
        pl.when(c == 1)(lambda: emit(out_tp0, out_tp1))

    return sc_kernel


def kernel(user_idx, item_idx, transition_preference, prob_preference,
           m1_user, m1_item, m2_user, m2_item):
    B = user_idx.shape[0]
    pp0, pp1, tp0, tp1 = _build(B)(
        user_idx.astype(jnp.int32),
        prob_preference[:, 0], prob_preference[:, 1],
        transition_preference[:, 0], transition_preference[:, 1],
    )
    return (jnp.stack([pp0, pp1], axis=-1), jnp.stack([tp0, tp1], axis=-1))

# --- scband reference (transcript-rebuilt; emitter-appended) ---
"""Pipeline reference for scband-ensemble-model-12292196401575 (READ-ONLY COPY).

The authoritative reference and input builder live on the scoring server;
editing this copy changes nothing except your own understanding.
"""

import jax, jax.numpy as jnp
import numpy as np

N_USERS = 1000000
N_ITEMS = 100000
D = 32
B = 16384


def _mf_submodel(user_emb, item_emb, user_idx, item_idx):
    # simple matrix-factorization submodel returning dict-like (out, kg_prob)
    ue = user_emb[user_idx]
    ie = item_emb[item_idx]
    s = jnp.sum(ue * ie, axis=-1, keepdims=True)
    out = jax.nn.sigmoid(s)
    kg_prob = jax.nn.sigmoid(0.5 * s)
    return out, kg_prob


def setup_inputs(seed: int = 0) -> dict:
    key = jax.random.key(seed)
    k1, k2, k3, k4, k5, k6 = jax.random.split(key, 6)
    user_idx = jax.random.randint(k1, (B,), 0, N_USERS, dtype=jnp.int64) if jax.config.jax_enable_x64 else jax.random.randint(k1, (B,), 0, N_USERS, dtype=jnp.int32)
    item_idx = jax.random.randint(k2, (B,), 0, N_ITEMS, dtype=jnp.int32)
    transition_preference = jnp.full((N_USERS, 2), 0.5, dtype=jnp.float32)
    prob_preference = jnp.full((N_USERS, 2), 0.5, dtype=jnp.float32)
    m1_user = jax.random.normal(k3, (N_USERS, D), dtype=jnp.float32) * 0.01
    m1_item = jax.random.normal(k4, (N_ITEMS, D), dtype=jnp.float32) * 0.01
    m2_user = jax.random.normal(k5, (N_USERS, D), dtype=jnp.float32) * 0.01
    m2_item = jax.random.normal(k6, (N_ITEMS, D), dtype=jnp.float32) * 0.01
    return {
        'user_idx': user_idx,
        'item_idx': item_idx,
        'transition_preference': transition_preference,
        'prob_preference': prob_preference,
        'm1_user': m1_user,
        'm1_item': m1_item,
        'm2_user': m2_user,
        'm2_item': m2_item,
    }


def reference(user_idx, item_idx, transition_preference, prob_preference, m1_user, m1_item, m2_user, m2_item):
    # torch.unique(user_idx, return_inverse=True, sorted=True) -- result unused downstream
    unique_user_idx = jnp.unique(user_idx, size=user_idx.shape[0], fill_value=0)
    res_out, res_kg = _mf_submodel(m1_user, m1_item, user_idx, item_idx)
    res2_out, res2_kg = _mf_submodel(m2_user, m2_item, user_idx, item_idx)
    # is_test=False (default) path
    pp = prob_preference[user_idx]
    pp_norm = pp / jnp.sum(pp).reshape(-1, 1)
    tp = transition_preference[user_idx]
    tp_norm = tp / jnp.sum(tp).reshape(-1, 1)
    # computed but unused in the original module (dead code kept for faithfulness)
    prob_res = jnp.sum(jnp.hstack((res_out, res2_out)) * pp_norm, axis=-1).reshape(-1, 1)
    transition_res = jnp.sum(jnp.hstack((res_kg, res2_kg)) * tp_norm, axis=-1).reshape(-1, 1)
    return (pp_norm, tp_norm)

if __name__ == "__main__":
    import jax
    _d = setup_inputs()
    print(jax.jit(kernel)(*tuple(_d.values())))

</pallas_src>

<mosaic_0001>
#map = affine_map<(d0, d1) -> (0)>
module attributes {stable_mosaic.version = 14 : i64} {
  func.func @sc_kernel(%arg0: i32, %arg1: i32, %arg2: memref<16384xi32, #tpu.memory_space<hbm>>, %arg3: memref<1000000xf32, #tpu.memory_space<hbm>>, %arg4: memref<1000000xf32, #tpu.memory_space<hbm>>, %arg5: memref<1000000xf32, #tpu.memory_space<hbm>>, %arg6: memref<1000000xf32, #tpu.memory_space<hbm>>, %arg7: memref<16384xf32, #tpu.memory_space<hbm>>, %arg8: memref<16384xf32, #tpu.memory_space<hbm>>, %arg9: memref<16384xf32, #tpu.memory_space<hbm>>, %arg10: memref<16384xf32, #tpu.memory_space<hbm>>, %arg11: memref<1024xi32, #tpu.memory_space<vmem>>, %arg12: memref<2048xf32, #tpu.memory_space<vmem>>, %arg13: memref<16xf32, #tpu.memory_space<vmem>>, %arg14: memref<256xf32, #tpu.memory_space<vmem>>, %arg15: memref<256xf32, #tpu.memory_space<vmem_shared>>, %arg16: memref<!tpu.dma_semaphore, #tpu.memory_space<semaphore_mem>>) attributes {dimension_semantics = [#tpu.dimension_semantics<core_parallel>, #tpu.dimension_semantics<subcore_parallel>], iteration_bounds = array<i64: 2, 16>, scalar_prefetch = 0 : i64, scratch_operands = 6 : i64, tpu.core_type = #tpu.core_type<sc_vector_subcore>, window_params = [{transform_indices = #map}, {transform_indices = #map}, {transform_indices = #map}, {transform_indices = #map}, {transform_indices = #map}, {transform_indices = #map}, {transform_indices = #map}, {transform_indices = #map}, {transform_indices = #map}]} {
    %mul3A = arith.constant 1024 : i32
    %mul3A_0 = arith.muli %arg1, %mul3A : i32
    "tpu.region"() ({
      %run_scoped3A = tpu.sem_alloc : memref<!tpu.dma_semaphore, #tpu.memory_space<semaphore_mem>>
      %dma_start3A = tpu.memref_slice %arg2[%mul3A_0] : memref<16384xi32, #tpu.memory_space<hbm>> -> memref<1024xi32, #tpu.memory_space<hbm>>
      %dma_start3A_1796 = tpu.memref_slice %arg2[%mul3A_0] : memref<16384xi32, #tpu.memory_space<hbm>> -> memref<1024xi32, #tpu.memory_space<hbm>>
      tpu.enqueue_dma source(%dma_start3A_1796 : memref<1024xi32, #tpu.memory_space<hbm>>) target(%arg11 : memref<1024xi32, #tpu.memory_space<vmem>>) target_semaphore(%run_scoped3A : memref<!tpu.dma_semaphore, #tpu.memory_space<semaphore_mem>>)
      %dma_wait3A = tpu.memref_slice %arg2[%mul3A_0] : memref<16384xi32, #tpu.memory_space<hbm>> -> memref<1024xi32, #tpu.memory_space<hbm>>
      %dma_wait3A_1797 = tpu.memref_slice %arg2[%mul3A_0] : memref<16384xi32, #tpu.memory_space<hbm>> -> memref<1024xi32, #tpu.memory_space<hbm>>
      tpu.wait_dma2 semaphore(%run_scoped3A : memref<!tpu.dma_semaphore, #tpu.memory_space<semaphore_mem>>) src(%dma_wait3A_1797 : memref<1024xi32, #tpu.memory_space<hbm>>) dst(%arg11 : memref<1024xi32, #tpu.memory_space<vmem>>)
      tpu.yield
    }) : () -> ()
    %eq3A = arith.constant 0 : i32
    %eq3A_1 = arith.cmpi eq, %arg0, %eq3A : i32
    %convert_element_type3A = arith.extui %eq3A_1 : i1 to i32
    %cond3A = arith.constant 0 : i32
    %cond3A_2 = arith.cmpi ne, %convert_element_type3A, %cond3A : i32
    scf.if %cond3A_2 {
      %dma_start3A = arith.constant 0 : i32
      %dma_start3A_1796 = tpu.memref_slice %arg12[%dma_start3A] : memref<2048xf32, #tpu.memory_space<vmem>> -> memref<128xf32, #tpu.memory_space<vmem>>
      %dma_start3A_1797 = arith.constant 0 : i32
      %dma_start3A_1798 = tpu.memref_slice %arg11[%dma_start3A_1797] : memref<1024xi32, #tpu.memory_space<vmem>> -> memref<128xi32, #tpu.memory_space<vmem>>
      %dma_start3A_1799 = arith.constant 0 : i32
      %dma_start3A_1800 = tpu.memref_slice %arg3[%dma_start3A_1799] : memref<1000000xf32, #tpu.memory_space<hbm>> -> memref<1000000xf32, #tpu.memory_space<hbm>>
      tpu.enqueue_indirect_dma source(%dma_start3A_1800 : memref<1000000xf32, #tpu.memory_space<hbm>>) target(%dma_start3A_1796 : memref<128xf32, #tpu.memory_space<vmem>>) offsets(%dma_start3A_1798 : memref<128xi32, #tpu.memory_space<vmem>>) semaphore(%arg16 : memref<!tpu.dma_semaphore, #tpu.memory_space<semaphore_mem>>)
      %dma_start3A_1801 = arith.constant 128 : i32
      %dma_start3A_1802 = tpu.memref_slice %arg12[%dma_start3A_1801] : memref<2048xf32, #tpu.memory_space<vmem>> -> memref<128xf32, #tpu.memory_space<vmem>>
      %dma_start3A_1803 = arith.constant 128 : i32
      %dma_start3A_1804 = tpu.memref_slice %arg11[%dma_start3A_1803] : memref<1024xi32, #tpu.memory_space<vmem>> -> memref<128xi32, #tpu.memory_space<vmem>>
      %dma_start3A_1805 = arith.constant 0 : i32
      %dma_start3A_1806 = tpu.memref_slice %arg3[%dma_start3A_1805] : memref<1000000xf32, #tpu.memory_space<hbm>> -> memref<1000000xf32, #tpu.memory_space<hbm>>
      tpu.enqueue_indirect_dma source(%dma_start3A_1806 : memref<1000000xf32, #tpu.memory_space<hbm>>) target(%dma_start3A_1802 : memref<128xf32, #tpu.memory_space<vmem>>) offsets(%dma_start3A_1804 : memref<128xi32, #tpu.memory_space<vmem>>) semaphore(%arg16 : memref<!tpu.dma_semaphore, #tpu.memory_space<semaphore_mem>>)
      %dma_start3A_1807 = arith.constant 256 : i32
      %dma_start3A_1808 = tpu.memref_slice %arg12[%dma_start3A_1807] : memref<2048xf32, #tpu.memory_space<vmem>> -> memref<128xf32, #tpu.memory_space<vmem>>
      %dma_start3A_1809 = arith.constant 256 : i32
      %dma_start3A_1810 = tpu.memref_slice %arg11[%dma_start3A_1809] : memref<1024xi32, #tpu.memory_space<vmem>> -> memref<128xi32, #tpu.memory_space<vmem>>
      %dma_start3A_1811 = arith.constant 0 : i32
      %dma_start3A_1812 = tpu.memref_slice %arg3[%dma_start3A_1811] : memref<1000000xf32, #tpu.memory_space<hbm>> -> memref<1000000xf32, #tpu.memory_space<hbm>>
      tpu.enqueue_indirect_dma source(%dma_start3A_1812 : memref<1000000xf32, #tpu.memory_space<hbm>>) target(%dma_start3A_1808 : memref<128xf32, #tpu.memory_space<vmem>>) offsets(%dma_start3A_1810 : memref<128xi32, #tpu.memory_space<vmem>>) semaphore(%arg16 : memref<!tpu.dma_semaphore, #tpu.memory_space<semaphore_mem>>)
      %dma_start3A_1813 = arith.constant 384 : i32
      %dma_start3A_1814 = tpu.memref_slice %arg12[%dma_start3A_1813] : memref<2048xf32, #tpu.memory_space<vmem>> -> memref<128xf32, #tpu.memory_space<vmem>>
      %dma_start3A_1815 = arith.constant 384 : i32
      %dma_start3A_1816 = tpu.memref_slice %arg11[%dma_start3A_1815] : memref<1024xi32, #tpu.memory_space<vmem>> -> memref<128xi32, #tpu.memory_space<vmem>>
      %dma_start3A_1817 = arith.constant 0 : i32
      %dma_start3A_1818 = tpu.memref_slice %arg3[%dma_start3A_1817] : memref<1000000xf32, #tpu.memory_space<hbm>> -> memref<1000000xf32, #tpu.memory_space<hbm>>
      tpu.enqueue_indirect_dma source(%dma_start3A_1818 : memref<1000000xf32, #tpu.memory_space<hbm>>) target(%dma_start3A_1814 : memref<128xf32, #tpu.memory_space<vmem>>) offsets(%dma_start3A_1816 : memref<128xi32, #tpu.memory_space<vmem>>) semaphore(%arg16 : memref<!tpu.dma_semaphore, #tpu.memory_space<semaphore_mem>>)
      %dma_start3A_1819 = arith.constant 512 : i32
      %dma_start3A_1820 = tpu.memref_slice %arg12[%dma_start3A_1819] : memref<2048xf32, #tpu.memory_space<vmem>> -> memref<128xf32, #tpu.memory_space<vmem>>
      %dma_start3A_1821 = arith.constant 512 : i32
      %dma_start3A_1822 = tpu.memref_slice %arg11[%dma_start3A_1821] : memref<1024xi32, #tpu.memory_space<vmem>> -> memref<128xi32, #tpu.memory_space<vmem>>
      %dma_start3A_1823 = arith.constant 0 : i32
      %dma_start3A_1824 = tpu.memref_slice %arg3[%dma_start3A_1823] : memref<1000000xf32, #tpu.memory_space<hbm>> -> memref<1000000xf32, #tpu.memory_space<hbm>>
      tpu.enqueue_indirect_dma source(%dma_start3A_1824 : memref<1000000xf32, #tpu.memory_space<hbm>>) target(%dma_start3A_1820 : memref<128xf32, #tpu.memory_space<vmem>>) offsets(%dma_start3A_1822 : memref<128xi32, #tpu.memory_space<vmem>>) semaphore(%arg16 : memref<!tpu.dma_semaphore, #tpu.memory_space<semaphore_mem>>)
      %dma_start3A_1825 = arith.constant 640 : i32
      %dma_start3A_1826 = tpu.memref_slice %arg12[%dma_start3A_1825] : memref<2048xf32, #tpu.memory_space<vmem>> -> memref<128xf32, #tpu.memory_space<vmem>>
      %dma_start3A_1827 = arith.constant 640 : i32
      %dma_start3A_1828 = tpu.memref_slice %arg11[%dma_start3A_1827] : memref<1024xi32, #tpu.memory_space<vmem>> -> memref<128xi32, #tpu.memory_space<vmem>>
      %dma_start3A_1829 = arith.constant 0 : i32
      %dma_start3A_1830 = tpu.memref_slice %arg3[%dma_start3A_1829] : memref<1000000xf32, #tpu.memory_space<hbm>> -> memref<1000000xf32, #tpu.memory_space<hbm>>
      tpu.enqueue_indirect_dma source(%dma_start3A_1830 : memref<1000000xf32, #tpu.memory_space<hbm>>) target(%dma_start3A_1826 : memref<128xf32, #tpu.memory_space<vmem>>) offsets(%dma_start3A_1828 : memref<128xi32, #tpu.memory_space<vmem>>) semaphore(%arg16 : memref<!tpu.dma_semaphore, #tpu.memory_space<semaphore_mem>>)
      %dma_start3A_1831 = arith.constant 768 : i32
      %dma_start3A_1832 = tpu.memref_slice %arg12[%dma_start3A_1831] : memref<2048xf32, #tpu.memory_space<vmem>> -> memref<128xf32, #tpu.memory_space<vmem>>
      %dma_start3A_1833 = arith.constant 768 : i32
      %dma_start3A_1834 = tpu.memref_slice %arg11[%dma_start3A_1833] : memref<1024xi32, #tpu.memory_space<vmem>> -> memref<128xi32, #tpu.memory_space<vmem>>
      %dma_start3A_1835 = arith.constant 0 : i32
      %dma_start3A_1836 = tpu.memref_slice %arg3[%dma_start3A_1835] : memref<1000000xf32, #tpu.memory_space<hbm>> -> memref<1000000xf32, #tpu.memory_space<hbm>>
      tpu.enqueue_indirect_dma source(%dma_start3A_1836 : memref<1000000xf32, #tpu.memory_space<hbm>>) target(%dma_start3A_1832 : memref<128xf32, #tpu.memory_space<vmem>>) offsets(%dma_start3A_1834 : memref<128xi32, #tpu.memory_space<vmem>>) semaphore(%arg16 : memref<!tpu.dma_semaphore, #tpu.memory_space<semaphore_mem>>)
      %dma_start3A_1837 = arith.constant 896 : i32
      %dma_start3A_1838 = tpu.memref_slice %arg12[%dma_start3A_1837] : memref<2048xf32, #tpu.memory_space<vmem>> -> memref<128xf32, #tpu.memory_space<vmem>>
      %dma_start3A_1839 = arith.constant 896 : i32
      %dma_start3A_1840 = tpu.memref_slice %arg11[%dma_start3A_1839] : memref<1024xi32, #tpu.memory_space<vmem>> -> memref<128xi32, #tpu.memory_space<vmem>>
      %dma_start3A_1841 = arith.constant 0 : i32
      %dma_start3A_1842 = tpu.memref_slice %arg3[%dma_start3A_1841] : memref<1000000xf32, #tpu.memory_space<hbm>> -> memref<1000000xf32, #tpu.memory_space<hbm>>
      tpu.enqueue_indirect_dma source(%dma_start3A_1842 : memref<1000000xf32, #tpu.memory_space<hbm>>) target(%dma_start3A_1838 : memref<128xf32, #tpu.memory_space<vmem>>) offsets(%dma_start3A_1840 : memref<128xi32, #tpu.memory_space<vmem>>) semaphore(%arg16 : memref<!tpu.dma_semaphore, #tpu.memory_space<semaphore_mem>>)
      %dma_start3A_1843 = arith.constant 1024 : i32
      %dma_start3A_1844 = tpu.memref_slice %arg12[%dma_start3A_1843] : memref<2048xf32, #tpu.memory_space<vmem>> -> memref<128xf32, #tpu.memory_space<vmem>>
      %dma_start3A_1845 = arith.constant 0 : i32
      %dma_start3A_1846 = tpu.memref_slice %arg11[%dma_start3A_1845] : memref<1024xi32, #tpu.memory_space<vmem>> -> memref<128xi32, #tpu.memory_space<vmem>>
      %dma_start3A_1847 = arith.constant 0 : i32
      %dma_start3A_1848 = tpu.memref_slice %arg4[%dma_start3A_1847] : memref<1000000xf32, #tpu.memory_space<hbm>> -> memref<1000000xf32, #tpu.memory_space<hbm>>
      tpu.enqueue_indirect_dma source(%dma_start3A_1848 : memref<1000000xf32, #tpu.memory_space<hbm>>) target(%dma_start3A_1844 : memref<128xf32, #tpu.memory_space<vmem>>) offsets(%dma_start3A_1846 : memref<128xi32, #tpu.memory_space<vmem>>) semaphore(%arg16 : memref<!tpu.dma_semaphore, #tpu.memory_space<semaphore_mem>>)
      %dma_start3A_1849 = arith.constant 1152 : i32
      %dma_start3A_1850 = tpu.memref_slice %arg12[%dma_start3A_1849] : memref<2048xf32, #tpu.memory_space<vmem>> -> memref<128xf32, #tpu.memory_space<vmem>>
      %dma_start3A_1851 = arith.constant 128 : i32
      %dma_start3A_1852 = tpu.memref_slice %arg11[%dma_start3A_1851] : memref<1024xi32, #tpu.memory_space<vmem>> -> memref<128xi32, #tpu.memory_space<vmem>>
      %dma_start3A_1853 = arith.constant 0 : i32
      %dma_start3A_1854 = tpu.memref_slice %arg4[%dma_start3A_1853] : memref<1000000xf32, #tpu.memory_space<hbm>> -> memref<1000000xf32, #tpu.memory_space<hbm>>
      tpu.enqueue_indirect_dma source(%dma_start3A_1854 : memref<1000000xf32, #tpu.memory_space<hbm>>) target(%dma_start3A_1850 : memref<128xf32, #tpu.memory_space<vmem>>) offsets(%dma_start3A_1852 : memref<128xi32, #tpu.memory_space<vmem>>) semaphore(%arg16 : memref<!tpu.dma_semaphore, #tpu.memory_space<semaphore_mem>>)
      %dma_start3A_1855 = arith.constant 1280 : i32
      %dma_start3A_1856 = tpu.memref_slice %arg12[%dma_start3A_1855] : memref<2048xf32, #tpu.memory_space<vmem>> -> memref<128xf32, #tpu.memory_space<vmem>>
      %dma_start3A_1857 = arith.constant 256 : i32
      %dma_start3A_1858 = tpu.memref_slice %arg11[%dma_start3A_1857] : memref<1024xi32, #tpu.memory_space<vmem>> -> memref<128xi32, #tpu.memory_space<vmem>>
      %dma_start3A_1859 = arith.constant 0 : i32
      %dma_start3A_1860 = tpu.memref_slice %arg4[%dma_start3A_1859] : memref<1000000xf32, #tpu.memory_space<hbm>> -> memref<1000000xf32, #tpu.memory_space<hbm>>
      tpu.enqueue_indirect_dma source(%dma_start3A_1860 : memref<1000000xf32, #tpu.memory_space<hbm>>) target(%dma_start3A_1856 : memref<128xf32, #tpu.memory_space<vmem>>) offsets(%dma_start3A_1858 : memref<128xi32, #tpu.memory_space<vmem>>) semaphore(%arg16 : memref<!tpu.dma_semaphore, #tpu.memory_space<semaphore_mem>>)
      %dma_start3A_1861 = arith.constant 1408 : i32
      %dma_start3A_1862 = tpu.memref_slice %arg12[%dma_start3A_1861] : memref<2048xf32, #tpu.memory_space<vmem>> -> memref<128xf32, #tpu.memory_space<vmem>>
      %dma_start3A_1863 = arith.constant 384 : i32
      %dma_start3A_1864 = tpu.memref_slice %arg11[%dma_start3A_1863] : memref<1024xi32, #tpu.memory_space<vmem>> -> memref<128xi32, #tpu.memory_space<vmem>>
      %dma_start3A_1865 = arith.constant 0 : i32
      %dma_start3A_1866 = tpu.memref_slice %arg4[%dma_start3A_1865] : memref<1000000xf32, #tpu.memory_space<hbm>> -> memref<1000000xf32, #tpu.memory_space<hbm>>
      tpu.enqueue_indirect_dma source(%dma_start3A_1866 : memref<1000000xf32, #tpu.memory_space<hbm>>) target(%dma_start3A_1862 : memref<128xf32, #tpu.memory_space<vmem>>) offsets(%dma_start3A_1864 : memref<128xi32, #tpu.memory_space<vmem>>) semaphore(%arg16 : memref<!tpu.dma_semaphore, #tpu.memory_space<semaphore_mem>>)
      %dma_start3A_1867 = arith.constant 1536 : i32
      %dma_start3A_1868 = tpu.memref_slice %arg12[%dma_start3A_1867] : memref<2048xf32, #tpu.memory_space<vmem>> -> memref<128xf32, #tpu.memory_space<vmem>>
      %dma_start3A_1869 = arith.constant 512 : i32
      %dma_start3A_1870 = tpu.memref_slice %arg11[%dma_start3A_1869] : memref<1024xi32, #tpu.memory_space<vmem>> -> memref<128xi32, #tpu.memory_space<vmem>>
      %dma_start3A_1871 = arith.constant 0 : i32
      %dma_start3A_1872 = tpu.memref_slice %arg4[%dma_start3A_1871] : memref<1000000xf32, #tpu.memory_space<hbm>> -> memref<1000000xf32, #tpu.memory_space<hbm>>
      tpu.enqueue_indirect_dma source(%dma_start3A_1872 : memref<1000000xf32, #tpu.memory_space<hbm>>) target(%dma_start3A_1868 : memref<128xf32, #tpu.memory_space<vmem>>) offsets(%dma_start3A_1870 : memref<128xi32, #tpu.memory_space<vmem>>) semaphore(%arg16 : memref<!tpu.dma_semaphore, #tpu.memory_space<semaphore_mem>>)
      %dma_start3A_1873 = arith.constant 1664 : i32
      %dma_start3A_1874 = tpu.memref_slice %arg12[%dma_start3A_1873] : memref<2048xf32, #tpu.memory_space<vmem>> -> memref<128xf32, #tpu.memory_space<vmem>>
      %dma_start3A_1875 = arith.constant 640 : i32
      %dma_start3A_1876 = tpu.memref_slice %arg11[%dma_start3A_1875] : memref<1024xi32, #tpu.memory_space<vmem>> -> memref<128xi32, #tpu.memory_space<vmem>>
      %dma_start3A_1877 = arith.constant 0 : i32
      %dma_start3A_1878 = tpu.memref_slice %arg4[%dma_start3A_1877] : memref<1000000xf32, #tpu.memory_space<hbm>> -> memref<1000000xf32, #tpu.memory_space<hbm>>
      tpu.enqueue_indirect_dma source(%dma_start3A_1878 : memref<1000000xf32, #tpu.memory_space<hbm>>) target(%dma_start3A_1874 : memref<128xf32, #tpu.memory_space<vmem>>) offsets(%dma_start3A_1876 : memref<128xi32, #tpu.memory_space<vmem>>) semaphore(%arg16 : memref<!tpu.dma_semaphore, #tpu.memory_space<semaphore_mem>>)
      %dma_start3A_1879 = arith.constant 1792 : i32
      %dma_start3A_1880 = tpu.memref_slice %arg12[%dma_start3A_1879] : memref<2048xf32, #tpu.memory_space<vmem>> -> memref<128xf32, #tpu.memory_space<vmem>>
      %dma_start3A_1881 = arith.constant 768 : i32
      %dma_start3A_1882 = tpu.memref_slice %arg11[%dma_start3A_1881] : memref<1024xi32, #tpu.memory_space<vmem>> -> memref<128xi32, #tpu.memory_space<vmem>>
      %dma_start3A_1883 = arith.constant 0 : i32
      %dma_start3A_1884 = tpu.memref_slice %arg4[%dma_start3A_1883] : memref<1000000xf32, #tpu.memory_space<hbm>> -> memref<1000000xf32, #tpu.memory_space<hbm>>
      tpu.enqueue_indirect_dma source(%dma_start3A_1884 : memref<1000000xf32, #tpu.memory_space<hbm>>) target(%dma_start3A_1880 : memref<128xf32, #tpu.memory_space<vmem>>) offsets(%dma_start3A_1882 : memref<128xi32, #tpu.memory_space<vmem>>) semaphore(%arg16 : memref<!tpu.dma_semaphore, #tpu.memory_space<semaphore_mem>>)
      %dma_start3A_1885 = arith.constant 1920 : i32
      %dma_start3A_1886 = tpu.memref_slice %arg12[%dma_start3A_1885] : memref<2048xf32, #tpu.memory_space<vmem>> -> memref<128xf32, #tpu.memory_space<vmem>>
      %dma_start3A_1887 = arith.constant 896 : i32
      %dma_start3A_1888 = tpu.memref_slice %arg11[%dma_start3A_1887] : memref<1024xi32, #tpu.memory_space<vmem>> -> memref<128xi32, #tpu.memory_space<vmem>>
      %dma_start3A_1889 = arith.constant 0 : i32
      %dma_start3A_1890 = tpu.memref_slice %arg4[%dma_start3A_1889] : memref<1000000xf32, #tpu.memory_space<hbm>> -> memref<1000000xf32, #tpu.memory_space<hbm>>
      tpu.enqueue_indirect_dma source(%dma_start3A_1890 : memref<1000000xf32, #tpu.memory_space<hbm>>) target(%dma_start3A_1886 : memref<128xf32, #tpu.memory_space<vmem>>) offsets(%dma_start3A_1888 : memref<128xi32, #tpu.memory_space<vmem>>) semaphore(%arg16 : memref<!tpu.dma_semaphore, #tpu.memory_space<semaphore_mem>>)
      %dma_wait3A = arith.constant 0 : i32
      %dma_wait3A_1891 = tpu.memref_slice %arg12[%dma_wait3A] : memref<2048xf32, #tpu.memory_space<vmem>> -> memref<128xf32, #tpu.memory_space<vmem>>
      %dma_wait3A_1892 = arith.constant 0 : i32
      %dma_wait3A_1893 = tpu.memref_slice %arg11[%dma_wait3A_1892] : memref<1024xi32, #tpu.memory_space<vmem>> -> memref<128xi32, #tpu.memory_space<vmem>>
      %dma_wait3A_1894 = arith.constant 0 : i32
      %dma_wait3A_1895 = tpu.memref_slice %arg3[%dma_wait3A_1894] : memref<1000000xf32, #tpu.memory_space<hbm>> -> memref<1000000xf32, #tpu.memory_space<hbm>>
      tpu.wait_indirect_dma semaphore(%arg16 : memref<!tpu.dma_semaphore, #tpu.memory_space<semaphore_mem>>) src(%dma_wait3A_1895 : memref<1000000xf32, #tpu.memory_space<hbm>>) dst(%dma_wait3A_1891 : memref<128xf32, #tpu.memory_space<vmem>>)
      %dma_wait3A_1896 = arith.constant 128 : i32
      %dma_wait3A_1897 = tpu.memref_slice %arg12[%dma_wait3A_1896] : memref<2048xf32, #tpu.memory_space<vmem>> -> memref<128xf32, #tpu.memory_space<vmem>>
      %dma_wait3A_1898 = arith.constant 128 : i32
      %dma_wait3A_1899 = tpu.memref_slice %arg11[%dma_wait3A_1898] : memref<1024xi32, #tpu.memory_space<vmem>> -> memref<128xi32, #tpu.memory_space<vmem>>
      %dma_wait3A_1900 = arith.constant 0 : i32
      %dma_wait3A_1901 = tpu.memref_slice %arg3[%dma_wait3A_1900] : memref<1000000xf32, #tpu.memory_space<hbm>> -> memref<1000000xf32, #tpu.memory_space<hbm>>
      tpu.wait_indirect_dma semaphore(%arg16 : memref<!tpu.dma_semaphore, #tpu.memory_space<semaphore_mem>>) src(%dma_wait3A_1901 : memref<1000000xf32, #tpu.memory_space<hbm>>) dst(%dma_wait3A_1897 : memref<128xf32, #tpu.memory_space<vmem>>)
      %dma_wait3A_1902 = arith.constant 256 : i32
      %dma_wait3A_1903 = tpu.memref_slice %arg12[%dma_wait3A_1902] : memref<2048xf32, #tpu.memory_space<vmem>> -> memref<128xf32, #tpu.memory_space<vmem>>
      %dma_wait3A_1904 = arith.constant 256 : i32
      %dma_wait3A_1905 = tpu.memref_slice %arg11[%dma_wait3A_1904] : memref<1024xi32, #tpu.memory_space<vmem>> -> memref<128xi32, #tpu.memory_space<vmem>>
      %dma_wait3A_1906 = arith.constant 0 : i32
      %dma_wait3A_1907 = tpu.memref_slice %arg3[%dma_wait3A_1906] : memref<1000000xf32, #tpu.memory_space<hbm>> -> memref<1000000xf32, #tpu.memory_space<hbm>>
      tpu.wait_indirect_dma semaphore(%arg16 : memref<!tpu.dma_semaphore, #tpu.memory_space<semaphore_mem>>) src(%dma_wait3A_1907 : memref<1000000xf32, #tpu.memory_space<hbm>>) dst(%dma_wait3A_1903 : memref<128xf32, #tpu.memory_space<vmem>>)
      %dma_wait3A_1908 = arith.constant 384 : i32
      %dma_wait3A_1909 = tpu.memref_slice %arg12[%dma_wait3A_1908] : memref<2048xf32, #tpu.memory_space<vmem>> -> memref<128xf32, #tpu.memory_space<vmem>>
      %dma_wait3A_1910 = arith.constant 384 : i32
      %dma_wait3A_1911 = tpu.memref_slice %arg11[%dma_wait3A_1910] : memref<1024xi32, #tpu.memory_space<vmem>> -> memref<128xi32, #tpu.memory_space<vmem>>
      %dma_wait3A_1912 = arith.constant 0 : i32
      %dma_wait3A_1913 = tpu.memref_slice %arg3[%dma_wait3A_1912] : memref<1000000xf32, #tpu.memory_space<hbm>> -> memref<1000000xf32, #tpu.memory_space<hbm>>
      tpu.wait_indirect_dma semaphore(%arg16 : memref<!tpu.dma_semaphore, #tpu.memory_space<semaphore_mem>>) src(%dma_wait3A_1913 : memref<1000000xf32, #tpu.memory_space<hbm>>) dst(%dma_wait3A_1909 : memref<128xf32, #tpu.memory_space<vmem>>)
      %dma_wait3A_1914 = arith.constant 512 : i32
      %dma_wait3A_1915 = tpu.memref_slice %arg12[%dma_wait3A_1914] : memref<2048xf32, #tpu.memory_space<vmem>> -> memref<128xf32, #tpu.memory_space<vmem>>
      %dma_wait3A_1916 = arith.constant 512 : i32
      %dma_wait3A_1917 = tpu.memref_slice %arg11[%dma_wait3A_1916] : memref<1024xi32, #tpu.memory_space<vmem>> -> memref<128xi32, #tpu.memory_space<vmem>>
      %dma_wait3A_1918 = arith.constant 0 : i32
      %dma_wait3A_1919 = tpu.memref_slice %arg3[%dma_wait3A_1918] : memref<1000000xf32, #tpu.memory_space<hbm>> -> memref<1000000xf32, #tpu.memory_space<hbm>>
      tpu.wait_indirect_dma semaphore(%arg16 : memref<!tpu.dma_semaphore, #tpu.memory_space<semaphore_mem>>) src(%dma_wait3A_1919 : memref<1000000xf32, #tpu.memory_space<hbm>>) dst(%dma_wait3A_1915 : memref<128xf32, #tpu.memory_space<vmem>>)
      %dma_wait3A_1920 = arith.constant 640 : i32
      %dma_wait3A_1921 = tpu.memref_slice %arg12[%dma_wait3A_1920] : memref<2048xf32, #tpu.memory_space<vmem>> -> memref<128xf32, #tpu.memory_space<vmem>>
      %dma_wait3A_1922 = arith.constant 640 : i32
      %dma_wait3A_1923 = tpu.memref_slice %arg11[%dma_wait3A_1922] : memref<1024xi32, #tpu.memory_space<vmem>> -> memref<128xi32, #tpu.memory_space<vmem>>
      %dma_wait3A_1924 = arith.constant 0 : i32
      %dma_wait3A_1925 = tpu.memref_slice %arg3[%dma_wait3A_1924] : memref<1000000xf32, #tpu.memory_space<hbm>> -> memref<1000000xf32, #tpu.memory_space<hbm>>
      tpu.wait_indirect_dma semaphore(%arg16 : memref<!tpu.dma_semaphore, #tpu.memory_space<semaphore_mem>>) src(%dma_wait3A_1925 : memref<1000000xf32, #tpu.memory_space<hbm>>) dst(%dma_wait3A_1921 : memref<128xf32, #tpu.memory_space<vmem>>)
      %dma_wait3A_1926 = arith.constant 768 : i32
      %dma_wait3A_1927 = tpu.memref_slice %arg12[%dma_wait3A_1926] : memref<2048xf32, #tpu.memory_space<vmem>> -> memref<128xf32, #tpu.memory_space<vmem>>
      %dma_wait3A_1928 = arith.constant 768 : i32
      %dma_wait3A_1929 = tpu.memref_slice %arg11[%dma_wait3A_1928] : memref<1024xi32, #tpu.memory_space<vmem>> -> memref<128xi32, #tpu.memory_space<vmem>>
      %dma_wait3A_1930 = arith.constant 0 : i32
      %dma_wait3A_1931 = tpu.memref_slice %arg3[%dma_wait3A_1930] : memref<1000000xf32, #tpu.memory_space<hbm>> -> memref<1000000xf32, #tpu.memory_space<hbm>>
      tpu.wait_indirect_dma semaphore(%arg16 : memref<!tpu.dma_semaphore, #tpu.memory_space<semaphore_mem>>) src(%dma_wait3A_1931 : memref<1000000xf32, #tpu.memory_space<hbm>>) dst(%dma_wait3A_1927 : memref<128xf32, #tpu.memory_space<vmem>>)
      %dma_wait3A_1932 = arith.constant 896 : i32
      %dma_wait3A_1933 = tpu.memref_slice %arg12[%dma_wait3A_1932] : memref<2048xf32, #tpu.memory_space<vmem>> -> memref<128xf32, #tpu.memory_space<vmem>>
      %dma_wait3A_1934 = arith.constant 896 : i32
      %dma_wait3A_1935 = tpu.memref_slice %arg11[%dma_wait3A_1934] : memref<1024xi32, #tpu.memory_space<vmem>> -> memref<128xi32, #tpu.memory_space<vmem>>
      %dma_wait3A_1936 = arith.constant 0 : i32
      %dma_wait3A_1937 = tpu.memref_slice %arg3[%dma_wait3A_1936] : memref<1000000xf32, #tpu.memory_space<hbm>> -> memref<1000000xf32, #tpu.memory_space<hbm>>
      tpu.wait_indirect_dma semaphore(%arg16 : memref<!tpu.dma_semaphore, #tpu.memory_space<semaphore_mem>>) src(%dma_wait3A_1937 : memref<1000000xf32, #tpu.memory_space<hbm>>) dst(%dma_wait3A_1933 : memref<128xf32, #tpu.memory_space<vmem>>)
      %dma_wait3A_1938 = arith.constant 1024 : i32
      %dma_wait3A_1939 = tpu.memref_slice %arg12[%dma_wait3A_1938] : memref<2048xf32, #tpu.memory_space<vmem>> -> memref<128xf32, #tpu.memory_space<vmem>>
      %dma_wait3A_1940 = arith.constant 0 : i32
      %dma_wait3A_1941 = tpu.memref_slice %arg11[%dma_wait3A_1940] : memref<1024xi32, #tpu.memory_space<vmem>> -> memref<128xi32, #tpu.memory_space<vmem>>
      %dma_wait3A_1942 = arith.constant 0 : i32
      %dma_wait3A_1943 = tpu.memref_slice %arg4[%dma_wait3A_1942] : memref<1000000xf32, #tpu.memory_space<hbm>> -> memref<1000000xf32, #tpu.memory_space<hbm>>
      tpu.wait_indirect_dma semaphore(%arg16 : memref<!tpu.dma_semaphore, #tpu.memory_space<semaphore_mem>>) src(%dma_wait3A_1943 : memref<1000000xf32, #tpu.memory_space<hbm>>) dst(%dma_wait3A_1939 : memref<128xf32, #tpu.memory_space<vmem>>)
      %dma_wait3A_1944 = arith.constant 1152 : i32
      %dma_wait3A_1945 = tpu.memref_slice %arg12[%dma_wait3A_1944] : memref<2048xf32, #tpu.memory_space<vmem>> -> memref<128xf32, #tpu.memory_space<vmem>>
      %dma_wait3A_1946 = arith.constant 128 : i32
      %dma_wait3A_1947 = tpu.memref_slice %arg11[%dma_wait3A_1946] : memref<1024xi32, #tpu.memory_space<vmem>> -> memref<128xi32, #tpu.memory_space<vmem>>
      %dma_wait3A_1948 = arith.constant 0 : i32
      %dma_wait3A_1949 = tpu.memref_slice %arg4[%dma_wait3A_1948] : memref<1000000xf32, #tpu.memory_space<hbm>> -> memref<1000000xf32, #tpu.memory_space<hbm>>
      tpu.wait_indirect_dma semaphore(%arg16 : memref<!tpu.dma_semaphore, #tpu.memory_space<semaphore_mem>>) src(%dma_wait3A_1949 : memref<1000000xf32, #tpu.memory_space<hbm>>) dst(%dma_wait3A_1945 : memref<128xf32, #tpu.memory_space<vmem>>)
      %dma_wait3A_1950 = arith.constant 1280 : i32
      %dma_wait3A_1951 = tpu.memref_slice %arg12[%dma_wait3A_1950] : memref<2048xf32, #tpu.memory_space<vmem>> -> memref<128xf32, #tpu.memory_space<vmem>>
      %dma_wait3A_1952 = arith.constant 256 : i32
      %dma_wait3A_1953 = tpu.memref_slice %arg11[%dma_wait3A_1952] : memref<1024xi32, #tpu.memory_space<vmem>> -> memref<128xi32, #tpu.memory_space<vmem>>
      %dma_wait3A_1954 = arith.constant 0 : i32
      %dma_wait3A_1955 = tpu.memref_slice %arg4[%dma_wait3A_1954] : memref<1000000xf32, #tpu.memory_space<hbm>> -> memref<1000000xf32, #tpu.memory_space<hbm>>
      tpu.wait_indirect_dma semaphore(%arg16 : memref<!tpu.dma_semaphore, #tpu.memory_space<semaphore_mem>>) src(%dma_wait3A_1955 : memref<1000000xf32, #tpu.memory_space<hbm>>) dst(%dma_wait3A_1951 : memref<128xf32, #tpu.memory_space<vmem>>)
      %dma_wait3A_1956 = arith.constant 1408 : i32
      %dma_wait3A_1957 = tpu.memref_slice %arg12[%dma_wait3A_1956] : memref<2048xf32, #tpu.memory_space<vmem>> -> memref<128xf32, #tpu.memory_space<vmem>>
      %dma_wait3A_1958 = arith.constant 384 : i32
      %dma_wait3A_1959 = tpu.memref_slice %arg11[%dma_wait3A_1958] : memref<1024xi32, #tpu.memory_space<vmem>> -> memref<128xi32, #tpu.memory_space<vmem>>
      %dma_wait3A_1960 = arith.constant 0 : i32
      %dma_wait3A_1961 = tpu.memref_slice %arg4[%dma_wait3A_1960] : memref<1000000xf32, #tpu.memory_space<hbm>> -> memref<1000000xf32, #tpu.memory_space<hbm>>
      tpu.wait_indirect_dma semaphore(%arg16 : memref<!tpu.dma_semaphore, #tpu.memory_space<semaphore_mem>>) src(%dma_wait3A_1961 : memref<1000000xf32, #tpu.memory_space<hbm>>) dst(%dma_wait3A_1957 : memref<128xf32, #tpu.memory_space<vmem>>)
      %dma_wait3A_1962 = arith.constant 1536 : i32
      %dma_wait3A_1963 = tpu.memref_slice %arg12[%dma_wait3A_1962] : memref<2048xf32, #tpu.memory_space<vmem>> -> memref<128xf32, #tpu.memory_space<vmem>>
      %dma_wait3A_1964 = arith.constant 512 : i32
      %dma_wait3A_1965 = tpu.memref_slice %arg11[%dma_wait3A_1964] : memref<1024xi32, #tpu.memory_space<vmem>> -> memref<128xi32, #tpu.memory_space<vmem>>
      %dma_wait3A_1966 = arith.constant 0 : i32
      %dma_wait3A_1967 = tpu.memref_slice %arg4[%dma_wait3A_1966] : memref<1000000xf32, #tpu.memory_space<hbm>> -> memref<1000000xf32, #tpu.memory_space<hbm>>
      tpu.wait_indirect_dma semaphore(%arg16 : memref<!tpu.dma_semaphore, #tpu.memory_space<semaphore_mem>>) src(%dma_wait3A_1967 : memref<1000000xf32, #tpu.memory_space<hbm>>) dst(%dma_wait3A_1963 : memref<128xf32, #tpu.memory_space<vmem>>)
      %dma_wait3A_1968 = arith.constant 1664 : i32
      %dma_wait3A_1969 = tpu.memref_slice %arg12[%dma_wait3A_1968] : memref<2048xf32, #tpu.memory_space<vmem>> -> memref<128xf32, #tpu.memory_space<vmem>>
      %dma_wait3A_1970 = arith.constant 640 : i32
      %dma_wait3A_1971 = tpu.memref_slice %arg11[%dma_wait3A_1970] : memref<1024xi32, #tpu.memory_space<vmem>> -> memref<128xi32, #tpu.memory_space<vmem>>
      %dma_wait3A_1972 = arith.constant 0 : i32
      %dma_wait3A_1973 = tpu.memref_slice %arg4[%dma_wait3A_1972] : memref<1000000xf32, #tpu.memory_space<hbm>> -> memref<1000000xf32, #tpu.memory_space<hbm>>
      tpu.wait_indirect_dma semaphore(%arg16 : memref<!tpu.dma_semaphore, #tpu.memory_space<semaphore_mem>>) src(%dma_wait3A_1973 : memref<1000000xf32, #tpu.memory_space<hbm>>) dst(%dma_wait3A_1969 : memref<128xf32, #tpu.memory_space<vmem>>)
      %dma_wait3A_1974 = arith.constant 1792 : i32
      %dma_wait3A_1975 = tpu.memref_slice %arg12[%dma_wait3A_1974] : memref<2048xf32, #tpu.memory_space<vmem>> -> memref<128xf32, #tpu.memory_space<vmem>>
      %dma_wait3A_1976 = arith.constant 768 : i32
      %dma_wait3A_1977 = tpu.memref_slice %arg11[%dma_wait3A_1976] : memref<1024xi32, #tpu.memory_space<vmem>> -> memref<128xi32, #tpu.memory_space<vmem>>
      %dma_wait3A_1978 = arith.constant 0 : i32
      %dma_wait3A_1979 = tpu.memref_slice %arg4[%dma_wait3A_1978] : memref<1000000xf32, #tpu.memory_space<hbm>> -> memref<1000000xf32, #tpu.memory_space<hbm>>
      tpu.wait_indirect_dma semaphore(%arg16 : memref<!tpu.dma_semaphore, #tpu.memory_space<semaphore_mem>>) src(%dma_wait3A_1979 : memref<1000000xf32, #tpu.memory_space<hbm>>) dst(%dma_wait3A_1975 : memref<128xf32, #tpu.memory_space<vmem>>)
      %dma_wait3A_1980 = arith.constant 1920 : i32
      %dma_wait3A_1981 = tpu.memref_slice %arg12[%dma_wait3A_1980] : memref<2048xf32, #tpu.memory_space<vmem>> -> memref<128xf32, #tpu.memory_space<vmem>>
      %dma_wait3A_1982 = arith.constant 896 : i32
      %dma_wait3A_1983 = tpu.memref_slice %arg11[%dma_wait3A_1982] : memref<1024xi32, #tpu.memory_space<vmem>> -> memref<128xi32, #tpu.memory_space<vmem>>
      %dma_wait3A_1984 = arith.constant 0 : i32
      %dma_wait3A_1985 = tpu.memref_slice %arg4[%dma_wait3A_1984] : memref<1000000xf32, #tpu.memory_space<hbm>> -> memref<1000000xf32, #tpu.memory_space<hbm>>
      tpu.wait_indirect_dma semaphore(%arg16 : memref<!tpu.dma_semaphore, #tpu.memory_space<semaphore_mem>>) src(%dma_wait3A_1985 : memref<1000000xf32, #tpu.memory_space<hbm>>) dst(%dma_wait3A_1981 : memref<128xf32, #tpu.memory_space<vmem>>)
    } else {
    }
    %eq3A_3 = arith.constant 1 : i32
    %eq3A_4 = arith.cmpi eq, %arg0, %eq3A_3 : i32
    %convert_element_type3A_5 = arith.extui %eq3A_4 : i1 to i32
    %cond3A_6 = arith.constant 0 : i32
    %cond3A_7 = arith.cmpi ne, %convert_element_type3A_5, %cond3A_6 : i32
    scf.if %cond3A_7 {
      %dma_start3A = arith.constant 0 : i32
      %dma_start3A_1796 = tpu.memref_slice %arg12[%dma_start3A] : memref<2048xf32, #tpu.memory_space<vmem>> -> memref<128xf32, #tpu.memory_space<vmem>>
      %dma_start3A_1797 = arith.constant 0 : i32
      %dma_start3A_1798 = tpu.memref_slice %arg11[%dma_start3A_1797] : memref<1024xi32, #tpu.memory_space<vmem>> -> memref<128xi32, #tpu.memory_space<vmem>>
      %dma_start3A_1799 = arith.constant 0 : i32
      %dma_start3A_1800 = tpu.memref_slice %arg5[%dma_start3A_1799] : memref<1000000xf32, #tpu.memory_space<hbm>> -> memref<1000000xf32, #tpu.memory_space<hbm>>
      tpu.enqueue_indirect_dma source(%dma_start3A_1800 : memref<1000000xf32, #tpu.memory_space<hbm>>) target(%dma_start3A_1796 : memref<128xf32, #tpu.memory_space<vmem>>) offsets(%dma_start3A_1798 : memref<128xi32, #tpu.memory_space<vmem>>) semaphore(%arg16 : memref<!tpu.dma_semaphore, #tpu.memory_space<semaphore_mem>>)
      %dma_start3A_1801 = arith.constant 128 : i32
      %dma_start3A_1802 = tpu.memref_slice %arg12[%dma_start3A_1801] : memref<2048xf32, #tpu.memory_space<vmem>> -> memref<128xf32, #tpu.memory_space<vmem>>
      %dma_start3A_1803 = arith.constant 128 : i32
      %dma_start3A_1804 = tpu.memref_slice %arg11[%dma_start3A_1803] : memref<1024xi32, #tpu.memory_space<vmem>> -> memref<128xi32, #tpu.memory_space<vmem>>
      %dma_start3A_1805 = arith.constant 0 : i32
      %dma_start3A_1806 = tpu.memref_slice %arg5[%dma_start3A_1805] : memref<1000000xf32, #tpu.memory_space<hbm>> -> memref<1000000xf32, #tpu.memory_space<hbm>>
      tpu.enqueue_indirect_dma source(%dma_start3A_1806 : memref<1000000xf32, #tpu.memory_space<hbm>>) target(%dma_start3A_1802 : memref<128xf32, #tpu.memory_space<vmem>>) offsets(%dma_start3A_1804 : memref<128xi32, #tpu.memory_space<vmem>>) semaphore(%arg16 : memref<!tpu.dma_semaphore, #tpu.memory_space<semaphore_mem>>)
      %dma_start3A_1807 = arith.constant 256 : i32
      %dma_start3A_1808 = tpu.memref_slice %arg12[%dma_start3A_1807] : memref<2048xf32, #tpu.memory_space<vmem>> -> memref<128xf32, #tpu.memory_space<vmem>>
      %dma_start3A_1809 = arith.constant 256 : i32
      %dma_start3A_1810 = tpu.memref_slice %arg11[%dma_start3A_1809] : memref<1024xi32, #tpu.memory_space<vmem>> -> memref<128xi32, #tpu.memory_space<vmem>>
      %dma_start3A_1811 = arith.constant 0 : i32
      %dma_start3A_1812 = tpu.memref_slice %arg5[%dma_start3A_1811] : memref<1000000xf32, #tpu.memory_space<hbm>> -> memref<1000000xf32, #tpu.memory_space<hbm>>
      tpu.enqueue_indirect_dma source(%dma_start3A_1812 : memref<1000000xf32, #tpu.memory_space<hbm>>) target(%dma_start3A_1808 : memref<128xf32, #tpu.memory_space<vmem>>) offsets(%dma_start3A_1810 : memref<128xi32, #tpu.memory_space<vmem>>) semaphore(%arg16 : memref<!tpu.dma_semaphore, #tpu.memory_space<semaphore_mem>>)
      %dma_start3A_1813 = arith.constant 384 : i32
      %dma_start3A_1814 = tpu.memref_slice %arg12[%dma_start3A_1813] : memref<2048xf32, #tpu.memory_space<vmem>> -> memref<128xf32, #tpu.memory_space<vmem>>
      %dma_start3A_1815 = arith.constant 384 : i32
      %dma_start3A_1816 = tpu.memref_slice %arg11[%dma_start3A_1815] : memref<1024xi32, #tpu.memory_space<vmem>> -> memref<128xi32, #tpu.memory_space<vmem>>
      %dma_start3A_1817 = arith.constant 0 : i32
      %dma_start3A_1818 = tpu.memref_slice %arg5[%dma_start3A_1817] : memref<1000000xf32, #tpu.memory_space<hbm>> -> memref<1000000xf32, #tpu.memory_space<hbm>>
      tpu.enqueue_indirect_dma source(%dma_start3A_1818 : memref<1000000xf32, #tpu.memory_space<hbm>>) target(%dma_start3A_1814 : memref<128xf32, #tpu.memory_space<vmem>>) offsets(%dma_start3A_1816 : memref<128xi32, #tpu.memory_space<vmem>>) semaphore(%arg16 : memref<!tpu.dma_semaphore, #tpu.memory_space<semaphore_mem>>)
      %dma_start3A_1819 = arith.constant 512 : i32
      %dma_start3A_1820 = tpu.memref_slice %arg12[%dma_start3A_1819] : memref<2048xf32, #tpu.memory_space<vmem>> -> memref<128xf32, #tpu.memory_space<vmem>>
      %dma_start3A_1821 = arith.constant 512 : i32
      %dma_start3A_1822 = tpu.memref_slice %arg11[%dma_start3A_1821] : memref<1024xi32, #tpu.memory_space<vmem>> -> memref<128xi32, #tpu.memory_space<vmem>>
      %dma_start3A_1823 = arith.constant 0 : i32
      %dma_start3A_1824 = tpu.memref_slice %arg5[%dma_start3A_1823] : memref<1000000xf32, #tpu.memory_space<hbm>> -> memref<1000000xf32, #tpu.memory_space<hbm>>
      tpu.enqueue_indirect_dma source(%dma_start3A_1824 : memref<1000000xf32, #tpu.memory_space<hbm>>) target(%dma_start3A_1820 : memref<128xf32, #tpu.memory_space<vmem>>) offsets(%dma_start3A_1822 : memref<128xi32, #tpu.memory_space<vmem>>) semaphore(%arg16 : memref<!tpu.dma_semaphore, #tpu.memory_space<semaphore_mem>>)
      %dma_start3A_1825 = arith.constant 640 : i32
      %dma_start3A_1826 = tpu.memref_slice %arg12[%dma_start3A_1825] : memref<2048xf32, #tpu.memory_space<vmem>> -> memref<128xf32, #tpu.memory_space<vmem>>
      %dma_start3A_1827 = arith.constant 640 : i32
      %dma_start3A_1828 = tpu.memref_slice %arg11[%dma_start3A_1827] : memref<1024xi32, #tpu.memory_space<vmem>> -> memref<128xi32, #tpu.memory_space<vmem>>
      %dma_start3A_1829 = arith.constant 0 : i32
      %dma_start3A_1830 = tpu.memref_slice %arg5[%dma_start3A_1829] : memref<1000000xf32, #tpu.memory_space<hbm>> -> memref<1000000xf32, #tpu.memory_space<hbm>>
      tpu.enqueue_indirect_dma source(%dma_start3A_1830 : memref<1000000xf32, #tpu.memory_space<hbm>>) target(%dma_start3A_1826 : memref<128xf32, #tpu.memory_space<vmem>>) offsets(%dma_start3A_1828 : memref<128xi32, #tpu.memory_space<vmem>>) semaphore(%arg16 : memref<!tpu.dma_semaphore, #tpu.memory_space<semaphore_mem>>)
      %dma_start3A_1831 = arith.constant 768 : i32
      %dma_start3A_1832 = tpu.memref_slice %arg12[%dma_start3A_1831] : memref<2048xf32, #tpu.memory_space<vmem>> -> memref<128xf32, #tpu.memory_space<vmem>>
      %dma_start3A_1833 = arith.constant 768 : i32
      %dma_start3A_1834 = tpu.memref_slice %arg11[%dma_start3A_1833] : memref<1024xi32, #tpu.memory_space<vmem>> -> memref<128xi32, #tpu.memory_space<vmem>>
      %dma_start3A_1835 = arith.constant 0 : i32
      %dma_start3A_1836 = tpu.memref_slice %arg5[%dma_start3A_1835] : memref<1000000xf32, #tpu.memory_space<hbm>> -> memref<1000000xf32, #tpu.memory_space<hbm>>
      tpu.enqueue_indirect_dma source(%dma_start3A_1836 : memref<1000000xf32, #tpu.memory_space<hbm>>) target(%dma_start3A_1832 : memref<128xf32, #tpu.memory_space<vmem>>) offsets(%dma_start3A_1834 : memref<128xi32, #tpu.memory_space<vmem>>) semaphore(%arg16 : memref<!tpu.dma_semaphore, #tpu.memory_space<semaphore_mem>>)
      %dma_start3A_1837 = arith.constant 896 : i32
      %dma_start3A_1838 = tpu.memref_slice %arg12[%dma_start3A_1837] : memref<2048xf32, #tpu.memory_space<vmem>> -> memref<128xf32, #tpu.memory_space<vmem>>
      %dma_start3A_1839 = arith.constant 896 : i32
      %dma_start3A_1840 = tpu.memref_slice %arg11[%dma_start3A_1839] : memref<1024xi32, #tpu.memory_space<vmem>> -> memref<128xi32, #tpu.memory_space<vmem>>
      %dma_start3A_1841 = arith.constant 0 : i32
      %dma_start3A_1842 = tpu.memref_slice %arg5[%dma_start3A_1841] : memref<1000000xf32, #tpu.memory_space<hbm>> -> memref<1000000xf32, #tpu.memory_space<hbm>>
      tpu.enqueue_indirect_dma source(%dma_start3A_1842 : memref<1000000xf32, #tpu.memory_space<hbm>>) target(%dma_start3A_1838 : memref<128xf32, #tpu.memory_space<vmem>>) offsets(%dma_start3A_1840 : memref<128xi32, #tpu.memory_space<vmem>>) semaphore(%arg16 : memref<!tpu.dma_semaphore, #tpu.memory_space<semaphore_mem>>)
      %dma_start3A_1843 = arith.constant 1024 : i32
      %dma_start3A_1844 = tpu.memref_slice %arg12[%dma_start3A_1843] : memref<2048xf32, #tpu.memory_space<vmem>> -> memref<128xf32, #tpu.memory_space<vmem>>
      %dma_start3A_1845 = arith.constant 0 : i32
      %dma_start3A_1846 = tpu.memref_slice %arg11[%dma_start3A_1845] : memref<1024xi32, #tpu.memory_space<vmem>> -> memref<128xi32, #tpu.memory_space<vmem>>
      %dma_start3A_1847 = arith.constant 0 : i32
      %dma_start3A_1848 = tpu.memref_slice %arg6[%dma_start3A_1847] : memref<1000000xf32, #tpu.memory_space<hbm>> -> memref<1000000xf32, #tpu.memory_space<hbm>>
      tpu.enqueue_indirect_dma source(%dma_start3A_1848 : memref<1000000xf32, #tpu.memory_space<hbm>>) target(%dma_start3A_1844 : memref<128xf32, #tpu.memory_space<vmem>>) offsets(%dma_start3A_1846 : memref<128xi32, #tpu.memory_space<vmem>>) semaphore(%arg16 : memref<!tpu.dma_semaphore, #tpu.memory_space<semaphore_mem>>)
      %dma_start3A_1849 = arith.constant 1152 : i32
      %dma_start3A_1850 = tpu.memref_slice %arg12[%dma_start3A_1849] : memref<2048xf32, #tpu.memory_space<vmem>> -> memref<128xf32, #tpu.memory_space<vmem>>
      %dma_start3A_1851 = arith.constant 128 : i32
      %dma_start3A_1852 = tpu.memref_slice %arg11[%dma_start3A_1851] : memref<1024xi32, #tpu.memory_space<vmem>> -> memref<128xi32, #tpu.memory_space<vmem>>
      %dma_start3A_1853 = arith.constant 0 : i32
      %dma_start3A_1854 = tpu.memref_slice %arg6[%dma_start3A_1853] : memref<1000000xf32, #tpu.memory_space<hbm>> -> memref<1000000xf32, #tpu.memory_space<hbm>>
      tpu.enqueue_indirect_dma source(%dma_start3A_1854 : memref<1000000xf32, #tpu.memory_space<hbm>>) target(%dma_start3A_1850 : memref<128xf32, #tpu.memory_space<vmem>>) offsets(%dma_start3A_1852 : memref<128xi32, #tpu.memory_space<vmem>>) semaphore(%arg16 : memref<!tpu.dma_semaphore, #tpu.memory_space<semaphore_mem>>)
      %dma_start3A_1855 = arith.constant 1280 : i32
      %dma_start3A_1856 = tpu.memref_slice %arg12[%dma_start3A_1855] : memref<2048xf32, #tpu.memory_space<vmem>> -> memref<128xf32, #tpu.memory_space<vmem>>
      %dma_start3A_1857 = arith.constant 256 : i32
      %dma_start3A_1858 = tpu.memref_slice %arg11[%dma_start3A_1857] : memref<1024xi32, #tpu.memory_space<vmem>> -> memref<128xi32, #tpu.memory_space<vmem>>
      %dma_start3A_1859 = arith.constant 0 : i32
      %dma_start3A_1860 = tpu.memref_slice %arg6[%dma_start3A_1859] : memref<1000000xf32, #tpu.memory_space<hbm>> -> memref<1000000xf32, #tpu.memory_space<hbm>>
      tpu.enqueue_indirect_dma source(%dma_start3A_1860 : memref<1000000xf32, #tpu.memory_space<hbm>>) target(%dma_start3A_1856 : memref<128xf32, #tpu.memory_space<vmem>>) offsets(%dma_start3A_1858 : memref<128xi32, #tpu.memory_space<vmem>>) semaphore(%arg16 : memref<!tpu.dma_semaphore, #tpu.memory_space<semaphore_mem>>)
      %dma_start3A_1861 = arith.constant 1408 : i32
      %dma_start3A_1862 = tpu.memref_slice %arg12[%dma_start3A_1861] : memref<2048xf32, #tpu.memory_space<vmem>> -> memref<128xf32, #tpu.memory_space<vmem>>
      %dma_start3A_1863 = arith.constant 384 : i32
      %dma_start3A_1864 = tpu.memref_slice %arg11[%dma_start3A_1863] : memref<1024xi32, #tpu.memory_space<vmem>> -> memref<128xi32, #tpu.memory_space<vmem>>
      %dma_start3A_1865 = arith.constant 0 : i32
      %dma_start3A_1866 = tpu.memref_slice %arg6[%dma_start3A_1865] : memref<1000000xf32, #tpu.memory_space<hbm>> -> memref<1000000xf32, #tpu.memory_space<hbm>>
      tpu.enqueue_indirect_dma source(%dma_start3A_1866 : memref<1000000xf32, #tpu.memory_space<hbm>>) target(%dma_start3A_1862 : memref<128xf32, #tpu.memory_space<vmem>>) offsets(%dma_start3A_1864 : memref<128xi32, #tpu.memory_space<vmem>>) semaphore(%arg16 : memref<!tpu.dma_semaphore, #tpu.memory_space<semaphore_mem>>)
      %dma_start3A_1867 = arith.constant 1536 : i32
      %dma_start3A_1868 = tpu.memref_slice %arg12[%dma_start3A_1867] : memref<2048xf32, #tpu.memory_space<vmem>> -> memref<128xf32, #tpu.memory_space<vmem>>
      %dma_start3A_1869 = arith.constant 512 : i32
      %dma_start3A_1870 = tpu.memref_slice %arg11[%dma_start3A_1869] : memref<1024xi32, #tpu.memory_space<vmem>> -> memref<128xi32, #tpu.memory_space<vmem>>
      %dma_start3A_1871 = arith.constant 0 : i32
      %dma_start3A_1872 = tpu.memref_slice %arg6[%dma_start3A_1871] : memref<1000000xf32, #tpu.memory_space<hbm>> -> memref<1000000xf32, #tpu.memory_space<hbm>>
      tpu.enqueue_indirect_dma source(%dma_start3A_1872 : memref<1000000xf32, #tpu.memory_space<hbm>>) target(%dma_start3A_1868 : memref<128xf32, #tpu.memory_space<vmem>>) offsets(%dma_start3A_1870 : memref<128xi32, #tpu.memory_space<vmem>>) semaphore(%arg16 : memref<!tpu.dma_semaphore, #tpu.memory_space<semaphore_mem>>)
      %dma_start3A_1873 = arith.constant 1664 : i32
      %dma_start3A_1874 = tpu.memref_slice %arg12[%dma_start3A_1873] : memref<2048xf32, #tpu.memory_space<vmem>> -> memref<128xf32, #tpu.memory_space<vmem>>
      %dma_start3A_1875 = arith.constant 640 : i32
      %dma_start3A_1876 = tpu.memref_slice %arg11[%dma_start3A_1875] : memref<1024xi32, #tpu.memory_space<vmem>> -> memref<128xi32, #tpu.memory_space<vmem>>
      %dma_start3A_1877 = arith.constant 0 : i32
      %dma_start3A_1878 = tpu.memref_slice %arg6[%dma_start3A_1877] : memref<1000000xf32, #tpu.memory_space<hbm>> -> memref<1000000xf32, #tpu.memory_space<hbm>>
      tpu.enqueue_indirect_dma source(%dma_start3A_1878 : memref<1000000xf32, #tpu.memory_space<hbm>>) target(%dma_start3A_1874 : memref<128xf32, #tpu.memory_space<vmem>>) offsets(%dma_start3A_1876 : memref<128xi32, #tpu.memory_space<vmem>>) semaphore(%arg16 : memref<!tpu.dma_semaphore, #tpu.memory_space<semaphore_mem>>)
      %dma_start3A_1879 = arith.constant 1792 : i32
      %dma_start3A_1880 = tpu.memref_slice %arg12[%dma_start3A_1879] : memref<2048xf32, #tpu.memory_space<vmem>> -> memref<128xf32, #tpu.memory_space<vmem>>
      %dma_start3A_1881 = arith.constant 768 : i32
      %dma_start3A_1882 = tpu.memref_slice %arg11[%dma_start3A_1881] : memref<1024xi32, #tpu.memory_space<vmem>> -> memref<128xi32, #tpu.memory_space<vmem>>
      %dma_start3A_1883 = arith.constant 0 : i32
      %dma_start3A_1884 = tpu.memref_slice %arg6[%dma_start3A_1883] : memref<1000000xf32, #tpu.memory_space<hbm>> -> memref<1000000xf32, #tpu.memory_space<hbm>>
      tpu.enqueue_indirect_dma source(%dma_start3A_1884 : memref<1000000xf32, #tpu.memory_space<hbm>>) target(%dma_start3A_1880 : memref<128xf32, #tpu.memory_space<vmem>>) offsets(%dma_start3A_1882 : memref<128xi32, #tpu.memory_space<vmem>>) semaphore(%arg16 : memref<!tpu.dma_semaphore, #tpu.memory_space<semaphore_mem>>)
      %dma_start3A_1885 = arith.constant 1920 : i32
      %dma_start3A_1886 = tpu.memref_slice %arg12[%dma_start3A_1885] : memref<2048xf32, #tpu.memory_space<vmem>> -> memref<128xf32, #tpu.memory_space<vmem>>
      %dma_start3A_1887 = arith.constant 896 : i32
      %dma_start3A_1888 = tpu.memref_slice %arg11[%dma_start3A_1887] : memref<1024xi32, #tpu.memory_space<vmem>> -> memref<128xi32, #tpu.memory_space<vmem>>
      %dma_start3A_1889 = arith.constant 0 : i32
      %dma_start3A_1890 = tpu.memref_slice %arg6[%dma_start3A_1889] : memref<1000000xf32, #tpu.memory_space<hbm>> -> memref<1000000xf32, #tpu.memory_space<hbm>>
      tpu.enqueue_indirect_dma source(%dma_start3A_1890 : memref<1000000xf32, #tpu.memory_space<hbm>>) target(%dma_start3A_1886 : memref<128xf32, #tpu.memory_space<vmem>>) offsets(%dma_start3A_1888 : memref<128xi32, #tpu.memory_space<vmem>>) semaphore(%arg16 : memref<!tpu.dma_semaphore, #tpu.memory_space<semaphore_mem>>)
      %dma_wait3A = arith.constant 0 : i32
      %dma_wait3A_1891 = tpu.memref_slice %arg12[%dma_wait3A] : memref<2048xf32, #tpu.memory_space<vmem>> -> memref<128xf32, #tpu.memory_space<vmem>>
      %dma_wait3A_1892 = arith.constant 0 : i32
      %dma_wait3A_1893 = tpu.memref_slice %arg11[%dma_wait3A_1892] : memref<1024xi32, #tpu.memory_space<vmem>> -> memref<128xi32, #tpu.memory_space<vmem>>
      %dma_wait3A_1894 = arith.constant 0 : i32
      %dma_wait3A_1895 = tpu.memref_slice %arg5[%dma_wait3A_1894] : memref<1000000xf32, #tpu.memory_space<hbm>> -> memref<1000000xf32, #tpu.memory_space<hbm>>
      tpu.wait_indirect_dma semaphore(%arg16 : memref<!tpu.dma_semaphore, #tpu.memory_space<semaphore_mem>>) src(%dma_wait3A_1895 : memref<1000000xf32, #tpu.memory_space<hbm>>) dst(%dma_wait3A_1891 : memref<128xf32, #tpu.memory_space<vmem>>)
      %dma_wait3A_1896 = arith.constant 128 : i32
      %dma_wait3A_1897 = tpu.memref_slice %arg12[%dma_wait3A_1896] : memref<2048xf32, #tpu.memory_space<vmem>> -> memref<128xf32, #tpu.memory_space<vmem>>
      %dma_wait3A_1898 = arith.constant 128 : i32
      %dma_wait3A_1899 = tpu.memref_slice %arg11[%dma_wait3A_1898] : memref<1024xi32, #tpu.memory_space<vmem>> -> memref<128xi32, #tpu.memory_space<vmem>>
      %dma_wait3A_1900 = arith.constant 0 : i32
      %dma_wait3A_1901 = tpu.memref_slice %arg5[%dma_wait3A_1900] : memref<1000000xf32, #tpu.memory_space<hbm>> -> memref<1000000xf32, #tpu.memory_space<hbm>>
      tpu.wait_indirect_dma semaphore(%arg16 : memref<!tpu.dma_semaphore, #tpu.memory_space<semaphore_mem>>) src(%dma_wait3A_1901 : memref<1000000xf32, #tpu.memory_space<hbm>>) dst(%dma_wait3A_1897 : memref<128xf32, #tpu.memory_space<vmem>>)
      %dma_wait3A_1902 = arith.constant 256 : i32
      %dma_wait3A_1903 = tpu.memref_slice %arg12[%dma_wait3A_1902] : memref<2048xf32, #tpu.memory_space<vmem>> -> memref<128xf32, #tpu.memory_space<vmem>>
      %dma_wait3A_1904 = arith.constant 256 : i32
      %dma_wait3A_1905 = tpu.memref_slice %arg11[%dma_wait3A_1904] : memref<1024xi32, #tpu.memory_space<vmem>> -> memref<128xi32, #tpu.memory_space<vmem>>
      %dma_wait3A_1906 = arith.constant 0 : i32
      %dma_wait3A_1907 = tpu.memref_slice %arg5[%dma_wait3A_1906] : memref<1000000xf32, #tpu.memory_space<hbm>> -> memref<1000000xf32, #tpu.memory_space<hbm>>
      tpu.wait_indirect_dma semaphore(%arg16 : memref<!tpu.dma_semaphore, #tpu.memory_space<semaphore_mem>>) src(%dma_wait3A_1907 : memref<1000000xf32, #tpu.memory_space<hbm>>) dst(%dma_wait3A_1903 : memref<128xf32, #tpu.memory_space<vmem>>)
      %dma_wait3A_1908 = arith.constant 384 : i32
      %dma_wait3A_1909 = tpu.memref_slice %arg12[%dma_wait3A_1908] : memref<2048xf32, #tpu.memory_space<vmem>> -> memref<128xf32, #tpu.memory_space<vmem>>
      %dma_wait3A_1910 = arith.constant 384 : i32
      %dma_wait3A_1911 = tpu.memref_slice %arg11[%dma_wait3A_1910] : memref<1024xi32, #tpu.memory_space<vmem>> -> memref<128xi32, #tpu.memory_space<vmem>>
      %dma_wait3A_1912 = arith.constant 0 : i32
      %dma_wait3A_1913 = tpu.memref_slice %arg5[%dma_wait3A_1912] : memref<1000000xf32, #tpu.memory_space<hbm>> -> memref<1000000xf32, #tpu.memory_space<hbm>>
      tpu.wait_indirect_dma semaphore(%arg16 : memref<!tpu.dma_semaphore, #tpu.memory_space<semaphore_mem>>) src(%dma_wait3A_1913 : memref<1000000xf32, #tpu.memory_space<hbm>>) dst(%dma_wait3A_1909 : memref<128xf32, #tpu.memory_space<vmem>>)
      %dma_wait3A_1914 = arith.constant 512 : i32
      %dma_wait3A_1915 = tpu.memref_slice %arg12[%dma_wait3A_1914] : memref<2048xf32, #tpu.memory_space<vmem>> -> memref<128xf32, #tpu.memory_space<vmem>>
      %dma_wait3A_1916 = arith.constant 512 : i32
      %dma_wait3A_1917 = tpu.memref_slice %arg11[%dma_wait3A_1916] : memref<1024xi32, #tpu.memory_space<vmem>> -> memref<128xi32, #tpu.memory_space<vmem>>
      %dma_wait3A_1918 = arith.constant 0 : i32
      %dma_wait3A_1919 = tpu.memref_slice %arg5[%dma_wait3A_1918] : memref<1000000xf32, #tpu.memory_space<hbm>> -> memref<1000000xf32, #tpu.memory_space<hbm>>
      tpu.wait_indirect_dma semaphore(%arg16 : memref<!tpu.dma_semaphore, #tpu.memory_space<semaphore_mem>>) src(%dma_wait3A_1919 : memref<1000000xf32, #tpu.memory_space<hbm>>) dst(%dma_wait3A_1915 : memref<128xf32, #tpu.memory_space<vmem>>)
      %dma_wait3A_1920 = arith.constant 640 : i32
      %dma_wait3A_1921 = tpu.memref_slice %arg12[%dma_wait3A_1920] : memref<2048xf32, #tpu.memory_space<vmem>> -> memref<128xf32, #tpu.memory_space<vmem>>
      %dma_wait3A_1922 = arith.constant 640 : i32
      %dma_wait3A_1923 = tpu.memref_slice %arg11[%dma_wait3A_1922] : memref<1024xi32, #tpu.memory_space<vmem>> -> memref<128xi32, #tpu.memory_space<vmem>>
      %dma_wait3A_1924 = arith.constant 0 : i32
      %dma_wait3A_1925 = tpu.memref_slice %arg5[%dma_wait3A_1924] : memref<1000000xf32, #tpu.memory_space<hbm>> -> memref<1000000xf32, #tpu.memory_space<hbm>>
      tpu.wait_indirect_dma semaphore(%arg16 : memref<!tpu.dma_semaphore, #tpu.memory_space<semaphore_mem>>) src(%dma_wait3A_1925 : memref<1000000xf32, #tpu.memory_space<hbm>>) dst(%dma_wait3A_1921 : memref<128xf32, #tpu.memory_space<vmem>>)
      %dma_wait3A_1926 = arith.constant 768 : i32
      %dma_wait3A_1927 = tpu.memref_slice %arg12[%dma_wait3A_1926] : memref<2048xf32, #tpu.memory_space<vmem>> -> memref<128xf32, #tpu.memory_space<vmem>>
      %dma_wait3A_1928 = arith.constant 768 : i32
      %dma_wait3A_1929 = tpu.memref_slice %arg11[%dma_wait3A_1928] : memref<1024xi32, #tpu.memory_space<vmem>> -> memref<128xi32, #tpu.memory_space<vmem>>
      %dma_wait3A_1930 = arith.constant 0 : i32
      %dma_wait3A_1931 = tpu.memref_slice %arg5[%dma_wait3A_1930] : memref<1000000xf32, #tpu.memory_space<hbm>> -> memref<1000000xf32, #tpu.memory_space<hbm>>
      tpu.wait_indirect_dma semaphore(%arg16 : memref<!tpu.dma_semaphore, #tpu.memory_space<semaphore_mem>>) src(%dma_wait3A_1931 : memref<1000000xf32, #tpu.memory_space<hbm>>) dst(%dma_wait3A_1927 : memref<128xf32, #tpu.memory_space<vmem>>)
      %dma_wait3A_1932 = arith.constant 896 : i32
      %dma_wait3A_1933 = tpu.memref_slice %arg12[%dma_wait3A_1932] : memref<2048xf32, #tpu.memory_space<vmem>> -> memref<128xf32, #tpu.memory_space<vmem>>
      %dma_wait3A_1934 = arith.constant 896 : i32
      %dma_wait3A_1935 = tpu.memref_slice %arg11[%dma_wait3A_1934] : memref<1024xi32, #tpu.memory_space<vmem>> -> memref<128xi32, #tpu.memory_space<vmem>>
      %dma_wait3A_1936 = arith.constant 0 : i32
      %dma_wait3A_1937 = tpu.memref_slice %arg5[%dma_wait3A_1936] : memref<1000000xf32, #tpu.memory_space<hbm>> -> memref<1000000xf32, #tpu.memory_space<hbm>>
      tpu.wait_indirect_dma semaphore(%arg16 : memref<!tpu.dma_semaphore, #tpu.memory_space<semaphore_mem>>) src(%dma_wait3A_1937 : memref<1000000xf32, #tpu.memory_space<hbm>>) dst(%dma_wait3A_1933 : memref<128xf32, #tpu.memory_space<vmem>>)
      %dma_wait3A_1938 = arith.constant 1024 : i32
      %dma_wait3A_1939 = tpu.memref_slice %arg12[%dma_wait3A_1938] : memref<2048xf32, #tpu.memory_space<vmem>> -> memref<128xf32, #tpu.memory_space<vmem>>
      %dma_wait3A_1940 = arith.constant 0 : i32
      %dma_wait3A_1941 = tpu.memref_slice %arg11[%dma_wait3A_1940] : memref<1024xi32, #tpu.memory_space<vmem>> -> memref<128xi32, #tpu.memory_space<vmem>>
      %dma_wait3A_1942 = arith.constant 0 : i32
      %dma_wait3A_1943 = tpu.memref_slice %arg6[%dma_wait3A_1942] : memref<1000000xf32, #tpu.memory_space<hbm>> -> memref<1000000xf32, #tpu.memory_space<hbm>>
      tpu.wait_indirect_dma semaphore(%arg16 : memref<!tpu.dma_semaphore, #tpu.memory_space<semaphore_mem>>) src(%dma_wait3A_1943 : memref<1000000xf32, #tpu.memory_space<hbm>>) dst(%dma_wait3A_1939 : memref<128xf32, #tpu.memory_space<vmem>>)
      %dma_wait3A_1944 = arith.constant 1152 : i32
      %dma_wait3A_1945 = tpu.memref_slice %arg12[%dma_wait3A_1944] : memref<2048xf32, #tpu.memory_space<vmem>> -> memref<128xf32, #tpu.memory_space<vmem>>
      %dma_wait3A_1946 = arith.constant 128 : i32
      %dma_wait3A_1947 = tpu.memref_slice %arg11[%dma_wait3A_1946] : memref<1024xi32, #tpu.memory_space<vmem>> -> memref<128xi32, #tpu.memory_space<vmem>>
      %dma_wait3A_1948 = arith.constant 0 : i32
      %dma_wait3A_1949 = tpu.memref_slice %arg6[%dma_wait3A_1948] : memref<1000000xf32, #tpu.memory_space<hbm>> -> memref<1000000xf32, #tpu.memory_space<hbm>>
      tpu.wait_indirect_dma semaphore(%arg16 : memref<!tpu.dma_semaphore, #tpu.memory_space<semaphore_mem>>) src(%dma_wait3A_1949 : memref<1000000xf32, #tpu.memory_space<hbm>>) dst(%dma_wait3A_1945 : memref<128xf32, #tpu.memory_space<vmem>>)
      %dma_wait3A_1950 = arith.constant 1280 : i32
      %dma_wait3A_1951 = tpu.memref_slice %arg12[%dma_wait3A_1950] : memref<2048xf32, #tpu.memory_space<vmem>> -> memref<128xf32, #tpu.memory_space<vmem>>
      %dma_wait3A_1952 = arith.constant 256 : i32
      %dma_wait3A_1953 = tpu.memref_slice %arg11[%dma_wait3A_1952] : memref<1024xi32, #tpu.memory_space<vmem>> -> memref<128xi32, #tpu.memory_space<vmem>>
      %dma_wait3A_1954 = arith.constant 0 : i32
      %dma_wait3A_1955 = tpu.memref_slice %arg6[%dma_wait3A_1954] : memref<1000000xf32, #tpu.memory_space<hbm>> -> memref<1000000xf32, #tpu.memory_space<hbm>>
      tpu.wait_indirect_dma semaphore(%arg16 : memref<!tpu.dma_semaphore, #tpu.memory_space<semaphore_mem>>) src(%dma_wait3A_1955 : memref<1000000xf32, #tpu.memory_space<hbm>>) dst(%dma_wait3A_1951 : memref<128xf32, #tpu.memory_space<vmem>>)
      %dma_wait3A_1956 = arith.constant 1408 : i32
      %dma_wait3A_1957 = tpu.memref_slice %arg12[%dma_wait3A_1956] : memref<2048xf32, #tpu.memory_space<vmem>> -> memref<128xf32, #tpu.memory_space<vmem>>
      %dma_wait3A_1958 = arith.constant 384 : i32
      %dma_wait3A_1959 = tpu.memref_slice %arg11[%dma_wait3A_1958] : memref<1024xi32, #tpu.memory_space<vmem>> -> memref<128xi32, #tpu.memory_space<vmem>>
      %dma_wait3A_1960 = arith.constant 0 : i32
      %dma_wait3A_1961 = tpu.memref_slice %arg6[%dma_wait3A_1960] : memref<1000000xf32, #tpu.memory_space<hbm>> -> memref<1000000xf32, #tpu.memory_space<hbm>>
      tpu.wait_indirect_dma semaphore(%arg16 : memref<!tpu.dma_semaphore, #tpu.memory_space<semaphore_mem>>) src(%dma_wait3A_1961 : memref<1000000xf32, #tpu.memory_space<hbm>>) dst(%dma_wait3A_1957 : memref<128xf32, #tpu.memory_space<vmem>>)
      %dma_wait3A_1962 = arith.constant 1536 : i32
      %dma_wait3A_1963 = tpu.memref_slice %arg12[%dma_wait3A_1962] : memref<2048xf32, #tpu.memory_space<vmem>> -> memref<128xf32, #tpu.memory_space<vmem>>
      %dma_wait3A_1964 = arith.constant 512 : i32
      %dma_wait3A_1965 = tpu.memref_slice %arg11[%dma_wait3A_1964] : memref<1024xi32, #tpu.memory_space<vmem>> -> memref<128xi32, #tpu.memory_space<vmem>>
      %dma_wait3A_1966 = arith.constant 0 : i32
      %dma_wait3A_1967 = tpu.memref_slice %arg6[%dma_wait3A_1966] : memref<1000000xf32, #tpu.memory_space<hbm>> -> memref<1000000xf32, #tpu.memory_space<hbm>>
      tpu.wait_indirect_dma semaphore(%arg16 : memref<!tpu.dma_semaphore, #tpu.memory_space<semaphore_mem>>) src(%dma_wait3A_1967 : memref<1000000xf32, #tpu.memory_space<hbm>>) dst(%dma_wait3A_1963 : memref<128xf32, #tpu.memory_space<vmem>>)
      %dma_wait3A_1968 = arith.constant 1664 : i32
      %dma_wait3A_1969 = tpu.memref_slice %arg12[%dma_wait3A_1968] : memref<2048xf32, #tpu.memory_space<vmem>> -> memref<128xf32, #tpu.memory_space<vmem>>
      %dma_wait3A_1970 = arith.constant 640 : i32
      %dma_wait3A_1971 = tpu.memref_slice %arg11[%dma_wait3A_1970] : memref<1024xi32, #tpu.memory_space<vmem>> -> memref<128xi32, #tpu.memory_space<vmem>>
      %dma_wait3A_1972 = arith.constant 0 : i32
      %dma_wait3A_1973 = tpu.memref_slice %arg6[%dma_wait3A_1972] : memref<1000000xf32, #tpu.memory_space<hbm>> -> memref<1000000xf32, #tpu.memory_space<hbm>>
      tpu.wait_indirect_dma semaphore(%arg16 : memref<!tpu.dma_semaphore, #tpu.memory_space<semaphore_mem>>) src(%dma_wait3A_1973 : memref<1000000xf32, #tpu.memory_space<hbm>>) dst(%dma_wait3A_1969 : memref<128xf32, #tpu.memory_space<vmem>>)
      %dma_wait3A_1974 = arith.constant 1792 : i32
      %dma_wait3A_1975 = tpu.memref_slice %arg12[%dma_wait3A_1974] : memref<2048xf32, #tpu.memory_space<vmem>> -> memref<128xf32, #tpu.memory_space<vmem>>
      %dma_wait3A_1976 = arith.constant 768 : i32
      %dma_wait3A_1977 = tpu.memref_slice %arg11[%dma_wait3A_1976] : memref<1024xi32, #tpu.memory_space<vmem>> -> memref<128xi32, #tpu.memory_space<vmem>>
      %dma_wait3A_1978 = arith.constant 0 : i32
      %dma_wait3A_1979 = tpu.memref_slice %arg6[%dma_wait3A_1978] : memref<1000000xf32, #tpu.memory_space<hbm>> -> memref<1000000xf32, #tpu.memory_space<hbm>>
      tpu.wait_indirect_dma semaphore(%arg16 : memref<!tpu.dma_semaphore, #tpu.memory_space<semaphore_mem>>) src(%dma_wait3A_1979 : memref<1000000xf32, #tpu.memory_space<hbm>>) dst(%dma_wait3A_1975 : memref<128xf32, #tpu.memory_space<vmem>>)
      %dma_wait3A_1980 = arith.constant 1920 : i32
      %dma_wait3A_1981 = tpu.memref_slice %arg12[%dma_wait3A_1980] : memref<2048xf32, #tpu.memory_space<vmem>> -> memref<128xf32, #tpu.memory_space<vmem>>
      %dma_wait3A_1982 = arith.constant 896 : i32
      %dma_wait3A_1983 = tpu.memref_slice %arg11[%dma_wait3A_1982] : memref<1024xi32, #tpu.memory_space<vmem>> -> memref<128xi32, #tpu.memory_space<vmem>>
      %dma_wait3A_1984 = arith.constant 0 : i32
      %dma_wait3A_1985 = tpu.memref_slice %arg6[%dma_wait3A_1984] : memref<1000000xf32, #tpu.memory_space<hbm>> -> memref<1000000xf32, #tpu.memory_space<hbm>>
      tpu.wait_indirect_dma semaphore(%arg16 : memref<!tpu.dma_semaphore, #tpu.memory_space<semaphore_mem>>) src(%dma_wait3A_1985 : memref<1000000xf32, #tpu.memory_space<hbm>>) dst(%dma_wait3A_1981 : memref<128xf32, #tpu.memory_space<vmem>>)
    } else {
    }
    %broadcast_in_dim3A = arith.constant 0.000000e+00 : f32
    %broadcast_in_dim3A_8 = vector.broadcast %broadcast_in_dim3A : f32 to vector<16xf32>
    %get3A = arith.constant 0 : index
    %get3A_9 = tpu.vector_load %arg12[%get3A] {strides = array<i32>} : memref<2048xf32, #tpu.memory_space<vmem>>, vector<16xf32>,
    %get3A_10 = vector.shape_cast %get3A_9 : vector<16xf32> to vector<16xf32>
    %add3A = arith.addf %broadcast_in_dim3A_8, %get3A_10 : vector<16xf32>
    %get3A_11 = arith.constant 16 : index
    %get3A_12 = tpu.vector_load %arg12[%get3A_11] {strides = array<i32>} : memref<2048xf32, #tpu.memory_space<vmem>>, vector<16xf32>,
    %get3A_13 = vector.shape_cast %get3A_12 : vector<16xf32> to vector<16xf32>
    %add3A_14 = arith.addf %add3A, %get3A_13 : vector<16xf32>
    %get3A_15 = arith.constant 32 : index
    %get3A_16 = tpu.vector_load %arg12[%get3A_15] {strides = array<i32>} : memref<2048xf32, #tpu.memory_space<vmem>>, vector<16xf32>,
    %get3A_17 = vector.shape_cast %get3A_16 : vector<16xf32> to vector<16xf32>
    %add3A_18 = arith.addf %add3A_14, %get3A_17 : vector<16xf32>
    %get3A_19 = arith.constant 48 : index
    %get3A_20 = tpu.vector_load %arg12[%get3A_19] {strides = array<i32>} : memref<2048xf32, #tpu.memory_space<vmem>>, vector<16xf32>,
    %get3A_21 = vector.shape_cast %get3A_20 : vector<16xf32> to vector<16xf32>
    %add3A_22 = arith.addf %add3A_18, %get3A_21 : vector<16xf32>
    %get3A_23 = arith.constant 64 : index
    %get3A_24 = tpu.vector_load %arg12[%get3A_23] {strides = array<i32>} : memref<2048xf32, #tpu.memory_space<vmem>>, vector<16xf32>,
    %get3A_25 = vector.shape_cast %get3A_24 : vector<16xf32> to vector<16xf32>
    %add3A_26 = arith.addf %add3A_22, %get3A_25 : vector<16xf32>
    %get3A_27 = arith.constant 80 : index
    %get3A_28 = tpu.vector_load %arg12[%get3A_27] {strides = array<i32>} : memref<2048xf32, #tpu.memory_space<vmem>>, vector<16xf32>,
    %get3A_29 = vector.shape_cast %get3A_28 : vector<16xf32> to vector<16xf32>
    %add3A_30 = arith.addf %add3A_26, %get3A_29 : vector<16xf32>
    %get3A_31 = arith.constant 96 : index
    %get3A_32 = tpu.vector_load %arg12[%get3A_31] {strides = array<i32>} : memref<2048xf32, #tpu.memory_space<vmem>>, vector<16xf32>,
    %get3A_33 = vector.shape_cast %get3A_32 : vector<16xf32> to vector<16xf32>
    %add3A_34 = arith.addf %add3A_30, %get3A_33 : vector<16xf32>
    %get3A_35 = arith.constant 112 : index
    %get3A_36 = tpu.vector_load %arg12[%get3A_35] {strides = array<i32>} : memref<2048xf32, #tpu.memory_space<vmem>>, vector<16xf32>,
    %get3A_37 = vector.shape_cast %get3A_36 : vector<16xf32> to vector<16xf32>
    %add3A_38 = arith.addf %add3A_34, %get3A_37 : vector<16xf32>
    %get3A_39 = arith.constant 128 : index
    %get3A_40 = tpu.vector_load %arg12[%get3A_39] {strides = array<i32>} : memref<2048xf32, #tpu.memory_space<vmem>>, vector<16xf32>,
    %get3A_41 = vector.shape_cast %get3A_40 : vector<16xf32> to vector<16xf32>
    %add3A_42 = arith.addf %add3A_38, %get3A_41 : vector<16xf32>
    %get3A_43 = arith.constant 144 : index
    %get3A_44 = tpu.vector_load %arg12[%get3A_43] {strides = array<i32>} : memref<2048xf32, #tpu.memory_space<vmem>>, vector<16xf32>,
    %get3A_45 = vector.shape_cast %get3A_44 : vector<16xf32> to vector<16xf32>
    %add3A_46 = arith.addf %add3A_42, %get3A_45 : vector<16xf32>
    %get3A_47 = arith.constant 160 : index
    %get3A_48 = tpu.vector_load %arg12[%get3A_47] {strides = array<i32>} : memref<2048xf32, #tpu.memory_space<vmem>>, vector<16xf32>,
    %get3A_49 = vector.shape_cast %get3A_48 : vector<16xf32> to vector<16xf32>
    %add3A_50 = arith.addf %add3A_46, %get3A_49 : vector<16xf32>
    %get3A_51 = arith.constant 176 : index
    %get3A_52 = tpu.vector_load %arg12[%get3A_51] {strides = array<i32>} : memref<2048xf32, #tpu.memory_space<vmem>>, vector<16xf32>,
    %get3A_53 = vector.shape_cast %get3A_52 : vector<16xf32> to vector<16xf32>
    %add3A_54 = arith.addf %add3A_50, %get3A_53 : vector<16xf32>
    %get3A_55 = arith.constant 192 : index
    %get3A_56 = tpu.vector_load %arg12[%get3A_55] {strides = array<i32>} : memref<2048xf32, #tpu.memory_space<vmem>>, vector<16xf32>,
    %get3A_57 = vector.shape_cast %get3A_56 : vector<16xf32> to vector<16xf32>
    %add3A_58 = arith.addf %add3A_54, %get3A_57 : vector<16xf32>
    %get3A_59 = arith.constant 208 : index
    %get3A_60 = tpu.vector_load %arg12[%get3A_59] {strides = array<i32>} : memref<2048xf32, #tpu.memory_space<vmem>>, vector<16xf32>,
    %get3A_61 = vector.shape_cast %get3A_60 : vector<16xf32> to vector<16xf32>
    %add3A_62 = arith.addf %add3A_58, %get3A_61 : vector<16xf32>
    %get3A_63 = arith.constant 224 : index
    %get3A_64 = tpu.vector_load %arg12[%get3A_63] {strides = array<i32>} : memref<2048xf32, #tpu.memory_space<vmem>>, vector<16xf32>,
    %get3A_65 = vector.shape_cast %get3A_64 : vector<16xf32> to vector<16xf32>
    %add3A_66 = arith.addf %add3A_62, %get3A_65 : vector<16xf32>
    %get3A_67 = arith.constant 240 : index
    %get3A_68 = tpu.vector_load %arg12[%get3A_67] {strides = array<i32>} : memref<2048xf32, #tpu.memory_space<vmem>>, vector<16xf32>,
    %get3A_69 = vector.shape_cast %get3A_68 : vector<16xf32> to vector<16xf32>
    %add3A_70 = arith.addf %add3A_66, %get3A_69 : vector<16xf32>
    %get3A_71 = arith.constant 256 : index
    %get3A_72 = tpu.vector_load %arg12[%get3A_71] {strides = array<i32>} : memref<2048xf32, #tpu.memory_space<vmem>>, vector<16xf32>,
    %get3A_73 = vector.shape_cast %get3A_72 : vector<16xf32> to vector<16xf32>
    %add3A_74 = arith.addf %add3A_70, %get3A_73 : vector<16xf32>
    %get3A_75 = arith.constant 272 : index
    %get3A_76 = tpu.vector_load %arg12[%get3A_75] {strides = array<i32>} : memref<2048xf32, #tpu.memory_space<vmem>>, vector<16xf32>,
    %get3A_77 = vector.shape_cast %get3A_76 : vector<16xf32> to vector<16xf32>
    %add3A_78 = arith.addf %add3A_74, %get3A_77 : vector<16xf32>
    %get3A_79 = arith.constant 288 : index
    %get3A_80 = tpu.vector_load %arg12[%get3A_79] {strides = array<i32>} : memref<2048xf32, #tpu.memory_space<vmem>>, vector<16xf32>,
    %get3A_81 = vector.shape_cast %get3A_80 : vector<16xf32> to vector<16xf32>
    %add3A_82 = arith.addf %add3A_78, %get3A_81 : vector<16xf32>
    %get3A_83 = arith.constant 304 : index
    %get3A_84 = tpu.vector_load %arg12[%get3A_83] {strides = array<i32>} : memref<2048xf32, #tpu.memory_space<vmem>>, vector<16xf32>,
    %get3A_85 = vector.shape_cast %get3A_84 : vector<16xf32> to vector<16xf32>
    %add3A_86 = arith.addf %add3A_82, %get3A_85 : vector<16xf32>
    %get3A_87 = arith.constant 320 : index
    %get3A_88 = tpu.vector_load %arg12[%get3A_87] {strides = array<i32>} : memref<2048xf32, #tpu.memory_space<vmem>>, vector<16xf32>,
    %get3A_89 = vector.shape_cast %get3A_88 : vector<16xf32> to vector<16xf32>
    %add3A_90 = arith.addf %add3A_86, %get3A_89 : vector<16xf32>
    %get3A_91 = arith.constant 336 : index
    %get3A_92 = tpu.vector_load %arg12[%get3A_91] {strides = array<i32>} : memref<2048xf32, #tpu.memory_space<vmem>>, vector<16xf32>,
    %get3A_93 = vector.shape_cast %get3A_92 : vector<16xf32> to vector<16xf32>
    %add3A_94 = arith.addf %add3A_90, %get3A_93 : vector<16xf32>
    %get3A_95 = arith.constant 352 : index
    %get3A_96 = tpu.vector_load %arg12[%get3A_95] {strides = array<i32>} : memref<2048xf32, #tpu.memory_space<vmem>>, vector<16xf32>,
    %get3A_97 = vector.shape_cast %get3A_96 : vector<16xf32> to vector<16xf32>
    %add3A_98 = arith.addf %add3A_94, %get3A_97 : vector<16xf32>
    %get3A_99 = arith.constant 368 : index
    %get3A_100 = tpu.vector_load %arg12[%get3A_99] {strides = array<i32>} : memref<2048xf32, #tpu.memory_space<vmem>>, vector<16xf32>,
    %get3A_101 = vector.shape_cast %get3A_100 : vector<16xf32> to vector<16xf32>
    %add3A_102 = arith.addf %add3A_98, %get3A_101 : vector<16xf32>
    %get3A_103 = arith.constant 384 : index
    %get3A_104 = tpu.vector_load %arg12[%get3A_103] {strides = array<i32>} : memref<2048xf32, #tpu.memory_space<vmem>>, vector<16xf32>,
    %get3A_105 = vector.shape_cast %get3A_104 : vector<16xf32> to vector<16xf32>
    %add3A_106 = arith.addf %add3A_102, %get3A_105 : vector<16xf32>
    %get3A_107 = arith.constant 400 : index
    %get3A_108 = tpu.vector_load %arg12[%get3A_107] {strides = array<i32>} : memref<2048xf32, #tpu.memory_space<vmem>>, vector<16xf32>,
    %get3A_109 = vector.shape_cast %get3A_108 : vector<16xf32> to vector<16xf32>
    %add3A_110 = arith.addf %add3A_106, %get3A_109 : vector<16xf32>
    %get3A_111 = arith.constant 416 : index
    %get3A_112 = tpu.vector_load %arg12[%get3A_111] {strides = array<i32>} : memref<2048xf32, #tpu.memory_space<vmem>>, vector<16xf32>,
    %get3A_113 = vector.shape_cast %get3A_112 : vector<16xf32> to vector<16xf32>
    %add3A_114 = arith.addf %add3A_110, %get3A_113 : vector<16xf32>
    %get3A_115 = arith.constant 432 : index
    %get3A_116 = tpu.vector_load %arg12[%get3A_115] {strides = array<i32>} : memref<2048xf32, #tpu.memory_space<vmem>>, vector<16xf32>,
    %get3A_117 = vector.shape_cast %get3A_116 : vector<16xf32> to vector<16xf32>
    %add3A_118 = arith.addf %add3A_114, %get3A_117 : vector<16xf32>
    %get3A_119 = arith.constant 448 : index
    %get3A_120 = tpu.vector_load %arg12[%get3A_119] {strides = array<i32>} : memref<2048xf32, #tpu.memory_space<vmem>>, vector<16xf32>,
    %get3A_121 = vector.shape_cast %get3A_120 : vector<16xf32> to vector<16xf32>
    %add3A_122 = arith.addf %add3A_118, %get3A_121 : vector<16xf32>
    %get3A_123 = arith.constant 464 : index
    %get3A_124 = tpu.vector_load %arg12[%get3A_123] {strides = array<i32>} : memref<2048xf32, #tpu.memory_space<vmem>>, vector<16xf32>,
    %get3A_125 = vector.shape_cast %get3A_124 : vector<16xf32> to vector<16xf32>
    %add3A_126 = arith.addf %add3A_122, %get3A_125 : vector<16xf32>
    %get3A_127 = arith.constant 480 : index
    %get3A_128 = tpu.vector_load %arg12[%get3A_127] {strides = array<i32>} : memref<2048xf32, #tpu.memory_space<vmem>>, vector<16xf32>,
    %get3A_129 = vector.shape_cast %get3A_128 : vector<16xf32> to vector<16xf32>
    %add3A_130 = arith.addf %add3A_126, %get3A_129 : vector<16xf32>
    %get3A_131 = arith.constant 496 : index
    %get3A_132 = tpu.vector_load %arg12[%get3A_131] {strides = array<i32>} : memref<2048xf32, #tpu.memory_space<vmem>>, vector<16xf32>,
    %get3A_133 = vector.shape_cast %get3A_132 : vector<16xf32> to vector<16xf32>
    %add3A_134 = arith.addf %add3A_130, %get3A_133 : vector<16xf32>
    %get3A_135 = arith.constant 512 : index
    %get3A_136 = tpu.vector_load %arg12[%get3A_135] {strides = array<i32>} : memref<2048xf32, #tpu.memory_space<vmem>>, vector<16xf32>,
    %get3A_137 = vector.shape_cast %get3A_136 : vector<16xf32> to vector<16xf32>
    %add3A_138 = arith.addf %add3A_134, %get3A_137 : vector<16xf32>
    %get3A_139 = arith.constant 528 : index
    %get3A_140 = tpu.vector_load %arg12[%get3A_139] {strides = array<i32>} : memref<2048xf32, #tpu.memory_space<vmem>>, vector<16xf32>,
    %get3A_141 = vector.shape_cast %get3A_140 : vector<16xf32> to vector<16xf32>
    %add3A_142 = arith.addf %add3A_138, %get3A_141 : vector<16xf32>
    %get3A_143 = arith.constant 544 : index
    %get3A_144 = tpu.vector_load %arg12[%get3A_143] {strides = array<i32>} : memref<2048xf32, #tpu.memory_space<vmem>>, vector<16xf32>,
    %get3A_145 = vector.shape_cast %get3A_144 : vector<16xf32> to vector<16xf32>
    %add3A_146 = arith.addf %add3A_142, %get3A_145 : vector<16xf32>
    %get3A_147 = arith.constant 560 : index
    %get3A_148 = tpu.vector_load %arg12[%get3A_147] {strides = array<i32>} : memref<2048xf32, #tpu.memory_space<vmem>>, vector<16xf32>,
    %get3A_149 = vector.shape_cast %get3A_148 : vector<16xf32> to vector<16xf32>
    %add3A_150 = arith.addf %add3A_146, %get3A_149 : vector<16xf32>
    %get3A_151 = arith.constant 576 : index
    %get3A_152 = tpu.vector_load %arg12[%get3A_151] {strides = array<i32>} : memref<2048xf32, #tpu.memory_space<vmem>>, vector<16xf32>,
    %get3A_153 = vector.shape_cast %get3A_152 : vector<16xf32> to vector<16xf32>
    %add3A_154 = arith.addf %add3A_150, %get3A_153 : vector<16xf32>
    %get3A_155 = arith.constant 592 : index
    %get3A_156 = tpu.vector_load %arg12[%get3A_155] {strides = array<i32>} : memref<2048xf32, #tpu.memory_space<vmem>>, vector<16xf32>,
    %get3A_157 = vector.shape_cast %get3A_156 : vector<16xf32> to vector<16xf32>
    %add3A_158 = arith.addf %add3A_154, %get3A_157 : vector<16xf32>
    %get3A_159 = arith.constant 608 : index
    %get3A_160 = tpu.vector_load %arg12[%get3A_159] {strides = array<i32>} : memref<2048xf32, #tpu.memory_space<vmem>>, vector<16xf32>,
    %get3A_161 = vector.shape_cast %get3A_160 : vector<16xf32> to vector<16xf32>
    %add3A_162 = arith.addf %add3A_158, %get3A_161 : vector<16xf32>
    %get3A_163 = arith.constant 624 : index
    %get3A_164 = tpu.vector_load %arg12[%get3A_163] {strides = array<i32>} : memref<2048xf32, #tpu.memory_space<vmem>>, vector<16xf32>,
    %get3A_165 = vector.shape_cast %get3A_164 : vector<16xf32> to vector<16xf32>
    %add3A_166 = arith.addf %add3A_162, %get3A_165 : vector<16xf32>
    %get3A_167 = arith.constant 640 : index
    %get3A_168 = tpu.vector_load %arg12[%get3A_167] {strides = array<i32>} : memref<2048xf32, #tpu.memory_space<vmem>>, vector<16xf32>,
    %get3A_169 = vector.shape_cast %get3A_168 : vector<16xf32> to vector<16xf32>
    %add3A_170 = arith.addf %add3A_166, %get3A_169 : vector<16xf32>
    %get3A_171 = arith.constant 656 : index
    %get3A_172 = tpu.vector_load %arg12[%get3A_171] {strides = array<i32>} : memref<2048xf32, #tpu.memory_space<vmem>>, vector<16xf32>,
    %get3A_173 = vector.shape_cast %get3A_172 : vector<16xf32> to vector<16xf32>
    %add3A_174 = arith.addf %add3A_170, %get3A_173 : vector<16xf32>
    %get3A_175 = arith.constant 672 : index
    %get3A_176 = tpu.vector_load %arg12[%get3A_175] {strides = array<i32>} : memref<2048xf32, #tpu.memory_space<vmem>>, vector<16xf32>,
    %get3A_177 = vector.shape_cast %get3A_176 : vector<16xf32> to vector<16xf32>
    %add3A_178 = arith.addf %add3A_174, %get3A_177 : vector<16xf32>
    %get3A_179 = arith.constant 688 : index
    %get3A_180 = tpu.vector_load %arg12[%get3A_179] {strides = array<i32>} : memref<2048xf32, #tpu.memory_space<vmem>>, vector<16xf32>,
    %get3A_181 = vector.shape_cast %get3A_180 : vector<16xf32> to vector<16xf32>
    %add3A_182 = arith.addf %add3A_178, %get3A_181 : vector<16xf32>
    %get3A_183 = arith.constant 704 : index
    %get3A_184 = tpu.vector_load %arg12[%get3A_183] {strides = array<i32>} : memref<2048xf32, #tpu.memory_space<vmem>>, vector<16xf32>,
    %get3A_185 = vector.shape_cast %get3A_184 : vector<16xf32> to vector<16xf32>
    %add3A_186 = arith.addf %add3A_182, %get3A_185 : vector<16xf32>
    %get3A_187 = arith.constant 720 : index
    %get3A_188 = tpu.vector_load %arg12[%get3A_187] {strides = array<i32>} : memref<2048xf32, #tpu.memory_space<vmem>>, vector<16xf32>,
    %get3A_189 = vector.shape_cast %get3A_188 : vector<16xf32> to vector<16xf32>
    %add3A_190 = arith.addf %add3A_186, %get3A_189 : vector<16xf32>
    %get3A_191 = arith.constant 736 : index
    %get3A_192 = tpu.vector_load %arg12[%get3A_191] {strides = array<i32>} : memref<2048xf32, #tpu.memory_space<vmem>>, vector<16xf32>,
    %get3A_193 = vector.shape_cast %get3A_192 : vector<16xf32> to vector<16xf32>
    %add3A_194 = arith.addf %add3A_190, %get3A_193 : vector<16xf32>
    %get3A_195 = arith.constant 752 : index
    %get3A_196 = tpu.vector_load %arg12[%get3A_195] {strides = array<i32>} : memref<2048xf32, #tpu.memory_space<vmem>>, vector<16xf32>,
    %get3A_197 = vector.shape_cast %get3A_196 : vector<16xf32> to vector<16xf32>
    %add3A_198 = arith.addf %add3A_194, %get3A_197 : vector<16xf32>
    %get3A_199 = arith.constant 768 : index
    %get3A_200 = tpu.vector_load %arg12[%get3A_199] {strides = array<i32>} : memref<2048xf32, #tpu.memory_space<vmem>>, vector<16xf32>,
    %get3A_201 = vector.shape_cast %get3A_200 : vector<16xf32> to vector<16xf32>
    %add3A_202 = arith.addf %add3A_198, %get3A_201 : vector<16xf32>
    %get3A_203 = arith.constant 784 : index
    %get3A_204 = tpu.vector_load %arg12[%get3A_203] {strides = array<i32>} : memref<2048xf32, #tpu.memory_space<vmem>>, vector<16xf32>,
    %get3A_205 = vector.shape_cast %get3A_204 : vector<16xf32> to vector<16xf32>
    %add3A_206 = arith.addf %add3A_202, %get3A_205 : vector<16xf32>
    %get3A_207 = arith.constant 800 : index
    %get3A_208 = tpu.vector_load %arg12[%get3A_207] {strides = array<i32>} : memref<2048xf32, #tpu.memory_space<vmem>>, vector<16xf32>,
    %get3A_209 = vector.shape_cast %get3A_208 : vector<16xf32> to vector<16xf32>
    %add3A_210 = arith.addf %add3A_206, %get3A_209 : vector<16xf32>
    %get3A_211 = arith.constant 816 : index
    %get3A_212 = tpu.vector_load %arg12[%get3A_211] {strides = array<i32>} : memref<2048xf32, #tpu.memory_space<vmem>>, vector<16xf32>,
    %get3A_213 = vector.shape_cast %get3A_212 : vector<16xf32> to vector<16xf32>
    %add3A_214 = arith.addf %add3A_210, %get3A_213 : vector<16xf32>
    %get3A_215 = arith.constant 832 : index
    %get3A_216 = tpu.vector_load %arg12[%get3A_215] {strides = array<i32>} : memref<2048xf32, #tpu.memory_space<vmem>>, vector<16xf32>,
    %get3A_217 = vector.shape_cast %get3A_216 : vector<16xf32> to vector<16xf32>
    %add3A_218 = arith.addf %add3A_214, %get3A_217 : vector<16xf32>
    %get3A_219 = arith.constant 848 : index
    %get3A_220 = tpu.vector_load %arg12[%get3A_219] {strides = array<i32>} : memref<2048xf32, #tpu.memory_space<vmem>>, vector<16xf32>,
    %get3A_221 = vector.shape_cast %get3A_220 : vector<16xf32> to vector<16xf32>
    %add3A_222 = arith.addf %add3A_218, %get3A_221 : vector<16xf32>
    %get3A_223 = arith.constant 864 : index
    %get3A_224 = tpu.vector_load %arg12[%get3A_223] {strides = array<i32>} : memref<2048xf32, #tpu.memory_space<vmem>>, vector<16xf32>,
    %get3A_225 = vector.shape_cast %get3A_224 : vector<16xf32> to vector<16xf32>
    %add3A_226 = arith.addf %add3A_222, %get3A_225 : vector<16xf32>
    %get3A_227 = arith.constant 880 : index
    %get3A_228 = tpu.vector_load %arg12[%get3A_227] {strides = array<i32>} : memref<2048xf32, #tpu.memory_space<vmem>>, vector<16xf32>,
    %get3A_229 = vector.shape_cast %get3A_228 : vector<16xf32> to vector<16xf32>
    %add3A_230 = arith.addf %add3A_226, %get3A_229 : vector<16xf32>
    %get3A_231 = arith.constant 896 : index
    %get3A_232 = tpu.vector_load %arg12[%get3A_231] {strides = array<i32>} : memref<2048xf32, #tpu.memory_space<vmem>>, vector<16xf32>,
    %get3A_233 = vector.shape_cast %get3A_232 : vector<16xf32> to vector<16xf32>
    %add3A_234 = arith.addf %add3A_230, %get3A_233 : vector<16xf32>
    %get3A_235 = arith.constant 912 : index
    %get3A_236 = tpu.vector_load %arg12[%get3A_235] {strides = array<i32>} : memref<2048xf32, #tpu.memory_space<vmem>>, vector<16xf32>,
    %get3A_237 = vector.shape_cast %get3A_236 : vector<16xf32> to vector<16xf32>
    %add3A_238 = arith.addf %add3A_234, %get3A_237 : vector<16xf32>
    %get3A_239 = arith.constant 928 : index
    %get3A_240 = tpu.vector_load %arg12[%get3A_239] {strides = array<i32>} : memref<2048xf32, #tpu.memory_space<vmem>>, vector<16xf32>,
    %get3A_241 = vector.shape_cast %get3A_240 : vector<16xf32> to vector<16xf32>
    %add3A_242 = arith.addf %add3A_238, %get3A_241 : vector<16xf32>
    %get3A_243 = arith.constant 944 : index
    %get3A_244 = tpu.vector_load %arg12[%get3A_243] {strides = array<i32>} : memref<2048xf32, #tpu.memory_space<vmem>>, vector<16xf32>,
    %get3A_245 = vector.shape_cast %get3A_244 : vector<16xf32> to vector<16xf32>
    %add3A_246 = arith.addf %add3A_242, %get3A_245 : vector<16xf32>
    %get3A_247 = arith.constant 960 : index
    %get3A_248 = tpu.vector_load %arg12[%get3A_247] {strides = array<i32>} : memref<2048xf32, #tpu.memory_space<vmem>>, vector<16xf32>,
    %get3A_249 = vector.shape_cast %get3A_248 : vector<16xf32> to vector<16xf32>
    %add3A_250 = arith.addf %add3A_246, %get3A_249 : vector<16xf32>
    %get3A_251 = arith.constant 976 : index
    %get3A_252 = tpu.vector_load %arg12[%get3A_251] {strides = array<i32>} : memref<2048xf32, #tpu.memory_space<vmem>>, vector<16xf32>,
    %get3A_253 = vector.shape_cast %get3A_252 : vector<16xf32> to vector<16xf32>
    %add3A_254 = arith.addf %add3A_250, %get3A_253 : vector<16xf32>
    %get3A_255 = arith.constant 992 : index
    %get3A_256 = tpu.vector_load %arg12[%get3A_255] {strides = array<i32>} : memref<2048xf32, #tpu.memory_space<vmem>>, vector<16xf32>,
    %get3A_257 = vector.shape_cast %get3A_256 : vector<16xf32> to vector<16xf32>
    %add3A_258 = arith.addf %add3A_254, %get3A_257 : vector<16xf32>
    %get3A_259 = arith.constant 1008 : index
    %get3A_260 = tpu.vector_load %arg12[%get3A_259] {strides = array<i32>} : memref<2048xf32, #tpu.memory_space<vmem>>, vector<16xf32>,
    %get3A_261 = vector.shape_cast %get3A_260 : vector<16xf32> to vector<16xf32>
    %add3A_262 = arith.addf %add3A_258, %get3A_261 : vector<16xf32>
    %get3A_263 = arith.constant 1024 : index
    %get3A_264 = tpu.vector_load %arg12[%get3A_263] {strides = array<i32>} : memref<2048xf32, #tpu.memory_space<vmem>>, vector<16xf32>,
    %get3A_265 = vector.shape_cast %get3A_264 : vector<16xf32> to vector<16xf32>
    %add3A_266 = arith.addf %add3A_262, %get3A_265 : vector<16xf32>
    %get3A_267 = arith.constant 1040 : index
    %get3A_268 = tpu.vector_load %arg12[%get3A_267] {strides = array<i32>} : memref<2048xf32, #tpu.memory_space<vmem>>, vector<16xf32>,
    %get3A_269 = vector.shape_cast %get3A_268 : vector<16xf32> to vector<16xf32>
    %add3A_270 = arith.addf %add3A_266, %get3A_269 : vector<16xf32>
    %get3A_271 = arith.constant 1056 : index
    %get3A_272 = tpu.vector_load %arg12[%get3A_271] {strides = array<i32>} : memref<2048xf32, #tpu.memory_space<vmem>>, vector<16xf32>,
    %get3A_273 = vector.shape_cast %get3A_272 : vector<16xf32> to vector<16xf32>
    %add3A_274 = arith.addf %add3A_270, %get3A_273 : vector<16xf32>
    %get3A_275 = arith.constant 1072 : index
    %get3A_276 = tpu.vector_load %arg12[%get3A_275] {strides = array<i32>} : memref<2048xf32, #tpu.memory_space<vmem>>, vector<16xf32>,
    %get3A_277 = vector.shape_cast %get3A_276 : vector<16xf32> to vector<16xf32>
    %add3A_278 = arith.addf %add3A_274, %get3A_277 : vector<16xf32>
    %get3A_279 = arith.constant 1088 : index
    %get3A_280 = tpu.vector_load %arg12[%get3A_279] {strides = array<i32>} : memref<2048xf32, #tpu.memory_space<vmem>>, vector<16xf32>,
    %get3A_281 = vector.shape_cast %get3A_280 : vector<16xf32> to vector<16xf32>
    %add3A_282 = arith.addf %add3A_278, %get3A_281 : vector<16xf32>
    %get3A_283 = arith.constant 1104 : index
    %get3A_284 = tpu.vector_load %arg12[%get3A_283] {strides = array<i32>} : memref<2048xf32, #tpu.memory_space<vmem>>, vector<16xf32>,
    %get3A_285 = vector.shape_cast %get3A_284 : vector<16xf32> to vector<16xf32>
    %add3A_286 = arith.addf %add3A_282, %get3A_285 : vector<16xf32>
    %get3A_287 = arith.constant 1120 : index
    %get3A_288 = tpu.vector_load %arg12[%get3A_287] {strides = array<i32>} : memref<2048xf32, #tpu.memory_space<vmem>>, vector<16xf32>,
    %get3A_289 = vector.shape_cast %get3A_288 : vector<16xf32> to vector<16xf32>
    %add3A_290 = arith.addf %add3A_286, %get3A_289 : vector<16xf32>
    %get3A_291 = arith.constant 1136 : index
    %get3A_292 = tpu.vector_load %arg12[%get3A_291] {strides = array<i32>} : memref<2048xf32, #tpu.memory_space<vmem>>, vector<16xf32>,
    %get3A_293 = vector.shape_cast %get3A_292 : vector<16xf32> to vector<16xf32>
    %add3A_294 = arith.addf %add3A_290, %get3A_293 : vector<16xf32>
    %get3A_295 = arith.constant 1152 : index
    %get3A_296 = tpu.vector_load %arg12[%get3A_295] {strides = array<i32>} : memref<2048xf32, #tpu.memory_space<vmem>>, vector<16xf32>,
    %get3A_297 = vector.shape_cast %get3A_296 : vector<16xf32> to vector<16xf32>
    %add3A_298 = arith.addf %add3A_294, %get3A_297 : vector<16xf32>
    %get3A_299 = arith.constant 1168 : index
    %get3A_300 = tpu.vector_load %arg12[%get3A_299] {strides = array<i32>} : memref<2048xf32, #tpu.memory_space<vmem>>, vector<16xf32>,
    %get3A_301 = vector.shape_cast %get3A_300 : vector<16xf32> to vector<16xf32>
    %add3A_302 = arith.addf %add3A_298, %get3A_301 : vector<16xf32>
    %get3A_303 = arith.constant 1184 : index
    %get3A_304 = tpu.vector_load %arg12[%get3A_303] {strides = array<i32>} : memref<2048xf32, #tpu.memory_space<vmem>>, vector<16xf32>,
    %get3A_305 = vector.shape_cast %get3A_304 : vector<16xf32> to vector<16xf32>
    %add3A_306 = arith.addf %add3A_302, %get3A_305 : vector<16xf32>
    %get3A_307 = arith.constant 1200 : index
    %get3A_308 = tpu.vector_load %arg12[%get3A_307] {strides = array<i32>} : memref<2048xf32, #tpu.memory_space<vmem>>, vector<16xf32>,
    %get3A_309 = vector.shape_cast %get3A_308 : vector<16xf32> to vector<16xf32>
    %add3A_310 = arith.addf %add3A_306, %get3A_309 : vector<16xf32>
    %get3A_311 = arith.constant 1216 : index
    %get3A_312 = tpu.vector_load %arg12[%get3A_311] {strides = array<i32>} : memref<2048xf32, #tpu.memory_space<vmem>>, vector<16xf32>,
    %get3A_313 = vector.shape_cast %get3A_312 : vector<16xf32> to vector<16xf32>
    %add3A_314 = arith.addf %add3A_310, %get3A_313 : vector<16xf32>
    %get3A_315 = arith.constant 1232 : index
    %get3A_316 = tpu.vector_load %arg12[%get3A_315] {strides = array<i32>} : memref<2048xf32, #tpu.memory_space<vmem>>, vector<16xf32>,
    %get3A_317 = vector.shape_cast %get3A_316 : vector<16xf32> to vector<16xf32>
    %add3A_318 = arith.addf %add3A_314, %get3A_317 : vector<16xf32>
    %get3A_319 = arith.constant 1248 : index
    %get3A_320 = tpu.vector_load %arg12[%get3A_319] {strides = array<i32>} : memref<2048xf32, #tpu.memory_space<vmem>>, vector<16xf32>,
    %get3A_321 = vector.shape_cast %get3A_320 : vector<16xf32> to vector<16xf32>
    %add3A_322 = arith.addf %add3A_318, %get3A_321 : vector<16xf32>
    %get3A_323 = arith.constant 1264 : index
    %get3A_324 = tpu.vector_load %arg12[%get3A_323] {strides = array<i32>} : memref<2048xf32, #tpu.memory_space<vmem>>, vector<16xf32>,
    %get3A_325 = vector.shape_cast %get3A_324 : vector<16xf32> to vector<16xf32>
    %add3A_326 = arith.addf %add3A_322, %get3A_325 : vector<16xf32>
    %get3A_327 = arith.constant 1280 : index
    %get3A_328 = tpu.vector_load %arg12[%get3A_327] {strides = array<i32>} : memref<2048xf32, #tpu.memory_space<vmem>>, vector<16xf32>,
    %get3A_329 = vector.shape_cast %get3A_328 : vector<16xf32> to vector<16xf32>
    %add3A_330 = arith.addf %add3A_326, %get3A_329 : vector<16xf32>
    %get3A_331 = arith.constant 1296 : index
    %get3A_332 = tpu.vector_load %arg12[%get3A_331] {strides = array<i32>} : memref<2048xf32, #tpu.memory_space<vmem>>, vector<16xf32>,
    %get3A_333 = vector.shape_cast %get3A_332 : vector<16xf32> to vector<16xf32>
    %add3A_334 = arith.addf %add3A_330, %get3A_333 : vector<16xf32>
    %get3A_335 = arith.constant 1312 : index
    %get3A_336 = tpu.vector_load %arg12[%get3A_335] {strides = array<i32>} : memref<2048xf32, #tpu.memory_space<vmem>>, vector<16xf32>,
    %get3A_337 = vector.shape_cast %get3A_336 : vector<16xf32> to vector<16xf32>
    %add3A_338 = arith.addf %add3A_334, %get3A_337 : vector<16xf32>
    %get3A_339 = arith.constant 1328 : index
    %get3A_340 = tpu.vector_load %arg12[%get3A_339] {strides = array<i32>} : memref<2048xf32, #tpu.memory_space<vmem>>, vector<16xf32>,
    %get3A_341 = vector.shape_cast %get3A_340 : vector<16xf32> to vector<16xf32>
    %add3A_342 = arith.addf %add3A_338, %get3A_341 : vector<16xf32>
    %get3A_343 = arith.constant 1344 : index
    %get3A_344 = tpu.vector_load %arg12[%get3A_343] {strides = array<i32>} : memref<2048xf32, #tpu.memory_space<vmem>>, vector<16xf32>,
    %get3A_345 = vector.shape_cast %get3A_344 : vector<16xf32> to vector<16xf32>
    %add3A_346 = arith.addf %add3A_342, %get3A_345 : vector<16xf32>
    %get3A_347 = arith.constant 1360 : index
    %get3A_348 = tpu.vector_load %arg12[%get3A_347] {strides = array<i32>} : memref<2048xf32, #tpu.memory_space<vmem>>, vector<16xf32>,
    %get3A_349 = vector.shape_cast %get3A_348 : vector<16xf32> to vector<16xf32>
    %add3A_350 = arith.addf %add3A_346, %get3A_349 : vector<16xf32>
    %get3A_351 = arith.constant 1376 : index
    %get3A_352 = tpu.vector_load %arg12[%get3A_351] {strides = array<i32>} : memref<2048xf32, #tpu.memory_space<vmem>>, vector<16xf32>,
    %get3A_353 = vector.shape_cast %get3A_352 : vector<16xf32> to vector<16xf32>
    %add3A_354 = arith.addf %add3A_350, %get3A_353 : vector<16xf32>
    %get3A_355 = arith.constant 1392 : index
    %get3A_356 = tpu.vector_load %arg12[%get3A_355] {strides = array<i32>} : memref<2048xf32, #tpu.memory_space<vmem>>, vector<16xf32>,
    %get3A_357 = vector.shape_cast %get3A_356 : vector<16xf32> to vector<16xf32>
    %add3A_358 = arith.addf %add3A_354, %get3A_357 : vector<16xf32>
    %get3A_359 = arith.constant 1408 : index
    %get3A_360 = tpu.vector_load %arg12[%get3A_359] {strides = array<i32>} : memref<2048xf32, #tpu.memory_space<vmem>>, vector<16xf32>,
    %get3A_361 = vector.shape_cast %get3A_360 : vector<16xf32> to vector<16xf32>
    %add3A_362 = arith.addf %add3A_358, %get3A_361 : vector<16xf32>
    %get3A_363 = arith.constant 1424 : index
    %get3A_364 = tpu.vector_load %arg12[%get3A_363] {strides = array<i32>} : memref<2048xf32, #tpu.memory_space<vmem>>, vector<16xf32>,
    %get3A_365 = vector.shape_cast %get3A_364 : vector<16xf32> to vector<16xf32>
    %add3A_366 = arith.addf %add3A_362, %get3A_365 : vector<16xf32>
    %get3A_367 = arith.constant 1440 : index
    %get3A_368 = tpu.vector_load %arg12[%get3A_367] {strides = array<i32>} : memref<2048xf32, #tpu.memory_space<vmem>>, vector<16xf32>,
    %get3A_369 = vector.shape_cast %get3A_368 : vector<16xf32> to vector<16xf32>
    %add3A_370 = arith.addf %add3A_366, %get3A_369 : vector<16xf32>
    %get3A_371 = arith.constant 1456 : index
    %get3A_372 = tpu.vector_load %arg12[%get3A_371] {strides = array<i32>} : memref<2048xf32, #tpu.memory_space<vmem>>, vector<16xf32>,
    %get3A_373 = vector.shape_cast %get3A_372 : vector<16xf32> to vector<16xf32>
    %add3A_374 = arith.addf %add3A_370, %get3A_373 : vector<16xf32>
    %get3A_375 = arith.constant 1472 : index
    %get3A_376 = tpu.vector_load %arg12[%get3A_375] {strides = array<i32>} : memref<2048xf32, #tpu.memory_space<vmem>>, vector<16xf32>,
    %get3A_377 = vector.shape_cast %get3A_376 : vector<16xf32> to vector<16xf32>
    %add3A_378 = arith.addf %add3A_374, %get3A_377 : vector<16xf32>
    %get3A_379 = arith.constant 1488 : index
    %get3A_380 = tpu.vector_load %arg12[%get3A_379] {strides = array<i32>} : memref<2048xf32, #tpu.memory_space<vmem>>, vector<16xf32>,
    %get3A_381 = vector.shape_cast %get3A_380 : vector<16xf32> to vector<16xf32>
    %add3A_382 = arith.addf %add3A_378, %get3A_381 : vector<16xf32>
    %get3A_383 = arith.constant 1504 : index
    %get3A_384 = tpu.vector_load %arg12[%get3A_383] {strides = array<i32>} : memref<2048xf32, #tpu.memory_space<vmem>>, vector<16xf32>,
    %get3A_385 = vector.shape_cast %get3A_384 : vector<16xf32> to vector<16xf32>
    %add3A_386 = arith.addf %add3A_382, %get3A_385 : vector<16xf32>
    %get3A_387 = arith.constant 1520 : index
    %get3A_388 = tpu.vector_load %arg12[%get3A_387] {strides = array<i32>} : memref<2048xf32, #tpu.memory_space<vmem>>, vector<16xf32>,
    %get3A_389 = vector.shape_cast %get3A_388 : vector<16xf32> to vector<16xf32>
    %add3A_390 = arith.addf %add3A_386, %get3A_389 : vector<16xf32>
    %get3A_391 = arith.constant 1536 : index
    %get3A_392 = tpu.vector_load %arg12[%get3A_391] {strides = array<i32>} : memref<2048xf32, #tpu.memory_space<vmem>>, vector<16xf32>,
    %get3A_393 = vector.shape_cast %get3A_392 : vector<16xf32> to vector<16xf32>
    %add3A_394 = arith.addf %add3A_390, %get3A_393 : vector<16xf32>
    %get3A_395 = arith.constant 1552 : index
    %get3A_396 = tpu.vector_load %arg12[%get3A_395] {strides = array<i32>} : memref<2048xf32, #tpu.memory_space<vmem>>, vector<16xf32>,
    %get3A_397 = vector.shape_cast %get3A_396 : vector<16xf32> to vector<16xf32>
    %add3A_398 = arith.addf %add3A_394, %get3A_397 : vector<16xf32>
    %get3A_399 = arith.constant 1568 : index
    %get3A_400 = tpu.vector_load %arg12[%get3A_399] {strides = array<i32>} : memref<2048xf32, #tpu.memory_space<vmem>>, vector<16xf32>,
    %get3A_401 = vector.shape_cast %get3A_400 : vector<16xf32> to vector<16xf32>
    %add3A_402 = arith.addf %add3A_398, %get3A_401 : vector<16xf32>
    %get3A_403 = arith.constant 1584 : index
    %get3A_404 = tpu.vector_load %arg12[%get3A_403] {strides = array<i32>} : memref<2048xf32, #tpu.memory_space<vmem>>, vector<16xf32>,
    %get3A_405 = vector.shape_cast %get3A_404 : vector<16xf32> to vector<16xf32>
    %add3A_406 = arith.addf %add3A_402, %get3A_405 : vector<16xf32>
    %get3A_407 = arith.constant 1600 : index
    %get3A_408 = tpu.vector_load %arg12[%get3A_407] {strides = array<i32>} : memref<2048xf32, #tpu.memory_space<vmem>>, vector<16xf32>,
    %get3A_409 = vector.shape_cast %get3A_408 : vector<16xf32> to vector<16xf32>
    %add3A_410 = arith.addf %add3A_406, %get3A_409 : vector<16xf32>
    %get3A_411 = arith.constant 1616 : index
    %get3A_412 = tpu.vector_load %arg12[%get3A_411] {strides = array<i32>} : memref<2048xf32, #tpu.memory_space<vmem>>, vector<16xf32>,
    %get3A_413 = vector.shape_cast %get3A_412 : vector<16xf32> to vector<16xf32>
    %add3A_414 = arith.addf %add3A_410, %get3A_413 : vector<16xf32>
    %get3A_415 = arith.constant 1632 : index
    %get3A_416 = tpu.vector_load %arg12[%get3A_415] {strides = array<i32>} : memref<2048xf32, #tpu.memory_space<vmem>>, vector<16xf32>,
    %get3A_417 = vector.shape_cast %get3A_416 : vector<16xf32> to vector<16xf32>
    %add3A_418 = arith.addf %add3A_414, %get3A_417 : vector<16xf32>
    %get3A_419 = arith.constant 1648 : index
    %get3A_420 = tpu.vector_load %arg12[%get3A_419] {strides = array<i32>} : memref<2048xf32, #tpu.memory_space<vmem>>, vector<16xf32>,
    %get3A_421 = vector.shape_cast %get3A_420 : vector<16xf32> to vector<16xf32>
    %add3A_422 = arith.addf %add3A_418, %get3A_421 : vector<16xf32>
    %get3A_423 = arith.constant 1664 : index
    %get3A_424 = tpu.vector_load %arg12[%get3A_423] {strides = array<i32>} : memref<2048xf32, #tpu.memory_space<vmem>>, vector<16xf32>,
    %get3A_425 = vector.shape_cast %get3A_424 : vector<16xf32> to vector<16xf32>
    %add3A_426 = arith.addf %add3A_422, %get3A_425 : vector<16xf32>
    %get3A_427 = arith.constant 1680 : index
    %get3A_428 = tpu.vector_load %arg12[%get3A_427] {strides = array<i32>} : memref<2048xf32, #tpu.memory_space<vmem>>, vector<16xf32>,
    %get3A_429 = vector.shape_cast %get3A_428 : vector<16xf32> to vector<16xf32>
    %add3A_430 = arith.addf %add3A_426, %get3A_429 : vector<16xf32>
    %get3A_431 = arith.constant 1696 : index
    %get3A_432 = tpu.vector_load %arg12[%get3A_431] {strides = array<i32>} : memref<2048xf32, #tpu.memory_space<vmem>>, vector<16xf32>,
    %get3A_433 = vector.shape_cast %get3A_432 : vector<16xf32> to vector<16xf32>
    %add3A_434 = arith.addf %add3A_430, %get3A_433 : vector<16xf32>
    %get3A_435 = arith.constant 1712 : index
    %get3A_436 = tpu.vector_load %arg12[%get3A_435] {strides = array<i32>} : memref<2048xf32, #tpu.memory_space<vmem>>, vector<16xf32>,
    %get3A_437 = vector.shape_cast %get3A_436 : vector<16xf32> to vector<16xf32>
    %add3A_438 = arith.addf %add3A_434, %get3A_437 : vector<16xf32>
    %get3A_439 = arith.constant 1728 : index
    %get3A_440 = tpu.vector_load %arg12[%get3A_439] {strides = array<i32>} : memref<2048xf32, #tpu.memory_space<vmem>>, vector<16xf32>,
    %get3A_441 = vector.shape_cast %get3A_440 : vector<16xf32> to vector<16xf32>
    %add3A_442 = arith.addf %add3A_438, %get3A_441 : vector<16xf32>
    %get3A_443 = arith.constant 1744 : index
    %get3A_444 = tpu.vector_load %arg12[%get3A_443] {strides = array<i32>} : memref<2048xf32, #tpu.memory_space<vmem>>, vector<16xf32>,
    %get3A_445 = vector.shape_cast %get3A_444 : vector<16xf32> to vector<16xf32>
    %add3A_446 = arith.addf %add3A_442, %get3A_445 : vector<16xf32>
    %get3A_447 = arith.constant 1760 : index
    %get3A_448 = tpu.vector_load %arg12[%get3A_447] {strides = array<i32>} : memref<2048xf32, #tpu.memory_space<vmem>>, vector<16xf32>,
    %get3A_449 = vector.shape_cast %get3A_448 : vector<16xf32> to vector<16xf32>
    %add3A_450 = arith.addf %add3A_446, %get3A_449 : vector<16xf32>
    %get3A_451 = arith.constant 1776 : index
    %get3A_452 = tpu.vector_load %arg12[%get3A_451] {strides = array<i32>} : memref<2048xf32, #tpu.memory_space<vmem>>, vector<16xf32>,
    %get3A_453 = vector.shape_cast %get3A_452 : vector<16xf32> to vector<16xf32>
    %add3A_454 = arith.addf %add3A_450, %get3A_453 : vector<16xf32>
    %get3A_455 = arith.constant 1792 : index
    %get3A_456 = tpu.vector_load %arg12[%get3A_455] {strides = array<i32>} : memref<2048xf32, #tpu.memory_space<vmem>>, vector<16xf32>,
    %get3A_457 = vector.shape_cast %get3A_456 : vector<16xf32> to vector<16xf32>
    %add3A_458 = arith.addf %add3A_454, %get3A_457 : vector<16xf32>
    %get3A_459 = arith.constant 1808 : index
    %get3A_460 = tpu.vector_load %arg12[%get3A_459] {strides = array<i32>} : memref<2048xf32, #tpu.memory_space<vmem>>, vector<16xf32>,
    %get3A_461 = vector.shape_cast %get3A_460 : vector<16xf32> to vector<16xf32>
    %add3A_462 = arith.addf %add3A_458, %get3A_461 : vector<16xf32>
    %get3A_463 = arith.constant 1824 : index
    %get3A_464 = tpu.vector_load %arg12[%get3A_463] {strides = array<i32>} : memref<2048xf32, #tpu.memory_space<vmem>>, vector<16xf32>,
    %get3A_465 = vector.shape_cast %get3A_464 : vector<16xf32> to vector<16xf32>
    %add3A_466 = arith.addf %add3A_462, %get3A_465 : vector<16xf32>
    %get3A_467 = arith.constant 1840 : index
    %get3A_468 = tpu.vector_load %arg12[%get3A_467] {strides = array<i32>} : memref<2048xf32, #tpu.memory_space<vmem>>, vector<16xf32>,
    %get3A_469 = vector.shape_cast %get3A_468 : vector<16xf32> to vector<16xf32>
    %add3A_470 = arith.addf %add3A_466, %get3A_469 : vector<16xf32>
    %get3A_471 = arith.constant 1856 : index
    %get3A_472 = tpu.vector_load %arg12[%get3A_471] {strides = array<i32>} : memref<2048xf32, #tpu.memory_space<vmem>>, vector<16xf32>,
    %get3A_473 = vector.shape_cast %get3A_472 : vector<16xf32> to vector<16xf32>
    %add3A_474 = arith.addf %add3A_470, %get3A_473 : vector<16xf32>
    %get3A_475 = arith.constant 1872 : index
    %get3A_476 = tpu.vector_load %arg12[%get3A_475] {strides = array<i32>} : memref<2048xf32, #tpu.memory_space<vmem>>, vector<16xf32>,
    %get3A_477 = vector.shape_cast %get3A_476 : vector<16xf32> to vector<16xf32>
    %add3A_478 = arith.addf %add3A_474, %get3A_477 : vector<16xf32>
    %get3A_479 = arith.constant 1888 : index
    %get3A_480 = tpu.vector_load %arg12[%get3A_479] {strides = array<i32>} : memref<2048xf32, #tpu.memory_space<vmem>>, vector<16xf32>,
    %get3A_481 = vector.shape_cast %get3A_480 : vector<16xf32> to vector<16xf32>
    %add3A_482 = arith.addf %add3A_478, %get3A_481 : vector<16xf32>
    %get3A_483 = arith.constant 1904 : index
    %get3A_484 = tpu.vector_load %arg12[%get3A_483] {strides = array<i32>} : memref<2048xf32, #tpu.memory_space<vmem>>, vector<16xf32>,
    %get3A_485 = vector.shape_cast %get3A_484 : vector<16xf32> to vector<16xf32>
    %add3A_486 = arith.addf %add3A_482, %get3A_485 : vector<16xf32>
    %get3A_487 = arith.constant 1920 : index
    %get3A_488 = tpu.vector_load %arg12[%get3A_487] {strides = array<i32>} : memref<2048xf32, #tpu.memory_space<vmem>>, vector<16xf32>,
    %get3A_489 = vector.shape_cast %get3A_488 : vector<16xf32> to vector<16xf32>
    %add3A_490 = arith.addf %add3A_486, %get3A_489 : vector<16xf32>
    %get3A_491 = arith.constant 1936 : index
    %get3A_492 = tpu.vector_load %arg12[%get3A_491] {strides = array<i32>} : memref<2048xf32, #tpu.memory_space<vmem>>, vector<16xf32>,
    %get3A_493 = vector.shape_cast %get3A_492 : vector<16xf32> to vector<16xf32>
    %add3A_494 = arith.addf %add3A_490, %get3A_493 : vector<16xf32>
    %get3A_495 = arith.constant 1952 : index
    %get3A_496 = tpu.vector_load %arg12[%get3A_495] {strides = array<i32>} : memref<2048xf32, #tpu.memory_space<vmem>>, vector<16xf32>,
    %get3A_497 = vector.shape_cast %get3A_496 : vector<16xf32> to vector<16xf32>
    %add3A_498 = arith.addf %add3A_494, %get3A_497 : vector<16xf32>
    %get3A_499 = arith.constant 1968 : index
    %get3A_500 = tpu.vector_load %arg12[%get3A_499] {strides = array<i32>} : memref<2048xf32, #tpu.memory_space<vmem>>, vector<16xf32>,
    %get3A_501 = vector.shape_cast %get3A_500 : vector<16xf32> to vector<16xf32>
    %add3A_502 = arith.addf %add3A_498, %get3A_501 : vector<16xf32>
    %get3A_503 = arith.constant 1984 : index
    %get3A_504 = tpu.vector_load %arg12[%get3A_503] {strides = array<i32>} : memref<2048xf32, #tpu.memory_space<vmem>>, vector<16xf32>,
    %get3A_505 = vector.shape_cast %get3A_504 : vector<16xf32> to vector<16xf32>
    %add3A_506 = arith.addf %add3A_502, %get3A_505 : vector<16xf32>
    %get3A_507 = arith.constant 2000 : index
    %get3A_508 = tpu.vector_load %arg12[%get3A_507] {strides = array<i32>} : memref<2048xf32, #tpu.memory_space<vmem>>, vector<16xf32>,
    %get3A_509 = vector.shape_cast %get3A_508 : vector<16xf32> to vector<16xf32>
    %add3A_510 = arith.addf %add3A_506, %get3A_509 : vector<16xf32>
    %get3A_511 = arith.constant 2016 : index
    %get3A_512 = tpu.vector_load %arg12[%get3A_511] {strides = array<i32>} : memref<2048xf32, #tpu.memory_space<vmem>>, vector<16xf32>,
    %get3A_513 = vector.shape_cast %get3A_512 : vector<16xf32> to vector<16xf32>
    %add3A_514 = arith.addf %add3A_510, %get3A_513 : vector<16xf32>
    %get3A_515 = arith.constant 2032 : index
    %get3A_516 = tpu.vector_load %arg12[%get3A_515] {strides = array<i32>} : memref<2048xf32, #tpu.memory_space<vmem>>, vector<16xf32>,
    %get3A_517 = vector.shape_cast %get3A_516 : vector<16xf32> to vector<16xf32>
    %add3A_518 = arith.addf %add3A_514, %get3A_517 : vector<16xf32>
    %swap3A = arith.constant 0 : index
    %swap3A_519 = tpu.vector_load %arg13[%swap3A] {strides = array<i32>} : memref<16xf32, #tpu.memory_space<vmem>>, vector<16xf32>,
    %swap3A_520 = vector.shape_cast %swap3A_519 : vector<16xf32> to vector<16xf32>
    %swap3A_521 = vector.shape_cast %add3A_518 : vector<16xf32> to vector<16xf32>
    tpu.vector_store %arg13[%swap3A], %swap3A_521 {strides = array<i32>} : memref<16xf32, #tpu.memory_space<vmem>>, vector<16xf32>,
    %mul3A_522 = arith.constant 16 : i32
    %mul3A_523 = arith.muli %arg1, %mul3A_522 : i32
    "tpu.region"() ({
      %run_scoped3A = tpu.sem_alloc : memref<!tpu.dma_semaphore, #tpu.memory_space<semaphore_mem>>
      %dma_start3A = tpu.memref_slice %arg15[%mul3A_523] : memref<256xf32, #tpu.memory_space<vmem_shared>> -> memref<16xf32, #tpu.memory_space<vmem_shared>>
      %dma_start3A_1796 = tpu.memref_slice %arg15[%mul3A_523] : memref<256xf32, #tpu.memory_space<vmem_shared>> -> memref<16xf32, #tpu.memory_space<vmem_shared>>
      tpu.enqueue_dma source(%arg13 : memref<16xf32, #tpu.memory_space<vmem>>) target(%dma_start3A_1796 : memref<16xf32, #tpu.memory_space<vmem_shared>>) target_semaphore(%run_scoped3A : memref<!tpu.dma_semaphore, #tpu.memory_space<semaphore_mem>>)
      %dma_wait3A = tpu.memref_slice %arg15[%mul3A_523] : memref<256xf32, #tpu.memory_space<vmem_shared>> -> memref<16xf32, #tpu.memory_space<vmem_shared>>
      %dma_wait3A_1797 = tpu.memref_slice %arg15[%mul3A_523] : memref<256xf32, #tpu.memory_space<vmem_shared>> -> memref<16xf32, #tpu.memory_space<vmem_shared>>
      tpu.wait_dma2 semaphore(%run_scoped3A : memref<!tpu.dma_semaphore, #tpu.memory_space<semaphore_mem>>) src(%arg13 : memref<16xf32, #tpu.memory_space<vmem>>) dst(%dma_wait3A_1797 : memref<16xf32, #tpu.memory_space<vmem_shared>>)
      tpu.yield
    }) : () -> ()
    %barrier3A = arith.constant 0 : index
    tpu.barrier barrier_id(%barrier3A)
    "tpu.region"() ({
      %run_scoped3A = tpu.sem_alloc : memref<!tpu.dma_semaphore, #tpu.memory_space<semaphore_mem>>
      tpu.enqueue_dma source(%arg15 : memref<256xf32, #tpu.memory_space<vmem_shared>>) target(%arg14 : memref<256xf32, #tpu.memory_space<vmem>>) target_semaphore(%run_scoped3A : memref<!tpu.dma_semaphore, #tpu.memory_space<semaphore_mem>>)
      tpu.wait_dma2 semaphore(%run_scoped3A : memref<!tpu.dma_semaphore, #tpu.memory_space<semaphore_mem>>) src(%arg15 : memref<256xf32, #tpu.memory_space<vmem_shared>>) dst(%arg14 : memref<256xf32, #tpu.memory_space<vmem>>)
      tpu.yield
    }) : () -> ()
    %broadcast_in_dim3A_524 = arith.constant 0.000000e+00 : f32
    %broadcast_in_dim3A_525 = vector.broadcast %broadcast_in_dim3A_524 : f32 to vector<16xf32>
    %get3A_526 = arith.constant 0 : index
    %get3A_527 = tpu.vector_load %arg14[%get3A_526] {strides = array<i32>} : memref<256xf32, #tpu.memory_space<vmem>>, vector<16xf32>,
    %get3A_528 = vector.shape_cast %get3A_527 : vector<16xf32> to vector<16xf32>
    %add3A_529 = arith.addf %broadcast_in_dim3A_525, %get3A_528 : vector<16xf32>
    %get3A_530 = arith.constant 16 : index
    %get3A_531 = tpu.vector_load %arg14[%get3A_530] {strides = array<i32>} : memref<256xf32, #tpu.memory_space<vmem>>, vector<16xf32>,
    %get3A_532 = vector.shape_cast %get3A_531 : vector<16xf32> to vector<16xf32>
    %add3A_533 = arith.addf %add3A_529, %get3A_532 : vector<16xf32>
    %get3A_534 = arith.constant 32 : index
    %get3A_535 = tpu.vector_load %arg14[%get3A_534] {strides = array<i32>} : memref<256xf32, #tpu.memory_space<vmem>>, vector<16xf32>,
    %get3A_536 = vector.shape_cast %get3A_535 : vector<16xf32> to vector<16xf32>
    %add3A_537 = arith.addf %add3A_533, %get3A_536 : vector<16xf32>
    %get3A_538 = arith.constant 48 : index
    %get3A_539 = tpu.vector_load %arg14[%get3A_538] {strides = array<i32>} : memref<256xf32, #tpu.memory_space<vmem>>, vector<16xf32>,
    %get3A_540 = vector.shape_cast %get3A_539 : vector<16xf32> to vector<16xf32>
    %add3A_541 = arith.addf %add3A_537, %get3A_540 : vector<16xf32>
    %get3A_542 = arith.constant 64 : index
    %get3A_543 = tpu.vector_load %arg14[%get3A_542] {strides = array<i32>} : memref<256xf32, #tpu.memory_space<vmem>>, vector<16xf32>,
    %get3A_544 = vector.shape_cast %get3A_543 : vector<16xf32> to vector<16xf32>
    %add3A_545 = arith.addf %add3A_541, %get3A_544 : vector<16xf32>
    %get3A_546 = arith.constant 80 : index
    %get3A_547 = tpu.vector_load %arg14[%get3A_546] {strides = array<i32>} : memref<256xf32, #tpu.memory_space<vmem>>, vector<16xf32>,
    %get3A_548 = vector.shape_cast %get3A_547 : vector<16xf32> to vector<16xf32>
    %add3A_549 = arith.addf %add3A_545, %get3A_548 : vector<16xf32>
    %get3A_550 = arith.constant 96 : index
    %get3A_551 = tpu.vector_load %arg14[%get3A_550] {strides = array<i32>} : memref<256xf32, #tpu.memory_space<vmem>>, vector<16xf32>,
    %get3A_552 = vector.shape_cast %get3A_551 : vector<16xf32> to vector<16xf32>
    %add3A_553 = arith.addf %add3A_549, %get3A_552 : vector<16xf32>
    %get3A_554 = arith.constant 112 : index
    %get3A_555 = tpu.vector_load %arg14[%get3A_554] {strides = array<i32>} : memref<256xf32, #tpu.memory_space<vmem>>, vector<16xf32>,
    %get3A_556 = vector.shape_cast %get3A_555 : vector<16xf32> to vector<16xf32>
    %add3A_557 = arith.addf %add3A_553, %get3A_556 : vector<16xf32>
    %get3A_558 = arith.constant 128 : index
    %get3A_559 = tpu.vector_load %arg14[%get3A_558] {strides = array<i32>} : memref<256xf32, #tpu.memory_space<vmem>>, vector<16xf32>,
    %get3A_560 = vector.shape_cast %get3A_559 : vector<16xf32> to vector<16xf32>
    %add3A_561 = arith.addf %add3A_557, %get3A_560 : vector<16xf32>
    %get3A_562 = arith.constant 144 : index
    %get3A_563 = tpu.vector_load %arg14[%get3A_562] {strides = array<i32>} : memref<256xf32, #tpu.memory_space<vmem>>, vector<16xf32>,
    %get3A_564 = vector.shape_cast %get3A_563 : vector<16xf32> to vector<16xf32>
    %add3A_565 = arith.addf %add3A_561, %get3A_564 : vector<16xf32>
    %get3A_566 = arith.constant 160 : index
    %get3A_567 = tpu.vector_load %arg14[%get3A_566] {strides = array<i32>} : memref<256xf32, #tpu.memory_space<vmem>>, vector<16xf32>,
    %get3A_568 = vector.shape_cast %get3A_567 : vector<16xf32> to vector<16xf32>
    %add3A_569 = arith.addf %add3A_565, %get3A_568 : vector<16xf32>
    %get3A_570 = arith.constant 176 : index
    %get3A_571 = tpu.vector_load %arg14[%get3A_570] {strides = array<i32>} : memref<256xf32, #tpu.memory_space<vmem>>, vector<16xf32>,
    %get3A_572 = vector.shape_cast %get3A_571 : vector<16xf32> to vector<16xf32>
    %add3A_573 = arith.addf %add3A_569, %get3A_572 : vector<16xf32>
    %get3A_574 = arith.constant 192 : index
    %get3A_575 = tpu.vector_load %arg14[%get3A_574] {strides = array<i32>} : memref<256xf32, #tpu.memory_space<vmem>>, vector<16xf32>,
    %get3A_576 = vector.shape_cast %get3A_575 : vector<16xf32> to vector<16xf32>
    %add3A_577 = arith.addf %add3A_573, %get3A_576 : vector<16xf32>
    %get3A_578 = arith.constant 208 : index
    %get3A_579 = tpu.vector_load %arg14[%get3A_578] {strides = array<i32>} : memref<256xf32, #tpu.memory_space<vmem>>, vector<16xf32>,
    %get3A_580 = vector.shape_cast %get3A_579 : vector<16xf32> to vector<16xf32>
    %add3A_581 = arith.addf %add3A_577, %get3A_580 : vector<16xf32>
    %get3A_582 = arith.constant 224 : index
    %get3A_583 = tpu.vector_load %arg14[%get3A_582] {strides = array<i32>} : memref<256xf32, #tpu.memory_space<vmem>>, vector<16xf32>,
    %get3A_584 = vector.shape_cast %get3A_583 : vector<16xf32> to vector<16xf32>
    %add3A_585 = arith.addf %add3A_581, %get3A_584 : vector<16xf32>
    %get3A_586 = arith.constant 240 : index
    %get3A_587 = tpu.vector_load %arg14[%get3A_586] {strides = array<i32>} : memref<256xf32, #tpu.memory_space<vmem>>, vector<16xf32>,
    %get3A_588 = vector.shape_cast %get3A_587 : vector<16xf32> to vector<16xf32>
    %add3A_589 = arith.addf %add3A_585, %get3A_588 : vector<16xf32>
    %slice3A = vector.extract_strided_slice %add3A_589 {offsets = [0], sizes = [1], strides = [1]} : vector<16xf32> to vector<1xf32>
    %squeeze3A = vector.extract %slice3A[0] : f32 from vector<1xf32>
    %slice3A_590 = vector.extract_strided_slice %add3A_589 {offsets = [1], sizes = [1], strides = [1]} : vector<16xf32> to vector<1xf32>
    %squeeze3A_591 = vector.extract %slice3A_590[0] : f32 from vector<1xf32>
    %add3A_592 = arith.addf %squeeze3A, %squeeze3A_591 : f32
    %slice3A_593 = vector.extract_strided_slice %add3A_589 {offsets = [2], sizes = [1], strides = [1]} : vector<16xf32> to vector<1xf32>
    %squeeze3A_594 = vector.extract %slice3A_593[0] : f32 from vector<1xf32>
    %add3A_595 = arith.addf %add3A_592, %squeeze3A_594 : f32
    %slice3A_596 = vector.extract_strided_slice %add3A_589 {offsets = [3], sizes = [1], strides = [1]} : vector<16xf32> to vector<1xf32>
    %squeeze3A_597 = vector.extract %slice3A_596[0] : f32 from vector<1xf32>
    %add3A_598 = arith.addf %add3A_595, %squeeze3A_597 : f32
    %slice3A_599 = vector.extract_strided_slice %add3A_589 {offsets = [4], sizes = [1], strides = [1]} : vector<16xf32> to vector<1xf32>
    %squeeze3A_600 = vector.extract %slice3A_599[0] : f32 from vector<1xf32>
    %add3A_601 = arith.addf %add3A_598, %squeeze3A_600 : f32
    %slice3A_602 = vector.extract_strided_slice %add3A_589 {offsets = [5], sizes = [1], strides = [1]} : vector<16xf32> to vector<1xf32>
    %squeeze3A_603 = vector.extract %slice3A_602[0] : f32 from vector<1xf32>
    %add3A_604 = arith.addf %add3A_601, %squeeze3A_603 : f32
    %slice3A_605 = vector.extract_strided_slice %add3A_589 {offsets = [6], sizes = [1], strides = [1]} : vector<16xf32> to vector<1xf32>
    %squeeze3A_606 = vector.extract %slice3A_605[0] : f32 from vector<1xf32>
    %add3A_607 = arith.addf %add3A_604, %squeeze3A_606 : f32
    %slice3A_608 = vector.extract_strided_slice %add3A_589 {offsets = [7], sizes = [1], strides = [1]} : vector<16xf32> to vector<1xf32>
    %squeeze3A_609 = vector.extract %slice3A_608[0] : f32 from vector<1xf32>
    %add3A_610 = arith.addf %add3A_607, %squeeze3A_609 : f32
    %slice3A_611 = vector.extract_strided_slice %add3A_589 {offsets = [8], sizes = [1], strides = [1]} : vector<16xf32> to vector<1xf32>
    %squeeze3A_612 = vector.extract %slice3A_611[0] : f32 from vector<1xf32>
    %add3A_613 = arith.addf %add3A_610, %squeeze3A_612 : f32
    %slice3A_614 = vector.extract_strided_slice %add3A_589 {offsets = [9], sizes = [1], strides = [1]} : vector<16xf32> to vector<1xf32>
    %squeeze3A_615 = vector.extract %slice3A_614[0] : f32 from vector<1xf32>
    %add3A_616 = arith.addf %add3A_613, %squeeze3A_615 : f32
    %slice3A_617 = vector.extract_strided_slice %add3A_589 {offsets = [10], sizes = [1], strides = [1]} : vector<16xf32> to vector<1xf32>
    %squeeze3A_618 = vector.extract %slice3A_617[0] : f32 from vector<1xf32>
    %add3A_619 = arith.addf %add3A_616, %squeeze3A_618 : f32
    %slice3A_620 = vector.extract_strided_slice %add3A_589 {offsets = [11], sizes = [1], strides = [1]} : vector<16xf32> to vector<1xf32>
    %squeeze3A_621 = vector.extract %slice3A_620[0] : f32 from vector<1xf32>
    %add3A_622 = arith.addf %add3A_619, %squeeze3A_621 : f32
    %slice3A_623 = vector.extract_strided_slice %add3A_589 {offsets = [12], sizes = [1], strides = [1]} : vector<16xf32> to vector<1xf32>
    %squeeze3A_624 = vector.extract %slice3A_623[0] : f32 from vector<1xf32>
    %add3A_625 = arith.addf %add3A_622, %squeeze3A_624 : f32
    %slice3A_626 = vector.extract_strided_slice %add3A_589 {offsets = [13], sizes = [1], strides = [1]} : vector<16xf32> to vector<1xf32>
    %squeeze3A_627 = vector.extract %slice3A_626[0] : f32 from vector<1xf32>
    %add3A_628 = arith.addf %add3A_625, %squeeze3A_627 : f32
    %slice3A_629 = vector.extract_strided_slice %add3A_589 {offsets = [14], sizes = [1], strides = [1]} : vector<16xf32> to vector<1xf32>
    %squeeze3A_630 = vector.extract %slice3A_629[0] : f32 from vector<1xf32>
    %add3A_631 = arith.addf %add3A_628, %squeeze3A_630 : f32
    %slice3A_632 = vector.extract_strided_slice %add3A_589 {offsets = [15], sizes = [1], strides = [1]} : vector<16xf32> to vector<1xf32>
    %squeeze3A_633 = vector.extract %slice3A_632[0] : f32 from vector<1xf32>
    %add3A_634 = arith.addf %add3A_631, %squeeze3A_633 : f32
    %get3A_635 = arith.constant 0 : index
    %get3A_636 = tpu.vector_load %arg12[%get3A_635] {strides = array<i32>} : memref<2048xf32, #tpu.memory_space<vmem>>, vector<16xf32>,
    %get3A_637 = vector.shape_cast %get3A_636 : vector<16xf32> to vector<16xf32>
    %div3A = vector.broadcast %add3A_634 : f32 to vector<16xf32>
    %div3A_638 = arith.divf %get3A_637, %div3A : vector<16xf32>
    %swap3A_639 = arith.constant 0 : index
    %swap3A_640 = tpu.vector_load %arg12[%swap3A_639] {strides = array<i32>} : memref<2048xf32, #tpu.memory_space<vmem>>, vector<16xf32>,
    %swap3A_641 = vector.shape_cast %swap3A_640 : vector<16xf32> to vector<16xf32>
    %swap3A_642 = vector.shape_cast %div3A_638 : vector<16xf32> to vector<16xf32>
    tpu.vector_store %arg12[%swap3A_639], %swap3A_642 {strides = array<i32>} : memref<2048xf32, #tpu.memory_space<vmem>>, vector<16xf32>,
    %get3A_643 = arith.constant 16 : index
    %get3A_644 = tpu.vector_load %arg12[%get3A_643] {strides = array<i32>} : memref<2048xf32, #tpu.memory_space<vmem>>, vector<16xf32>,
    %get3A_645 = vector.shape_cast %get3A_644 : vector<16xf32> to vector<16xf32>
    %div3A_646 = vector.broadcast %add3A_634 : f32 to vector<16xf32>
    %div3A_647 = arith.divf %get3A_645, %div3A_646 : vector<16xf32>
    %swap3A_648 = arith.constant 16 : index
    %swap3A_649 = tpu.vector_load %arg12[%swap3A_648] {strides = array<i32>} : memref<2048xf32, #tpu.memory_space<vmem>>, vector<16xf32>,
    %swap3A_650 = vector.shape_cast %swap3A_649 : vector<16xf32> to vector<16xf32>
    %swap3A_651 = vector.shape_cast %div3A_647 : vector<16xf32> to vector<16xf32>
    tpu.vector_store %arg12[%swap3A_648], %swap3A_651 {strides = array<i32>} : memref<2048xf32, #tpu.memory_space<vmem>>, vector<16xf32>,
    %get3A_652 = arith.constant 32 : index
    %get3A_653 = tpu.vector_load %arg12[%get3A_652] {strides = array<i32>} : memref<2048xf32, #tpu.memory_space<vmem>>, vector<16xf32>,
    %get3A_654 = vector.shape_cast %get3A_653 : vector<16xf32> to vector<16xf32>
    %div3A_655 = vector.broadcast %add3A_634 : f32 to vector<16xf32>
    %div3A_656 = arith.divf %get3A_654, %div3A_655 : vector<16xf32>
    %swap3A_657 = arith.constant 32 : index
    %swap3A_658 = tpu.vector_load %arg12[%swap3A_657] {strides = array<i32>} : memref<2048xf32, #tpu.memory_space<vmem>>, vector<16xf32>,
    %swap3A_659 = vector.shape_cast %swap3A_658 : vector<16xf32> to vector<16xf32>
    %swap3A_660 = vector.shape_cast %div3A_656 : vector<16xf32> to vector<16xf32>
    tpu.vector_store %arg12[%swap3A_657], %swap3A_660 {strides = array<i32>} : memref<2048xf32, #tpu.memory_space<vmem>>, vector<16xf32>,
    %get3A_661 = arith.constant 48 : index
    %get3A_662 = tpu.vector_load %arg12[%get3A_661] {strides = array<i32>} : memref<2048xf32, #tpu.memory_space<vmem>>, vector<16xf32>,
    %get3A_663 = vector.shape_cast %get3A_662 : vector<16xf32> to vector<16xf32>
    %div3A_664 = vector.broadcast %add3A_634 : f32 to vector<16xf32>
    %div3A_665 = arith.divf %get3A_663, %div3A_664 : vector<16xf32>
    %swap3A_666 = arith.constant 48 : index
    %swap3A_667 = tpu.vector_load %arg12[%swap3A_666] {strides = array<i32>} : memref<2048xf32, #tpu.memory_space<vmem>>, vector<16xf32>,
    %swap3A_668 = vector.shape_cast %swap3A_667 : vector<16xf32> to vector<16xf32>
    %swap3A_669 = vector.shape_cast %div3A_665 : vector<16xf32> to vector<16xf32>
    tpu.vector_store %arg12[%swap3A_666], %swap3A_669 {strides = array<i32>} : memref<2048xf32, #tpu.memory_space<vmem>>, vector<16xf32>,
    %get3A_670 = arith.constant 64 : index
    %get3A_671 = tpu.vector_load %arg12[%get3A_670] {strides = array<i32>} : memref<2048xf32, #tpu.memory_space<vmem>>, vector<16xf32>,
    %get3A_672 = vector.shape_cast %get3A_671 : vector<16xf32> to vector<16xf32>
    %div3A_673 = vector.broadcast %add3A_634 : f32 to vector<16xf32>
    %div3A_674 = arith.divf %get3A_672, %div3A_673 : vector<16xf32>
    %swap3A_675 = arith.constant 64 : index
    %swap3A_676 = tpu.vector_load %arg12[%swap3A_675] {strides = array<i32>} : memref<2048xf32, #tpu.memory_space<vmem>>, vector<16xf32>,
    %swap3A_677 = vector.shape_cast %swap3A_676 : vector<16xf32> to vector<16xf32>
    %swap3A_678 = vector.shape_cast %div3A_674 : vector<16xf32> to vector<16xf32>
    tpu.vector_store %arg12[%swap3A_675], %swap3A_678 {strides = array<i32>} : memref<2048xf32, #tpu.memory_space<vmem>>, vector<16xf32>,
    %get3A_679 = arith.constant 80 : index
    %get3A_680 = tpu.vector_load %arg12[%get3A_679] {strides = array<i32>} : memref<2048xf32, #tpu.memory_space<vmem>>, vector<16xf32>,
    %get3A_681 = vector.shape_cast %get3A_680 : vector<16xf32> to vector<16xf32>
    %div3A_682 = vector.broadcast %add3A_634 : f32 to vector<16xf32>
    %div3A_683 = arith.divf %get3A_681, %div3A_682 : vector<16xf32>
    %swap3A_684 = arith.constant 80 : index
    %swap3A_685 = tpu.vector_load %arg12[%swap3A_684] {strides = array<i32>} : memref<2048xf32, #tpu.memory_space<vmem>>, vector<16xf32>,
    %swap3A_686 = vector.shape_cast %swap3A_685 : vector<16xf32> to vector<16xf32>
    %swap3A_687 = vector.shape_cast %div3A_683 : vector<16xf32> to vector<16xf32>
    tpu.vector_store %arg12[%swap3A_684], %swap3A_687 {strides = array<i32>} : memref<2048xf32, #tpu.memory_space<vmem>>, vector<16xf32>,
    %get3A_688 = arith.constant 96 : index
    %get3A_689 = tpu.vector_load %arg12[%get3A_688] {strides = array<i32>} : memref<2048xf32, #tpu.memory_space<vmem>>, vector<16xf32>,
    %get3A_690 = vector.shape_cast %get3A_689 : vector<16xf32> to vector<16xf32>
    %div3A_691 = vector.broadcast %add3A_634 : f32 to vector<16xf32>
    %div3A_692 = arith.divf %get3A_690, %div3A_691 : vector<16xf32>
    %swap3A_693 = arith.constant 96 : index
    %swap3A_694 = tpu.vector_load %arg12[%swap3A_693] {strides = array<i32>} : memref<2048xf32, #tpu.memory_space<vmem>>, vector<16xf32>,
    %swap3A_695 = vector.shape_cast %swap3A_694 : vector<16xf32> to vector<16xf32>
    %swap3A_696 = vector.shape_cast %div3A_692 : vector<16xf32> to vector<16xf32>
    tpu.vector_store %arg12[%swap3A_693], %swap3A_696 {strides = array<i32>} : memref<2048xf32, #tpu.memory_space<vmem>>, vector<16xf32>,
    %get3A_697 = arith.constant 112 : index
    %get3A_698 = tpu.vector_load %arg12[%get3A_697] {strides = array<i32>} : memref<2048xf32, #tpu.memory_space<vmem>>, vector<16xf32>,
    %get3A_699 = vector.shape_cast %get3A_698 : vector<16xf32> to vector<16xf32>
    %div3A_700 = vector.broadcast %add3A_634 : f32 to vector<16xf32>
    %div3A_701 = arith.divf %get3A_699, %div3A_700 : vector<16xf32>
    %swap3A_702 = arith.constant 112 : index
    %swap3A_703 = tpu.vector_load %arg12[%swap3A_702] {strides = array<i32>} : memref<2048xf32, #tpu.memory_space<vmem>>, vector<16xf32>,
    %swap3A_704 = vector.shape_cast %swap3A_703 : vector<16xf32> to vector<16xf32>
    %swap3A_705 = vector.shape_cast %div3A_701 : vector<16xf32> to vector<16xf32>
    tpu.vector_store %arg12[%swap3A_702], %swap3A_705 {strides = array<i32>} : memref<2048xf32, #tpu.memory_space<vmem>>, vector<16xf32>,
    %get3A_706 = arith.constant 128 : index
    %get3A_707 = tpu.vector_load %arg12[%get3A_706] {strides = array<i32>} : memref<2048xf32, #tpu.memory_space<vmem>>, vector<16xf32>,
    %get3A_708 = vector.shape_cast %get3A_707 : vector<16xf32> to vector<16xf32>
    %div3A_709 = vector.broadcast %add3A_634 : f32 to vector<16xf32>
    %div3A_710 = arith.divf %get3A_708, %div3A_709 : vector<16xf32>
    %swap3A_711 = arith.constant 128 : index
    %swap3A_712 = tpu.vector_load %arg12[%swap3A_711] {strides = array<i32>} : memref<2048xf32, #tpu.memory_space<vmem>>, vector<16xf32>,
    %swap3A_713 = vector.shape_cast %swap3A_712 : vector<16xf32> to vector<16xf32>
    %swap3A_714 = vector.shape_cast %div3A_710 : vector<16xf32> to vector<16xf32>
    tpu.vector_store %arg12[%swap3A_711], %swap3A_714 {strides = array<i32>} : memref<2048xf32, #tpu.memory_space<vmem>>, vector<16xf32>,
    %get3A_715 = arith.constant 144 : index
    %get3A_716 = tpu.vector_load %arg12[%get3A_715] {strides = array<i32>} : memref<2048xf32, #tpu.memory_space<vmem>>, vector<16xf32>,
    %get3A_717 = vector.shape_cast %get3A_716 : vector<16xf32> to vector<16xf32>
    %div3A_718 = vector.broadcast %add3A_634 : f32 to vector<16xf32>
    %div3A_719 = arith.divf %get3A_717, %div3A_718 : vector<16xf32>
    %swap3A_720 = arith.constant 144 : index
    %swap3A_721 = tpu.vector_load %arg12[%swap3A_720] {strides = array<i32>} : memref<2048xf32, #tpu.memory_space<vmem>>, vector<16xf32>,
    %swap3A_722 = vector.shape_cast %swap3A_721 : vector<16xf32> to vector<16xf32>
    %swap3A_723 = vector.shape_cast %div3A_719 : vector<16xf32> to vector<16xf32>
    tpu.vector_store %arg12[%swap3A_720], %swap3A_723 {strides = array<i32>} : memref<2048xf32, #tpu.memory_space<vmem>>, vector<16xf32>,
    %get3A_724 = arith.constant 160 : index
    %get3A_725 = tpu.vector_load %arg12[%get3A_724] {strides = array<i32>} : memref<2048xf32, #tpu.memory_space<vmem>>, vector<16xf32>,
    %get3A_726 = vector.shape_cast %get3A_725 : vector<16xf32> to vector<16xf32>
    %div3A_727 = vector.broadcast %add3A_634 : f32 to vector<16xf32>
    %div3A_728 = arith.divf %get3A_726, %div3A_727 : vector<16xf32>
    %swap3A_729 = arith.constant 160 : index
    %swap3A_730 = tpu.vector_load %arg12[%swap3A_729] {strides = array<i32>} : memref<2048xf32, #tpu.memory_space<vmem>>, vector<16xf32>,
    %swap3A_731 = vector.shape_cast %swap3A_730 : vector<16xf32> to vector<16xf32>
    %swap3A_732 = vector.shape_cast %div3A_728 : vector<16xf32> to vector<16xf32>
    tpu.vector_store %arg12[%swap3A_729], %swap3A_732 {strides = array<i32>} : memref<2048xf32, #tpu.memory_space<vmem>>, vector<16xf32>,
    %get3A_733 = arith.constant 176 : index
    %get3A_734 = tpu.vector_load %arg12[%get3A_733] {strides = array<i32>} : memref<2048xf32, #tpu.memory_space<vmem>>, vector<16xf32>,
    %get3A_735 = vector.shape_cast %get3A_734 : vector<16xf32> to vector<16xf32>
    %div3A_736 = vector.broadcast %add3A_634 : f32 to vector<16xf32>
    %div3A_737 = arith.divf %get3A_735, %div3A_736 : vector<16xf32>
    %swap3A_738 = arith.constant 176 : index
    %swap3A_739 = tpu.vector_load %arg12[%swap3A_738] {strides = array<i32>} : memref<2048xf32, #tpu.memory_space<vmem>>, vector<16xf32>,
    %swap3A_740 = vector.shape_cast %swap3A_739 : vector<16xf32> to vector<16xf32>
    %swap3A_741 = vector.shape_cast %div3A_737 : vector<16xf32> to vector<16xf32>
    tpu.vector_store %arg12[%swap3A_738], %swap3A_741 {strides = array<i32>} : memref<2048xf32, #tpu.memory_space<vmem>>, vector<16xf32>,
    %get3A_742 = arith.constant 192 : index
    %get3A_743 = tpu.vector_load %arg12[%get3A_742] {strides = array<i32>} : memref<2048xf32, #tpu.memory_space<vmem>>, vector<16xf32>,
    %get3A_744 = vector.shape_cast %get3A_743 : vector<16xf32> to vector<16xf32>
    %div3A_745 = vector.broadcast %add3A_634 : f32 to vector<16xf32>
    %div3A_746 = arith.divf %get3A_744, %div3A_745 : vector<16xf32>
    %swap3A_747 = arith.constant 192 : index
    %swap3A_748 = tpu.vector_load %arg12[%swap3A_747] {strides = array<i32>} : memref<2048xf32, #tpu.memory_space<vmem>>, vector<16xf32>,
    %swap3A_749 = vector.shape_cast %swap3A_748 : vector<16xf32> to vector<16xf32>
    %swap3A_750 = vector.shape_cast %div3A_746 : vector<16xf32> to vector<16xf32>
    tpu.vector_store %arg12[%swap3A_747], %swap3A_750 {strides = array<i32>} : memref<2048xf32, #tpu.memory_space<vmem>>, vector<16xf32>,
    %get3A_751 = arith.constant 208 : index
    %get3A_752 = tpu.vector_load %arg12[%get3A_751] {strides = array<i32>} : memref<2048xf32, #tpu.memory_space<vmem>>, vector<16xf32>,
    %get3A_753 = vector.shape_cast %get3A_752 : vector<16xf32> to vector<16xf32>
    %div3A_754 = vector.broadcast %add3A_634 : f32 to vector<16xf32>
    %div3A_755 = arith.divf %get3A_753, %div3A_754 : vector<16xf32>
    %swap3A_756 = arith.constant 208 : index
    %swap3A_757 = tpu.vector_load %arg12[%swap3A_756] {strides = array<i32>} : memref<2048xf32, #tpu.memory_space<vmem>>, vector<16xf32>,
    %swap3A_758 = vector.shape_cast %swap3A_757 : vector<16xf32> to vector<16xf32>
    %swap3A_759 = vector.shape_cast %div3A_755 : vector<16xf32> to vector<16xf32>
    tpu.vector_store %arg12[%swap3A_756], %swap3A_759 {strides = array<i32>} : memref<2048xf32, #tpu.memory_space<vmem>>, vector<16xf32>,
    %get3A_760 = arith.constant 224 : index
    %get3A_761 = tpu.vector_load %arg12[%get3A_760] {strides = array<i32>} : memref<2048xf32, #tpu.memory_space<vmem>>, vector<16xf32>,
    %get3A_762 = vector.shape_cast %get3A_761 : vector<16xf32> to vector<16xf32>
    %div3A_763 = vector.broadcast %add3A_634 : f32 to vector<16xf32>
    %div3A_764 = arith.divf %get3A_762, %div3A_763 : vector<16xf32>
    %swap3A_765 = arith.constant 224 : index
    %swap3A_766 = tpu.vector_load %arg12[%swap3A_765] {strides = array<i32>} : memref<2048xf32, #tpu.memory_space<vmem>>, vector<16xf32>,
    %swap3A_767 = vector.shape_cast %swap3A_766 : vector<16xf32> to vector<16xf32>
    %swap3A_768 = vector.shape_cast %div3A_764 : vector<16xf32> to vector<16xf32>
    tpu.vector_store %arg12[%swap3A_765], %swap3A_768 {strides = array<i32>} : memref<2048xf32, #tpu.memory_space<vmem>>, vector<16xf32>,
    %get3A_769 = arith.constant 240 : index
    %get3A_770 = tpu.vector_load %arg12[%get3A_769] {strides = array<i32>} : memref<2048xf32, #tpu.memory_space<vmem>>, vector<16xf32>,
    %get3A_771 = vector.shape_cast %get3A_770 : vector<16xf32> to vector<16xf32>
    %div3A_772 = vector.broadcast %add3A_634 : f32 to vector<16xf32>
    %div3A_773 = arith.divf %get3A_771, %div3A_772 : vector<16xf32>
    %swap3A_774 = arith.constant 240 : index
    %swap3A_775 = tpu.vector_load %arg12[%swap3A_774] {strides = array<i32>} : memref<2048xf32, #tpu.memory_space<vmem>>, vector<16xf32>,
    %swap3A_776 = vector.shape_cast %swap3A_775 : vector<16xf32> to vector<16xf32>
    %swap3A_777 = vector.shape_cast %div3A_773 : vector<16xf32> to vector<16xf32>
    tpu.vector_store %arg12[%swap3A_774], %swap3A_777 {strides = array<i32>} : memref<2048xf32, #tpu.memory_space<vmem>>, vector<16xf32>,
    %get3A_778 = arith.constant 256 : index
    %get3A_779 = tpu.vector_load %arg12[%get3A_778] {strides = array<i32>} : memref<2048xf32, #tpu.memory_space<vmem>>, vector<16xf32>,
    %get3A_780 = vector.shape_cast %get3A_779 : vector<16xf32> to vector<16xf32>
    %div3A_781 = vector.broadcast %add3A_634 : f32 to vector<16xf32>
    %div3A_782 = arith.divf %get3A_780, %div3A_781 : vector<16xf32>
    %swap3A_783 = arith.constant 256 : index
    %swap3A_784 = tpu.vector_load %arg12[%swap3A_783] {strides = array<i32>} : memref<2048xf32, #tpu.memory_space<vmem>>, vector<16xf32>,
    %swap3A_785 = vector.shape_cast %swap3A_784 : vector<16xf32> to vector<16xf32>
    %swap3A_786 = vector.shape_cast %div3A_782 : vector<16xf32> to vector<16xf32>
    tpu.vector_store %arg12[%swap3A_783], %swap3A_786 {strides = array<i32>} : memref<2048xf32, #tpu.memory_space<vmem>>, vector<16xf32>,
    %get3A_787 = arith.constant 272 : index
    %get3A_788 = tpu.vector_load %arg12[%get3A_787] {strides = array<i32>} : memref<2048xf32, #tpu.memory_space<vmem>>, vector<16xf32>,
    %get3A_789 = vector.shape_cast %get3A_788 : vector<16xf32> to vector<16xf32>
    %div3A_790 = vector.broadcast %add3A_634 : f32 to vector<16xf32>
    %div3A_791 = arith.divf %get3A_789, %div3A_790 : vector<16xf32>
    %swap3A_792 = arith.constant 272 : index
    %swap3A_793 = tpu.vector_load %arg12[%swap3A_792] {strides = array<i32>} : memref<2048xf32, #tpu.memory_space<vmem>>, vector<16xf32>,
    %swap3A_794 = vector.shape_cast %swap3A_793 : vector<16xf32> to vector<16xf32>
    %swap3A_795 = vector.shape_cast %div3A_791 : vector<16xf32> to vector<16xf32>
    tpu.vector_store %arg12[%swap3A_792], %swap3A_795 {strides = array<i32>} : memref<2048xf32, #tpu.memory_space<vmem>>, vector<16xf32>,
    %get3A_796 = arith.constant 288 : index
    %get3A_797 = tpu.vector_load %arg12[%get3A_796] {strides = array<i32>} : memref<2048xf32, #tpu.memory_space<vmem>>, vector<16xf32>,
    %get3A_798 = vector.shape_cast %get3A_797 : vector<16xf32> to vector<16xf32>
    %div3A_799 = vector.broadcast %add3A_634 : f32 to vector<16xf32>
    %div3A_800 = arith.divf %get3A_798, %div3A_799 : vector<16xf32>
    %swap3A_801 = arith.constant 288 : index
    %swap3A_802 = tpu.vector_load %arg12[%swap3A_801] {strides = array<i32>} : memref<2048xf32, #tpu.memory_space<vmem>>, vector<16xf32>,
    %swap3A_803 = vector.shape_cast %swap3A_802 : vector<16xf32> to vector<16xf32>
    %swap3A_804 = vector.shape_cast %div3A_800 : vector<16xf32> to vector<16xf32>
    tpu.vector_store %arg12[%swap3A_801], %swap3A_804 {strides = array<i32>} : memref<2048xf32, #tpu.memory_space<vmem>>, vector<16xf32>,
    %get3A_805 = arith.constant 304 : index
    %get3A_806 = tpu.vector_load %arg12[%get3A_805] {strides = array<i32>} : memref<2048xf32, #tpu.memory_space<vmem>>, vector<16xf32>,
    %get3A_807 = vector.shape_cast %get3A_806 : vector<16xf32> to vector<16xf32>
    %div3A_808 = vector.broadcast %add3A_634 : f32 to vector<16xf32>
    %div3A_809 = arith.divf %get3A_807, %div3A_808 : vector<16xf32>
    %swap3A_810 = arith.constant 304 : index
    %swap3A_811 = tpu.vector_load %arg12[%swap3A_810] {strides = array<i32>} : memref<2048xf32, #tpu.memory_space<vmem>>, vector<16xf32>,
    %swap3A_812 = vector.shape_cast %swap3A_811 : vector<16xf32> to vector<16xf32>
    %swap3A_813 = vector.shape_cast %div3A_809 : vector<16xf32> to vector<16xf32>
    tpu.vector_store %arg12[%swap3A_810], %swap3A_813 {strides = array<i32>} : memref<2048xf32, #tpu.memory_space<vmem>>, vector<16xf32>,
    %get3A_814 = arith.constant 320 : index
    %get3A_815 = tpu.vector_load %arg12[%get3A_814] {strides = array<i32>} : memref<2048xf32, #tpu.memory_space<vmem>>, vector<16xf32>,
    %get3A_816 = vector.shape_cast %get3A_815 : vector<16xf32> to vector<16xf32>
    %div3A_817 = vector.broadcast %add3A_634 : f32 to vector<16xf32>
    %div3A_818 = arith.divf %get3A_816, %div3A_817 : vector<16xf32>
    %swap3A_819 = arith.constant 320 : index
    %swap3A_820 = tpu.vector_load %arg12[%swap3A_819] {strides = array<i32>} : memref<2048xf32, #tpu.memory_space<vmem>>, vector<16xf32>,
    %swap3A_821 = vector.shape_cast %swap3A_820 : vector<16xf32> to vector<16xf32>
    %swap3A_822 = vector.shape_cast %div3A_818 : vector<16xf32> to vector<16xf32>
    tpu.vector_store %arg12[%swap3A_819], %swap3A_822 {strides = array<i32>} : memref<2048xf32, #tpu.memory_space<vmem>>, vector<16xf32>,
    %get3A_823 = arith.constant 336 : index
    %get3A_824 = tpu.vector_load %arg12[%get3A_823] {strides = array<i32>} : memref<2048xf32, #tpu.memory_space<vmem>>, vector<16xf32>,
    %get3A_825 = vector.shape_cast %get3A_824 : vector<16xf32> to vector<16xf32>
    %div3A_826 = vector.broadcast %add3A_634 : f32 to vector<16xf32>
    %div3A_827 = arith.divf %get3A_825, %div3A_826 : vector<16xf32>
    %swap3A_828 = arith.constant 336 : index
    %swap3A_829 = tpu.vector_load %arg12[%swap3A_828] {strides = array<i32>} : memref<2048xf32, #tpu.memory_space<vmem>>, vector<16xf32>,
    %swap3A_830 = vector.shape_cast %swap3A_829 : vector<16xf32> to vector<16xf32>
    %swap3A_831 = vector.shape_cast %div3A_827 : vector<16xf32> to vector<16xf32>
    tpu.vector_store %arg12[%swap3A_828], %swap3A_831 {strides = array<i32>} : memref<2048xf32, #tpu.memory_space<vmem>>, vector<16xf32>,
    %get3A_832 = arith.constant 352 : index
    %get3A_833 = tpu.vector_load %arg12[%get3A_832] {strides = array<i32>} : memref<2048xf32, #tpu.memory_space<vmem>>, vector<16xf32>,
    %get3A_834 = vector.shape_cast %get3A_833 : vector<16xf32> to vector<16xf32>
    %div3A_835 = vector.broadcast %add3A_634 : f32 to vector<16xf32>
    %div3A_836 = arith.divf %get3A_834, %div3A_835 : vector<16xf32>
    %swap3A_837 = arith.constant 352 : index
    %swap3A_838 = tpu.vector_load %arg12[%swap3A_837] {strides = array<i32>} : memref<2048xf32, #tpu.memory_space<vmem>>, vector<16xf32>,
    %swap3A_839 = vector.shape_cast %swap3A_838 : vector<16xf32> to vector<16xf32>
    %swap3A_840 = vector.shape_cast %div3A_836 : vector<16xf32> to vector<16xf32>
    tpu.vector_store %arg12[%swap3A_837], %swap3A_840 {strides = array<i32>} : memref<2048xf32, #tpu.memory_space<vmem>>, vector<16xf32>,
    %get3A_841 = arith.constant 368 : index
    %get3A_842 = tpu.vector_load %arg12[%get3A_841] {strides = array<i32>} : memref<2048xf32, #tpu.memory_space<vmem>>, vector<16xf32>,
    %get3A_843 = vector.shape_cast %get3A_842 : vector<16xf32> to vector<16xf32>
    %div3A_844 = vector.broadcast %add3A_634 : f32 to vector<16xf32>
    %div3A_845 = arith.divf %get3A_843, %div3A_844 : vector<16xf32>
    %swap3A_846 = arith.constant 368 : index
    %swap3A_847 = tpu.vector_load %arg12[%swap3A_846] {strides = array<i32>} : memref<2048xf32, #tpu.memory_space<vmem>>, vector<16xf32>,
    %swap3A_848 = vector.shape_cast %swap3A_847 : vector<16xf32> to vector<16xf32>
    %swap3A_849 = vector.shape_cast %div3A_845 : vector<16xf32> to vector<16xf32>
    tpu.vector_store %arg12[%swap3A_846], %swap3A_849 {strides = array<i32>} : memref<2048xf32, #tpu.memory_space<vmem>>, vector<16xf32>,
    %get3A_850 = arith.constant 384 : index
    %get3A_851 = tpu.vector_load %arg12[%get3A_850] {strides = array<i32>} : memref<2048xf32, #tpu.memory_space<vmem>>, vector<16xf32>,
    %get3A_852 = vector.shape_cast %get3A_851 : vector<16xf32> to vector<16xf32>
    %div3A_853 = vector.broadcast %add3A_634 : f32 to vector<16xf32>
    %div3A_854 = arith.divf %get3A_852, %div3A_853 : vector<16xf32>
    %swap3A_855 = arith.constant 384 : index
    %swap3A_856 = tpu.vector_load %arg12[%swap3A_855] {strides = array<i32>} : memref<2048xf32, #tpu.memory_space<vmem>>, vector<16xf32>,
    %swap3A_857 = vector.shape_cast %swap3A_856 : vector<16xf32> to vector<16xf32>
    %swap3A_858 = vector.shape_cast %div3A_854 : vector<16xf32> to vector<16xf32>
    tpu.vector_store %arg12[%swap3A_855], %swap3A_858 {strides = array<i32>} : memref<2048xf32, #tpu.memory_space<vmem>>, vector<16xf32>,
    %get3A_859 = arith.constant 400 : index
    %get3A_860 = tpu.vector_load %arg12[%get3A_859] {strides = array<i32>} : memref<2048xf32, #tpu.memory_space<vmem>>, vector<16xf32>,
    %get3A_861 = vector.shape_cast %get3A_860 : vector<16xf32> to vector<16xf32>
    %div3A_862 = vector.broadcast %add3A_634 : f32 to vector<16xf32>
    %div3A_863 = arith.divf %get3A_861, %div3A_862 : vector<16xf32>
    %swap3A_864 = arith.constant 400 : index
    %swap3A_865 = tpu.vector_load %arg12[%swap3A_864] {strides = array<i32>} : memref<2048xf32, #tpu.memory_space<vmem>>, vector<16xf32>,
    %swap3A_866 = vector.shape_cast %swap3A_865 : vector<16xf32> to vector<16xf32>
    %swap3A_867 = vector.shape_cast %div3A_863 : vector<16xf32> to vector<16xf32>
    tpu.vector_store %arg12[%swap3A_864], %swap3A_867 {strides = array<i32>} : memref<2048xf32, #tpu.memory_space<vmem>>, vector<16xf32>,
    %get3A_868 = arith.constant 416 : index
    %get3A_869 = tpu.vector_load %arg12[%get3A_868] {strides = array<i32>} : memref<2048xf32, #tpu.memory_space<vmem>>, vector<16xf32>,
    %get3A_870 = vector.shape_cast %get3A_869 : vector<16xf32> to vector<16xf32>
    %div3A_871 = vector.broadcast %add3A_634 : f32 to vector<16xf32>
    %div3A_872 = arith.divf %get3A_870, %div3A_871 : vector<16xf32>
    %swap3A_873 = arith.constant 416 : index
    %swap3A_874 = tpu.vector_load %arg12[%swap3A_873] {strides = array<i32>} : memref<2048xf32, #tpu.memory_space<vmem>>, vector<16xf32>,
    %swap3A_875 = vector.shape_cast %swap3A_874 : vector<16xf32> to vector<16xf32>
    %swap3A_876 = vector.shape_cast %div3A_872 : vector<16xf32> to vector<16xf32>
    tpu.vector_store %arg12[%swap3A_873], %swap3A_876 {strides = array<i32>} : memref<2048xf32, #tpu.memory_space<vmem>>, vector<16xf32>,
    %get3A_877 = arith.constant 432 : index
    %get3A_878 = tpu.vector_load %arg12[%get3A_877] {strides = array<i32>} : memref<2048xf32, #tpu.memory_space<vmem>>, vector<16xf32>,
    %get3A_879 = vector.shape_cast %get3A_878 : vector<16xf32> to vector<16xf32>
    %div3A_880 = vector.broadcast %add3A_634 : f32 to vector<16xf32>
    %div3A_881 = arith.divf %get3A_879, %div3A_880 : vector<16xf32>
    %swap3A_882 = arith.constant 432 : index
    %swap3A_883 = tpu.vector_load %arg12[%swap3A_882] {strides = array<i32>} : memref<2048xf32, #tpu.memory_space<vmem>>, vector<16xf32>,
    %swap3A_884 = vector.shape_cast %swap3A_883 : vector<16xf32> to vector<16xf32>
    %swap3A_885 = vector.shape_cast %div3A_881 : vector<16xf32> to vector<16xf32>
    tpu.vector_store %arg12[%swap3A_882], %swap3A_885 {strides = array<i32>} : memref<2048xf32, #tpu.memory_space<vmem>>, vector<16xf32>,
    %get3A_886 = arith.constant 448 : index
    %get3A_887 = tpu.vector_load %arg12[%get3A_886] {strides = array<i32>} : memref<2048xf32, #tpu.memory_space<vmem>>, vector<16xf32>,
    %get3A_888 = vector.shape_cast %get3A_887 : vector<16xf32> to vector<16xf32>
    %div3A_889 = vector.broadcast %add3A_634 : f32 to vector<16xf32>
    %div3A_890 = arith.divf %get3A_888, %div3A_889 : vector<16xf32>
    %swap3A_891 = arith.constant 448 : index
    %swap3A_892 = tpu.vector_load %arg12[%swap3A_891] {strides = array<i32>} : memref<2048xf32, #tpu.memory_space<vmem>>, vector<16xf32>,
    %swap3A_893 = vector.shape_cast %swap3A_892 : vector<16xf32> to vector<16xf32>
    %swap3A_894 = vector.shape_cast %div3A_890 : vector<16xf32> to vector<16xf32>
    tpu.vector_store %arg12[%swap3A_891], %swap3A_894 {strides = array<i32>} : memref<2048xf32, #tpu.memory_space<vmem>>, vector<16xf32>,
    %get3A_895 = arith.constant 464 : index
    %get3A_896 = tpu.vector_load %arg12[%get3A_895] {strides = array<i32>} : memref<2048xf32, #tpu.memory_space<vmem>>, vector<16xf32>,
    %get3A_897 = vector.shape_cast %get3A_896 : vector<16xf32> to vector<16xf32>
    %div3A_898 = vector.broadcast %add3A_634 : f32 to vector<16xf32>
    %div3A_899 = arith.divf %get3A_897, %div3A_898 : vector<16xf32>
    %swap3A_900 = arith.constant 464 : index
    %swap3A_901 = tpu.vector_load %arg12[%swap3A_900] {strides = array<i32>} : memref<2048xf32, #tpu.memory_space<vmem>>, vector<16xf32>,
    %swap3A_902 = vector.shape_cast %swap3A_901 : vector<16xf32> to vector<16xf32>
    %swap3A_903 = vector.shape_cast %div3A_899 : vector<16xf32> to vector<16xf32>
    tpu.vector_store %arg12[%swap3A_900], %swap3A_903 {strides = array<i32>} : memref<2048xf32, #tpu.memory_space<vmem>>, vector<16xf32>,
    %get3A_904 = arith.constant 480 : index
    %get3A_905 = tpu.vector_load %arg12[%get3A_904] {strides = array<i32>} : memref<2048xf32, #tpu.memory_space<vmem>>, vector<16xf32>,
    %get3A_906 = vector.shape_cast %get3A_905 : vector<16xf32> to vector<16xf32>
    %div3A_907 = vector.broadcast %add3A_634 : f32 to vector<16xf32>
    %div3A_908 = arith.divf %get3A_906, %div3A_907 : vector<16xf32>
    %swap3A_909 = arith.constant 480 : index
    %swap3A_910 = tpu.vector_load %arg12[%swap3A_909] {strides = array<i32>} : memref<2048xf32, #tpu.memory_space<vmem>>, vector<16xf32>,
    %swap3A_911 = vector.shape_cast %swap3A_910 : vector<16xf32> to vector<16xf32>
    %swap3A_912 = vector.shape_cast %div3A_908 : vector<16xf32> to vector<16xf32>
    tpu.vector_store %arg12[%swap3A_909], %swap3A_912 {strides = array<i32>} : memref<2048xf32, #tpu.memory_space<vmem>>, vector<16xf32>,
    %get3A_913 = arith.constant 496 : index
    %get3A_914 = tpu.vector_load %arg12[%get3A_913] {strides = array<i32>} : memref<2048xf32, #tpu.memory_space<vmem>>, vector<16xf32>,
    %get3A_915 = vector.shape_cast %get3A_914 : vector<16xf32> to vector<16xf32>
    %div3A_916 = vector.broadcast %add3A_634 : f32 to vector<16xf32>
    %div3A_917 = arith.divf %get3A_915, %div3A_916 : vector<16xf32>
    %swap3A_918 = arith.constant 496 : index
    %swap3A_919 = tpu.vector_load %arg12[%swap3A_918] {strides = array<i32>} : memref<2048xf32, #tpu.memory_space<vmem>>, vector<16xf32>,
    %swap3A_920 = vector.shape_cast %swap3A_919 : vector<16xf32> to vector<16xf32>
    %swap3A_921 = vector.shape_cast %div3A_917 : vector<16xf32> to vector<16xf32>
    tpu.vector_store %arg12[%swap3A_918], %swap3A_921 {strides = array<i32>} : memref<2048xf32, #tpu.memory_space<vmem>>, vector<16xf32>,
    %get3A_922 = arith.constant 512 : index
    %get3A_923 = tpu.vector_load %arg12[%get3A_922] {strides = array<i32>} : memref<2048xf32, #tpu.memory_space<vmem>>, vector<16xf32>,
    %get3A_924 = vector.shape_cast %get3A_923 : vector<16xf32> to vector<16xf32>
    %div3A_925 = vector.broadcast %add3A_634 : f32 to vector<16xf32>
    %div3A_926 = arith.divf %get3A_924, %div3A_925 : vector<16xf32>
    %swap3A_927 = arith.constant 512 : index
    %swap3A_928 = tpu.vector_load %arg12[%swap3A_927] {strides = array<i32>} : memref<2048xf32, #tpu.memory_space<vmem>>, vector<16xf32>,
    %swap3A_929 = vector.shape_cast %swap3A_928 : vector<16xf32> to vector<16xf32>
    %swap3A_930 = vector.shape_cast %div3A_926 : vector<16xf32> to vector<16xf32>
    tpu.vector_store %arg12[%swap3A_927], %swap3A_930 {strides = array<i32>} : memref<2048xf32, #tpu.memory_space<vmem>>, vector<16xf32>,
    %get3A_931 = arith.constant 528 : index
    %get3A_932 = tpu.vector_load %arg12[%get3A_931] {strides = array<i32>} : memref<2048xf32, #tpu.memory_space<vmem>>, vector<16xf32>,
    %get3A_933 = vector.shape_cast %get3A_932 : vector<16xf32> to vector<16xf32>
    %div3A_934 = vector.broadcast %add3A_634 : f32 to vector<16xf32>
    %div3A_935 = arith.divf %get3A_933, %div3A_934 : vector<16xf32>
    %swap3A_936 = arith.constant 528 : index
    %swap3A_937 = tpu.vector_load %arg12[%swap3A_936] {strides = array<i32>} : memref<2048xf32, #tpu.memory_space<vmem>>, vector<16xf32>,
    %swap3A_938 = vector.shape_cast %swap3A_937 : vector<16xf32> to vector<16xf32>
    %swap3A_939 = vector.shape_cast %div3A_935 : vector<16xf32> to vector<16xf32>
    tpu.vector_store %arg12[%swap3A_936], %swap3A_939 {strides = array<i32>} : memref<2048xf32, #tpu.memory_space<vmem>>, vector<16xf32>,
    %get3A_940 = arith.constant 544 : index
    %get3A_941 = tpu.vector_load %arg12[%get3A_940] {strides = array<i32>} : memref<2048xf32, #tpu.memory_space<vmem>>, vector<16xf32>,
    %get3A_942 = vector.shape_cast %get3A_941 : vector<16xf32> to vector<16xf32>
    %div3A_943 = vector.broadcast %add3A_634 : f32 to vector<16xf32>
    %div3A_944 = arith.divf %get3A_942, %div3A_943 : vector<16xf32>
    %swap3A_945 = arith.constant 544 : index
    %swap3A_946 = tpu.vector_load %arg12[%swap3A_945] {strides = array<i32>} : memref<2048xf32, #tpu.memory_space<vmem>>, vector<16xf32>,
    %swap3A_947 = vector.shape_cast %swap3A_946 : vector<16xf32> to vector<16xf32>
    %swap3A_948 = vector.shape_cast %div3A_944 : vector<16xf32> to vector<16xf32>
    tpu.vector_store %arg12[%swap3A_945], %swap3A_948 {strides = array<i32>} : memref<2048xf32, #tpu.memory_space<vmem>>, vector<16xf32>,
    %get3A_949 = arith.constant 560 : index
    %get3A_950 = tpu.vector_load %arg12[%get3A_949] {strides = array<i32>} : memref<2048xf32, #tpu.memory_space<vmem>>, vector<16xf32>,
    %get3A_951 = vector.shape_cast %get3A_950 : vector<16xf32> to vector<16xf32>
    %div3A_952 = vector.broadcast %add3A_634 : f32 to vector<16xf32>
    %div3A_953 = arith.divf %get3A_951, %div3A_952 : vector<16xf32>
    %swap3A_954 = arith.constant 560 : index
    %swap3A_955 = tpu.vector_load %arg12[%swap3A_954] {strides = array<i32>} : memref<2048xf32, #tpu.memory_space<vmem>>, vector<16xf32>,
    %swap3A_956 = vector.shape_cast %swap3A_955 : vector<16xf32> to vector<16xf32>
    %swap3A_957 = vector.shape_cast %div3A_953 : vector<16xf32> to vector<16xf32>
    tpu.vector_store %arg12[%swap3A_954], %swap3A_957 {strides = array<i32>} : memref<2048xf32, #tpu.memory_space<vmem>>, vector<16xf32>,
    %get3A_958 = arith.constant 576 : index
    %get3A_959 = tpu.vector_load %arg12[%get3A_958] {strides = array<i32>} : memref<2048xf32, #tpu.memory_space<vmem>>, vector<16xf32>,
    %get3A_960 = vector.shape_cast %get3A_959 : vector<16xf32> to vector<16xf32>
    %div3A_961 = vector.broadcast %add3A_634 : f32 to vector<16xf32>
    %div3A_962 = arith.divf %get3A_960, %div3A_961 : vector<16xf32>
    %swap3A_963 = arith.constant 576 : index
    %swap3A_964 = tpu.vector_load %arg12[%swap3A_963] {strides = array<i32>} : memref<2048xf32, #tpu.memory_space<vmem>>, vector<16xf32>,
    %swap3A_965 = vector.shape_cast %swap3A_964 : vector<16xf32> to vector<16xf32>
    %swap3A_966 = vector.shape_cast %div3A_962 : vector<16xf32> to vector<16xf32>
    tpu.vector_store %arg12[%swap3A_963], %swap3A_966 {strides = array<i32>} : memref<2048xf32, #tpu.memory_space<vmem>>, vector<16xf32>,
    %get3A_967 = arith.constant 592 : index
    %get3A_968 = tpu.vector_load %arg12[%get3A_967] {strides = array<i32>} : memref<2048xf32, #tpu.memory_space<vmem>>, vector<16xf32>,
    %get3A_969 = vector.shape_cast %get3A_968 : vector<16xf32> to vector<16xf32>
    %div3A_970 = vector.broadcast %add3A_634 : f32 to vector<16xf32>
    %div3A_971 = arith.divf %get3A_969, %div3A_970 : vector<16xf32>
    %swap3A_972 = arith.constant 592 : index
    %swap3A_973 = tpu.vector_load %arg12[%swap3A_972] {strides = array<i32>} : memref<2048xf32, #tpu.memory_space<vmem>>, vector<16xf32>,
    %swap3A_974 = vector.shape_cast %swap3A_973 : vector<16xf32> to vector<16xf32>
    %swap3A_975 = vector.shape_cast %div3A_971 : vector<16xf32> to vector<16xf32>
    tpu.vector_store %arg12[%swap3A_972], %swap3A_975 {strides = array<i32>} : memref<2048xf32, #tpu.memory_space<vmem>>, vector<16xf32>,
    %get3A_976 = arith.constant 608 : index
    %get3A_977 = tpu.vector_load %arg12[%get3A_976] {strides = array<i32>} : memref<2048xf32, #tpu.memory_space<vmem>>, vector<16xf32>,
    %get3A_978 = vector.shape_cast %get3A_977 : vector<16xf32> to vector<16xf32>
    %div3A_979 = vector.broadcast %add3A_634 : f32 to vector<16xf32>
    %div3A_980 = arith.divf %get3A_978, %div3A_979 : vector<16xf32>
    %swap3A_981 = arith.constant 608 : index
    %swap3A_982 = tpu.vector_load %arg12[%swap3A_981] {strides = array<i32>} : memref<2048xf32, #tpu.memory_space<vmem>>, vector<16xf32>,
    %swap3A_983 = vector.shape_cast %swap3A_982 : vector<16xf32> to vector<16xf32>
    %swap3A_984 = vector.shape_cast %div3A_980 : vector<16xf32> to vector<16xf32>
    tpu.vector_store %arg12[%swap3A_981], %swap3A_984 {strides = array<i32>} : memref<2048xf32, #tpu.memory_space<vmem>>, vector<16xf32>,
    %get3A_985 = arith.constant 624 : index
    %get3A_986 = tpu.vector_load %arg12[%get3A_985] {strides = array<i32>} : memref<2048xf32, #tpu.memory_space<vmem>>, vector<16xf32>,
    %get3A_987 = vector.shape_cast %get3A_986 : vector<16xf32> to vector<16xf32>
    %div3A_988 = vector.broadcast %add3A_634 : f32 to vector<16xf32>
    %div3A_989 = arith.divf %get3A_987, %div3A_988 : vector<16xf32>
    %swap3A_990 = arith.constant 624 : index
    %swap3A_991 = tpu.vector_load %arg12[%swap3A_990] {strides = array<i32>} : memref<2048xf32, #tpu.memory_space<vmem>>, vector<16xf32>,
    %swap3A_992 = vector.shape_cast %swap3A_991 : vector<16xf32> to vector<16xf32>
    %swap3A_993 = vector.shape_cast %div3A_989 : vector<16xf32> to vector<16xf32>
    tpu.vector_store %arg12[%swap3A_990], %swap3A_993 {strides = array<i32>} : memref<2048xf32, #tpu.memory_space<vmem>>, vector<16xf32>,
    %get3A_994 = arith.constant 640 : index
    %get3A_995 = tpu.vector_load %arg12[%get3A_994] {strides = array<i32>} : memref<2048xf32, #tpu.memory_space<vmem>>, vector<16xf32>,
    %get3A_996 = vector.shape_cast %get3A_995 : vector<16xf32> to vector<16xf32>
    %div3A_997 = vector.broadcast %add3A_634 : f32 to vector<16xf32>
    %div3A_998 = arith.divf %get3A_996, %div3A_997 : vector<16xf32>
    %swap3A_999 = arith.constant 640 : index
    %swap3A_1000 = tpu.vector_load %arg12[%swap3A_999] {strides = array<i32>} : memref<2048xf32, #tpu.memory_space<vmem>>, vector<16xf32>,
    %swap3A_1001 = vector.shape_cast %swap3A_1000 : vector<16xf32> to vector<16xf32>
    %swap3A_1002 = vector.shape_cast %div3A_998 : vector<16xf32> to vector<16xf32>
    tpu.vector_store %arg12[%swap3A_999], %swap3A_1002 {strides = array<i32>} : memref<2048xf32, #tpu.memory_space<vmem>>, vector<16xf32>,
    %get3A_1003 = arith.constant 656 : index
    %get3A_1004 = tpu.vector_load %arg12[%get3A_1003] {strides = array<i32>} : memref<2048xf32, #tpu.memory_space<vmem>>, vector<16xf32>,
    %get3A_1005 = vector.shape_cast %get3A_1004 : vector<16xf32> to vector<16xf32>
    %div3A_1006 = vector.broadcast %add3A_634 : f32 to vector<16xf32>
    %div3A_1007 = arith.divf %get3A_1005, %div3A_1006 : vector<16xf32>
    %swap3A_1008 = arith.constant 656 : index
    %swap3A_1009 = tpu.vector_load %arg12[%swap3A_1008] {strides = array<i32>} : memref<2048xf32, #tpu.memory_space<vmem>>, vector<16xf32>,
    %swap3A_1010 = vector.shape_cast %swap3A_1009 : vector<16xf32> to vector<16xf32>
    %swap3A_1011 = vector.shape_cast %div3A_1007 : vector<16xf32> to vector<16xf32>
    tpu.vector_store %arg12[%swap3A_1008], %swap3A_1011 {strides = array<i32>} : memref<2048xf32, #tpu.memory_space<vmem>>, vector<16xf32>,
    %get3A_1012 = arith.constant 672 : index
    %get3A_1013 = tpu.vector_load %arg12[%get3A_1012] {strides = array<i32>} : memref<2048xf32, #tpu.memory_space<vmem>>, vector<16xf32>,
    %get3A_1014 = vector.shape_cast %get3A_1013 : vector<16xf32> to vector<16xf32>
    %div3A_1015 = vector.broadcast %add3A_634 : f32 to vector<16xf32>
    %div3A_1016 = arith.divf %get3A_1014, %div3A_1015 : vector<16xf32>
    %swap3A_1017 = arith.constant 672 : index
    %swap3A_1018 = tpu.vector_load %arg12[%swap3A_1017] {strides = array<i32>} : memref<2048xf32, #tpu.memory_space<vmem>>, vector<16xf32>,
    %swap3A_1019 = vector.shape_cast %swap3A_1018 : vector<16xf32> to vector<16xf32>
    %swap3A_1020 = vector.shape_cast %div3A_1016 : vector<16xf32> to vector<16xf32>
    tpu.vector_store %arg12[%swap3A_1017], %swap3A_1020 {strides = array<i32>} : memref<2048xf32, #tpu.memory_space<vmem>>, vector<16xf32>,
    %get3A_1021 = arith.constant 688 : index
    %get3A_1022 = tpu.vector_load %arg12[%get3A_1021] {strides = array<i32>} : memref<2048xf32, #tpu.memory_space<vmem>>, vector<16xf32>,
    %get3A_1023 = vector.shape_cast %get3A_1022 : vector<16xf32> to vector<16xf32>
    %div3A_1024 = vector.broadcast %add3A_634 : f32 to vector<16xf32>
    %div3A_1025 = arith.divf %get3A_1023, %div3A_1024 : vector<16xf32>
    %swap3A_1026 = arith.constant 688 : index
    %swap3A_1027 = tpu.vector_load %arg12[%swap3A_1026] {strides = array<i32>} : memref<2048xf32, #tpu.memory_space<vmem>>, vector<16xf32>,
    %swap3A_1028 = vector.shape_cast %swap3A_1027 : vector<16xf32> to vector<16xf32>
    %swap3A_1029 = vector.shape_cast %div3A_1025 : vector<16xf32> to vector<16xf32>
    tpu.vector_store %arg12[%swap3A_1026], %swap3A_1029 {strides = array<i32>} : memref<2048xf32, #tpu.memory_space<vmem>>, vector<16xf32>,
    %get3A_1030 = arith.constant 704 : index
    %get3A_1031 = tpu.vector_load %arg12[%get3A_1030] {strides = array<i32>} : memref<2048xf32, #tpu.memory_space<vmem>>, vector<16xf32>,
    %get3A_1032 = vector.shape_cast %get3A_1031 : vector<16xf32> to vector<16xf32>
    %div3A_1033 = vector.broadcast %add3A_634 : f32 to vector<16xf32>
    %div3A_1034 = arith.divf %get3A_1032, %div3A_1033 : vector<16xf32>
    %swap3A_1035 = arith.constant 704 : index
    %swap3A_1036 = tpu.vector_load %arg12[%swap3A_1035] {strides = array<i32>} : memref<2048xf32, #tpu.memory_space<vmem>>, vector<16xf32>,
    %swap3A_1037 = vector.shape_cast %swap3A_1036 : vector<16xf32> to vector<16xf32>
    %swap3A_1038 = vector.shape_cast %div3A_1034 : vector<16xf32> to vector<16xf32>
    tpu.vector_store %arg12[%swap3A_1035], %swap3A_1038 {strides = array<i32>} : memref<2048xf32, #tpu.memory_space<vmem>>, vector<16xf32>,
    %get3A_1039 = arith.constant 720 : index
    %get3A_1040 = tpu.vector_load %arg12[%get3A_1039] {strides = array<i32>} : memref<2048xf32, #tpu.memory_space<vmem>>, vector<16xf32>,
    %get3A_1041 = vector.shape_cast %get3A_1040 : vector<16xf32> to vector<16xf32>
    %div3A_1042 = vector.broadcast %add3A_634 : f32 to vector<16xf32>
    %div3A_1043 = arith.divf %get3A_1041, %div3A_1042 : vector<16xf32>
    %swap3A_1044 = arith.constant 720 : index
    %swap3A_1045 = tpu.vector_load %arg12[%swap3A_1044] {strides = array<i32>} : memref<2048xf32, #tpu.memory_space<vmem>>, vector<16xf32>,
    %swap3A_1046 = vector.shape_cast %swap3A_1045 : vector<16xf32> to vector<16xf32>
    %swap3A_1047 = vector.shape_cast %div3A_1043 : vector<16xf32> to vector<16xf32>
    tpu.vector_store %arg12[%swap3A_1044], %swap3A_1047 {strides = array<i32>} : memref<2048xf32, #tpu.memory_space<vmem>>, vector<16xf32>,
    %get3A_1048 = arith.constant 736 : index
    %get3A_1049 = tpu.vector_load %arg12[%get3A_1048] {strides = array<i32>} : memref<2048xf32, #tpu.memory_space<vmem>>, vector<16xf32>,
    %get3A_1050 = vector.shape_cast %get3A_1049 : vector<16xf32> to vector<16xf32>
    %div3A_1051 = vector.broadcast %add3A_634 : f32 to vector<16xf32>
    %div3A_1052 = arith.divf %get3A_1050, %div3A_1051 : vector<16xf32>
    %swap3A_1053 = arith.constant 736 : index
    %swap3A_1054 = tpu.vector_load %arg12[%swap3A_1053] {strides = array<i32>} : memref<2048xf32, #tpu.memory_space<vmem>>, vector<16xf32>,
    %swap3A_1055 = vector.shape_cast %swap3A_1054 : vector<16xf32> to vector<16xf32>
    %swap3A_1056 = vector.shape_cast %div3A_1052 : vector<16xf32> to vector<16xf32>
    tpu.vector_store %arg12[%swap3A_1053], %swap3A_1056 {strides = array<i32>} : memref<2048xf32, #tpu.memory_space<vmem>>, vector<16xf32>,
    %get3A_1057 = arith.constant 752 : index
    %get3A_1058 = tpu.vector_load %arg12[%get3A_1057] {strides = array<i32>} : memref<2048xf32, #tpu.memory_space<vmem>>, vector<16xf32>,
    %get3A_1059 = vector.shape_cast %get3A_1058 : vector<16xf32> to vector<16xf32>
    %div3A_1060 = vector.broadcast %add3A_634 : f32 to vector<16xf32>
    %div3A_1061 = arith.divf %get3A_1059, %div3A_1060 : vector<16xf32>
    %swap3A_1062 = arith.constant 752 : index
    %swap3A_1063 = tpu.vector_load %arg12[%swap3A_1062] {strides = array<i32>} : memref<2048xf32, #tpu.memory_space<vmem>>, vector<16xf32>,
    %swap3A_1064 = vector.shape_cast %swap3A_1063 : vector<16xf32> to vector<16xf32>
    %swap3A_1065 = vector.shape_cast %div3A_1061 : vector<16xf32> to vector<16xf32>
    tpu.vector_store %arg12[%swap3A_1062], %swap3A_1065 {strides = array<i32>} : memref<2048xf32, #tpu.memory_space<vmem>>, vector<16xf32>,
    %get3A_1066 = arith.constant 768 : index
    %get3A_1067 = tpu.vector_load %arg12[%get3A_1066] {strides = array<i32>} : memref<2048xf32, #tpu.memory_space<vmem>>, vector<16xf32>,
    %get3A_1068 = vector.shape_cast %get3A_1067 : vector<16xf32> to vector<16xf32>
    %div3A_1069 = vector.broadcast %add3A_634 : f32 to vector<16xf32>
    %div3A_1070 = arith.divf %get3A_1068, %div3A_1069 : vector<16xf32>
    %swap3A_1071 = arith.constant 768 : index
    %swap3A_1072 = tpu.vector_load %arg12[%swap3A_1071] {strides = array<i32>} : memref<2048xf32, #tpu.memory_space<vmem>>, vector<16xf32>,
    %swap3A_1073 = vector.shape_cast %swap3A_1072 : vector<16xf32> to vector<16xf32>
    %swap3A_1074 = vector.shape_cast %div3A_1070 : vector<16xf32> to vector<16xf32>
    tpu.vector_store %arg12[%swap3A_1071], %swap3A_1074 {strides = array<i32>} : memref<2048xf32, #tpu.memory_space<vmem>>, vector<16xf32>,
    %get3A_1075 = arith.constant 784 : index
    %get3A_1076 = tpu.vector_load %arg12[%get3A_1075] {strides = array<i32>} : memref<2048xf32, #tpu.memory_space<vmem>>, vector<16xf32>,
    %get3A_1077 = vector.shape_cast %get3A_1076 : vector<16xf32> to vector<16xf32>
    %div3A_1078 = vector.broadcast %add3A_634 : f32 to vector<16xf32>
    %div3A_1079 = arith.divf %get3A_1077, %div3A_1078 : vector<16xf32>
    %swap3A_1080 = arith.constant 784 : index
    %swap3A_1081 = tpu.vector_load %arg12[%swap3A_1080] {strides = array<i32>} : memref<2048xf32, #tpu.memory_space<vmem>>, vector<16xf32>,
    %swap3A_1082 = vector.shape_cast %swap3A_1081 : vector<16xf32> to vector<16xf32>
    %swap3A_1083 = vector.shape_cast %div3A_1079 : vector<16xf32> to vector<16xf32>
    tpu.vector_store %arg12[%swap3A_1080], %swap3A_1083 {strides = array<i32>} : memref<2048xf32, #tpu.memory_space<vmem>>, vector<16xf32>,
    %get3A_1084 = arith.constant 800 : index
    %get3A_1085 = tpu.vector_load %arg12[%get3A_1084] {strides = array<i32>} : memref<2048xf32, #tpu.memory_space<vmem>>, vector<16xf32>,
    %get3A_1086 = vector.shape_cast %get3A_1085 : vector<16xf32> to vector<16xf32>
    %div3A_1087 = vector.broadcast %add3A_634 : f32 to vector<16xf32>
    %div3A_1088 = arith.divf %get3A_1086, %div3A_1087 : vector<16xf32>
    %swap3A_1089 = arith.constant 800 : index
    %swap3A_1090 = tpu.vector_load %arg12[%swap3A_1089] {strides = array<i32>} : memref<2048xf32, #tpu.memory_space<vmem>>, vector<16xf32>,
    %swap3A_1091 = vector.shape_cast %swap3A_1090 : vector<16xf32> to vector<16xf32>
    %swap3A_1092 = vector.shape_cast %div3A_1088 : vector<16xf32> to vector<16xf32>
    tpu.vector_store %arg12[%swap3A_1089], %swap3A_1092 {strides = array<i32>} : memref<2048xf32, #tpu.memory_space<vmem>>, vector<16xf32>,
    %get3A_1093 = arith.constant 816 : index
    %get3A_1094 = tpu.vector_load %arg12[%get3A_1093] {strides = array<i32>} : memref<2048xf32, #tpu.memory_space<vmem>>, vector<16xf32>,
    %get3A_1095 = vector.shape_cast %get3A_1094 : vector<16xf32> to vector<16xf32>
    %div3A_1096 = vector.broadcast %add3A_634 : f32 to vector<16xf32>
    %div3A_1097 = arith.divf %get3A_1095, %div3A_1096 : vector<16xf32>
    %swap3A_1098 = arith.constant 816 : index
    %swap3A_1099 = tpu.vector_load %arg12[%swap3A_1098] {strides = array<i32>} : memref<2048xf32, #tpu.memory_space<vmem>>, vector<16xf32>,
    %swap3A_1100 = vector.shape_cast %swap3A_1099 : vector<16xf32> to vector<16xf32>
    %swap3A_1101 = vector.shape_cast %div3A_1097 : vector<16xf32> to vector<16xf32>
    tpu.vector_store %arg12[%swap3A_1098], %swap3A_1101 {strides = array<i32>} : memref<2048xf32, #tpu.memory_space<vmem>>, vector<16xf32>,
    %get3A_1102 = arith.constant 832 : index
    %get3A_1103 = tpu.vector_load %arg12[%get3A_1102] {strides = array<i32>} : memref<2048xf32, #tpu.memory_space<vmem>>, vector<16xf32>,
    %get3A_1104 = vector.shape_cast %get3A_1103 : vector<16xf32> to vector<16xf32>
    %div3A_1105 = vector.broadcast %add3A_634 : f32 to vector<16xf32>
    %div3A_1106 = arith.divf %get3A_1104, %div3A_1105 : vector<16xf32>
    %swap3A_1107 = arith.constant 832 : index
    %swap3A_1108 = tpu.vector_load %arg12[%swap3A_1107] {strides = array<i32>} : memref<2048xf32, #tpu.memory_space<vmem>>, vector<16xf32>,
    %swap3A_1109 = vector.shape_cast %swap3A_1108 : vector<16xf32> to vector<16xf32>
    %swap3A_1110 = vector.shape_cast %div3A_1106 : vector<16xf32> to vector<16xf32>
    tpu.vector_store %arg12[%swap3A_1107], %swap3A_1110 {strides = array<i32>} : memref<2048xf32, #tpu.memory_space<vmem>>, vector<16xf32>,
    %get3A_1111 = arith.constant 848 : index
    %get3A_1112 = tpu.vector_load %arg12[%get3A_1111] {strides = array<i32>} : memref<2048xf32, #tpu.memory_space<vmem>>, vector<16xf32>,
    %get3A_1113 = vector.shape_cast %get3A_1112 : vector<16xf32> to vector<16xf32>
    %div3A_1114 = vector.broadcast %add3A_634 : f32 to vector<16xf32>
    %div3A_1115 = arith.divf %get3A_1113, %div3A_1114 : vector<16xf32>
    %swap3A_1116 = arith.constant 848 : index
    %swap3A_1117 = tpu.vector_load %arg12[%swap3A_1116] {strides = array<i32>} : memref<2048xf32, #tpu.memory_space<vmem>>, vector<16xf32>,
    %swap3A_1118 = vector.shape_cast %swap3A_1117 : vector<16xf32> to vector<16xf32>
    %swap3A_1119 = vector.shape_cast %div3A_1115 : vector<16xf32> to vector<16xf32>
    tpu.vector_store %arg12[%swap3A_1116], %swap3A_1119 {strides = array<i32>} : memref<2048xf32, #tpu.memory_space<vmem>>, vector<16xf32>,
    %get3A_1120 = arith.constant 864 : index
    %get3A_1121 = tpu.vector_load %arg12[%get3A_1120] {strides = array<i32>} : memref<2048xf32, #tpu.memory_space<vmem>>, vector<16xf32>,
    %get3A_1122 = vector.shape_cast %get3A_1121 : vector<16xf32> to vector<16xf32>
    %div3A_1123 = vector.broadcast %add3A_634 : f32 to vector<16xf32>
    %div3A_1124 = arith.divf %get3A_1122, %div3A_1123 : vector<16xf32>
    %swap3A_1125 = arith.constant 864 : index
    %swap3A_1126 = tpu.vector_load %arg12[%swap3A_1125] {strides = array<i32>} : memref<2048xf32, #tpu.memory_space<vmem>>, vector<16xf32>,
    %swap3A_1127 = vector.shape_cast %swap3A_1126 : vector<16xf32> to vector<16xf32>
    %swap3A_1128 = vector.shape_cast %div3A_1124 : vector<16xf32> to vector<16xf32>
    tpu.vector_store %arg12[%swap3A_1125], %swap3A_1128 {strides = array<i32>} : memref<2048xf32, #tpu.memory_space<vmem>>, vector<16xf32>,
    %get3A_1129 = arith.constant 880 : index
    %get3A_1130 = tpu.vector_load %arg12[%get3A_1129] {strides = array<i32>} : memref<2048xf32, #tpu.memory_space<vmem>>, vector<16xf32>,
    %get3A_1131 = vector.shape_cast %get3A_1130 : vector<16xf32> to vector<16xf32>
    %div3A_1132 = vector.broadcast %add3A_634 : f32 to vector<16xf32>
    %div3A_1133 = arith.divf %get3A_1131, %div3A_1132 : vector<16xf32>
    %swap3A_1134 = arith.constant 880 : index
    %swap3A_1135 = tpu.vector_load %arg12[%swap3A_1134] {strides = array<i32>} : memref<2048xf32, #tpu.memory_space<vmem>>, vector<16xf32>,
    %swap3A_1136 = vector.shape_cast %swap3A_1135 : vector<16xf32> to vector<16xf32>
    %swap3A_1137 = vector.shape_cast %div3A_1133 : vector<16xf32> to vector<16xf32>
    tpu.vector_store %arg12[%swap3A_1134], %swap3A_1137 {strides = array<i32>} : memref<2048xf32, #tpu.memory_space<vmem>>, vector<16xf32>,
    %get3A_1138 = arith.constant 896 : index
    %get3A_1139 = tpu.vector_load %arg12[%get3A_1138] {strides = array<i32>} : memref<2048xf32, #tpu.memory_space<vmem>>, vector<16xf32>,
    %get3A_1140 = vector.shape_cast %get3A_1139 : vector<16xf32> to vector<16xf32>
    %div3A_1141 = vector.broadcast %add3A_634 : f32 to vector<16xf32>
    %div3A_1142 = arith.divf %get3A_1140, %div3A_1141 : vector<16xf32>
    %swap3A_1143 = arith.constant 896 : index
    %swap3A_1144 = tpu.vector_load %arg12[%swap3A_1143] {strides = array<i32>} : memref<2048xf32, #tpu.memory_space<vmem>>, vector<16xf32>,
    %swap3A_1145 = vector.shape_cast %swap3A_1144 : vector<16xf32> to vector<16xf32>
    %swap3A_1146 = vector.shape_cast %div3A_1142 : vector<16xf32> to vector<16xf32>
    tpu.vector_store %arg12[%swap3A_1143], %swap3A_1146 {strides = array<i32>} : memref<2048xf32, #tpu.memory_space<vmem>>, vector<16xf32>,
    %get3A_1147 = arith.constant 912 : index
    %get3A_1148 = tpu.vector_load %arg12[%get3A_1147] {strides = array<i32>} : memref<2048xf32, #tpu.memory_space<vmem>>, vector<16xf32>,
    %get3A_1149 = vector.shape_cast %get3A_1148 : vector<16xf32> to vector<16xf32>
    %div3A_1150 = vector.broadcast %add3A_634 : f32 to vector<16xf32>
    %div3A_1151 = arith.divf %get3A_1149, %div3A_1150 : vector<16xf32>
    %swap3A_1152 = arith.constant 912 : index
    %swap3A_1153 = tpu.vector_load %arg12[%swap3A_1152] {strides = array<i32>} : memref<2048xf32, #tpu.memory_space<vmem>>, vector<16xf32>,
    %swap3A_1154 = vector.shape_cast %swap3A_1153 : vector<16xf32> to vector<16xf32>
    %swap3A_1155 = vector.shape_cast %div3A_1151 : vector<16xf32> to vector<16xf32>
    tpu.vector_store %arg12[%swap3A_1152], %swap3A_1155 {strides = array<i32>} : memref<2048xf32, #tpu.memory_space<vmem>>, vector<16xf32>,
    %get3A_1156 = arith.constant 928 : index
    %get3A_1157 = tpu.vector_load %arg12[%get3A_1156] {strides = array<i32>} : memref<2048xf32, #tpu.memory_space<vmem>>, vector<16xf32>,
    %get3A_1158 = vector.shape_cast %get3A_1157 : vector<16xf32> to vector<16xf32>
    %div3A_1159 = vector.broadcast %add3A_634 : f32 to vector<16xf32>
    %div3A_1160 = arith.divf %get3A_1158, %div3A_1159 : vector<16xf32>
    %swap3A_1161 = arith.constant 928 : index
    %swap3A_1162 = tpu.vector_load %arg12[%swap3A_1161] {strides = array<i32>} : memref<2048xf32, #tpu.memory_space<vmem>>, vector<16xf32>,
    %swap3A_1163 = vector.shape_cast %swap3A_1162 : vector<16xf32> to vector<16xf32>
    %swap3A_1164 = vector.shape_cast %div3A_1160 : vector<16xf32> to vector<16xf32>
    tpu.vector_store %arg12[%swap3A_1161], %swap3A_1164 {strides = array<i32>} : memref<2048xf32, #tpu.memory_space<vmem>>, vector<16xf32>,
    %get3A_1165 = arith.constant 944 : index
    %get3A_1166 = tpu.vector_load %arg12[%get3A_1165] {strides = array<i32>} : memref<2048xf32, #tpu.memory_space<vmem>>, vector<16xf32>,
    %get3A_1167 = vector.shape_cast %get3A_1166 : vector<16xf32> to vector<16xf32>
    %div3A_1168 = vector.broadcast %add3A_634 : f32 to vector<16xf32>
    %div3A_1169 = arith.divf %get3A_1167, %div3A_1168 : vector<16xf32>
    %swap3A_1170 = arith.constant 944 : index
    %swap3A_1171 = tpu.vector_load %arg12[%swap3A_1170] {strides = array<i32>} : memref<2048xf32, #tpu.memory_space<vmem>>, vector<16xf32>,
    %swap3A_1172 = vector.shape_cast %swap3A_1171 : vector<16xf32> to vector<16xf32>
    %swap3A_1173 = vector.shape_cast %div3A_1169 : vector<16xf32> to vector<16xf32>
    tpu.vector_store %arg12[%swap3A_1170], %swap3A_1173 {strides = array<i32>} : memref<2048xf32, #tpu.memory_space<vmem>>, vector<16xf32>,
    %get3A_1174 = arith.constant 960 : index
    %get3A_1175 = tpu.vector_load %arg12[%get3A_1174] {strides = array<i32>} : memref<2048xf32, #tpu.memory_space<vmem>>, vector<16xf32>,
    %get3A_1176 = vector.shape_cast %get3A_1175 : vector<16xf32> to vector<16xf32>
    %div3A_1177 = vector.broadcast %add3A_634 : f32 to vector<16xf32>
    %div3A_1178 = arith.divf %get3A_1176, %div3A_1177 : vector<16xf32>
    %swap3A_1179 = arith.constant 960 : index
    %swap3A_1180 = tpu.vector_load %arg12[%swap3A_1179] {strides = array<i32>} : memref<2048xf32, #tpu.memory_space<vmem>>, vector<16xf32>,
    %swap3A_1181 = vector.shape_cast %swap3A_1180 : vector<16xf32> to vector<16xf32>
    %swap3A_1182 = vector.shape_cast %div3A_1178 : vector<16xf32> to vector<16xf32>
    tpu.vector_store %arg12[%swap3A_1179], %swap3A_1182 {strides = array<i32>} : memref<2048xf32, #tpu.memory_space<vmem>>, vector<16xf32>,
    %get3A_1183 = arith.constant 976 : index
    %get3A_1184 = tpu.vector_load %arg12[%get3A_1183] {strides = array<i32>} : memref<2048xf32, #tpu.memory_space<vmem>>, vector<16xf32>,
    %get3A_1185 = vector.shape_cast %get3A_1184 : vector<16xf32> to vector<16xf32>
    %div3A_1186 = vector.broadcast %add3A_634 : f32 to vector<16xf32>
    %div3A_1187 = arith.divf %get3A_1185, %div3A_1186 : vector<16xf32>
    %swap3A_1188 = arith.constant 976 : index
    %swap3A_1189 = tpu.vector_load %arg12[%swap3A_1188] {strides = array<i32>} : memref<2048xf32, #tpu.memory_space<vmem>>, vector<16xf32>,
    %swap3A_1190 = vector.shape_cast %swap3A_1189 : vector<16xf32> to vector<16xf32>
    %swap3A_1191 = vector.shape_cast %div3A_1187 : vector<16xf32> to vector<16xf32>
    tpu.vector_store %arg12[%swap3A_1188], %swap3A_1191 {strides = array<i32>} : memref<2048xf32, #tpu.memory_space<vmem>>, vector<16xf32>,
    %get3A_1192 = arith.constant 992 : index
    %get3A_1193 = tpu.vector_load %arg12[%get3A_1192] {strides = array<i32>} : memref<2048xf32, #tpu.memory_space<vmem>>, vector<16xf32>,
    %get3A_1194 = vector.shape_cast %get3A_1193 : vector<16xf32> to vector<16xf32>
    %div3A_1195 = vector.broadcast %add3A_634 : f32 to vector<16xf32>
    %div3A_1196 = arith.divf %get3A_1194, %div3A_1195 : vector<16xf32>
    %swap3A_1197 = arith.constant 992 : index
    %swap3A_1198 = tpu.vector_load %arg12[%swap3A_1197] {strides = array<i32>} : memref<2048xf32, #tpu.memory_space<vmem>>, vector<16xf32>,
    %swap3A_1199 = vector.shape_cast %swap3A_1198 : vector<16xf32> to vector<16xf32>
    %swap3A_1200 = vector.shape_cast %div3A_1196 : vector<16xf32> to vector<16xf32>
    tpu.vector_store %arg12[%swap3A_1197], %swap3A_1200 {strides = array<i32>} : memref<2048xf32, #tpu.memory_space<vmem>>, vector<16xf32>,
    %get3A_1201 = arith.constant 1008 : index
    %get3A_1202 = tpu.vector_load %arg12[%get3A_1201] {strides = array<i32>} : memref<2048xf32, #tpu.memory_space<vmem>>, vector<16xf32>,
    %get3A_1203 = vector.shape_cast %get3A_1202 : vector<16xf32> to vector<16xf32>
    %div3A_1204 = vector.broadcast %add3A_634 : f32 to vector<16xf32>
    %div3A_1205 = arith.divf %get3A_1203, %div3A_1204 : vector<16xf32>
    %swap3A_1206 = arith.constant 1008 : index
    %swap3A_1207 = tpu.vector_load %arg12[%swap3A_1206] {strides = array<i32>} : memref<2048xf32, #tpu.memory_space<vmem>>, vector<16xf32>,
    %swap3A_1208 = vector.shape_cast %swap3A_1207 : vector<16xf32> to vector<16xf32>
    %swap3A_1209 = vector.shape_cast %div3A_1205 : vector<16xf32> to vector<16xf32>
    tpu.vector_store %arg12[%swap3A_1206], %swap3A_1209 {strides = array<i32>} : memref<2048xf32, #tpu.memory_space<vmem>>, vector<16xf32>,
    %get3A_1210 = arith.constant 1024 : index
    %get3A_1211 = tpu.vector_load %arg12[%get3A_1210] {strides = array<i32>} : memref<2048xf32, #tpu.memory_space<vmem>>, vector<16xf32>,
    %get3A_1212 = vector.shape_cast %get3A_1211 : vector<16xf32> to vector<16xf32>
    %div3A_1213 = vector.broadcast %add3A_634 : f32 to vector<16xf32>
    %div3A_1214 = arith.divf %get3A_1212, %div3A_1213 : vector<16xf32>
    %swap3A_1215 = arith.constant 1024 : index
    %swap3A_1216 = tpu.vector_load %arg12[%swap3A_1215] {strides = array<i32>} : memref<2048xf32, #tpu.memory_space<vmem>>, vector<16xf32>,
    %swap3A_1217 = vector.shape_cast %swap3A_1216 : vector<16xf32> to vector<16xf32>
    %swap3A_1218 = vector.shape_cast %div3A_1214 : vector<16xf32> to vector<16xf32>
    tpu.vector_store %arg12[%swap3A_1215], %swap3A_1218 {strides = array<i32>} : memref<2048xf32, #tpu.memory_space<vmem>>, vector<16xf32>,
    %get3A_1219 = arith.constant 1040 : index
    %get3A_1220 = tpu.vector_load %arg12[%get3A_1219] {strides = array<i32>} : memref<2048xf32, #tpu.memory_space<vmem>>, vector<16xf32>,
    %get3A_1221 = vector.shape_cast %get3A_1220 : vector<16xf32> to vector<16xf32>
    %div3A_1222 = vector.broadcast %add3A_634 : f32 to vector<16xf32>
    %div3A_1223 = arith.divf %get3A_1221, %div3A_1222 : vector<16xf32>
    %swap3A_1224 = arith.constant 1040 : index
    %swap3A_1225 = tpu.vector_load %arg12[%swap3A_1224] {strides = array<i32>} : memref<2048xf32, #tpu.memory_space<vmem>>, vector<16xf32>,
    %swap3A_1226 = vector.shape_cast %swap3A_1225 : vector<16xf32> to vector<16xf32>
    %swap3A_1227 = vector.shape_cast %div3A_1223 : vector<16xf32> to vector<16xf32>
    tpu.vector_store %arg12[%swap3A_1224], %swap3A_1227 {strides = array<i32>} : memref<2048xf32, #tpu.memory_space<vmem>>, vector<16xf32>,
    %get3A_1228 = arith.constant 1056 : index
    %get3A_1229 = tpu.vector_load %arg12[%get3A_1228] {strides = array<i32>} : memref<2048xf32, #tpu.memory_space<vmem>>, vector<16xf32>,
    %get3A_1230 = vector.shape_cast %get3A_1229 : vector<16xf32> to vector<16xf32>
    %div3A_1231 = vector.broadcast %add3A_634 : f32 to vector<16xf32>
    %div3A_1232 = arith.divf %get3A_1230, %div3A_1231 : vector<16xf32>
    %swap3A_1233 = arith.constant 1056 : index
    %swap3A_1234 = tpu.vector_load %arg12[%swap3A_1233] {strides = array<i32>} : memref<2048xf32, #tpu.memory_space<vmem>>, vector<16xf32>,
    %swap3A_1235 = vector.shape_cast %swap3A_1234 : vector<16xf32> to vector<16xf32>
    %swap3A_1236 = vector.shape_cast %div3A_1232 : vector<16xf32> to vector<16xf32>
    tpu.vector_store %arg12[%swap3A_1233], %swap3A_1236 {strides = array<i32>} : memref<2048xf32, #tpu.memory_space<vmem>>, vector<16xf32>,
    %get3A_1237 = arith.constant 1072 : index
    %get3A_1238 = tpu.vector_load %arg12[%get3A_1237] {strides = array<i32>} : memref<2048xf32, #tpu.memory_space<vmem>>, vector<16xf32>,
    %get3A_1239 = vector.shape_cast %get3A_1238 : vector<16xf32> to vector<16xf32>
    %div3A_1240 = vector.broadcast %add3A_634 : f32 to vector<16xf32>
    %div3A_1241 = arith.divf %get3A_1239, %div3A_1240 : vector<16xf32>
    %swap3A_1242 = arith.constant 1072 : index
    %swap3A_1243 = tpu.vector_load %arg12[%swap3A_1242] {strides = array<i32>} : memref<2048xf32, #tpu.memory_space<vmem>>, vector<16xf32>,
    %swap3A_1244 = vector.shape_cast %swap3A_1243 : vector<16xf32> to vector<16xf32>
    %swap3A_1245 = vector.shape_cast %div3A_1241 : vector<16xf32> to vector<16xf32>
    tpu.vector_store %arg12[%swap3A_1242], %swap3A_1245 {strides = array<i32>} : memref<2048xf32, #tpu.memory_space<vmem>>, vector<16xf32>,
    %get3A_1246 = arith.constant 1088 : index
    %get3A_1247 = tpu.vector_load %arg12[%get3A_1246] {strides = array<i32>} : memref<2048xf32, #tpu.memory_space<vmem>>, vector<16xf32>,
    %get3A_1248 = vector.shape_cast %get3A_1247 : vector<16xf32> to vector<16xf32>
    %div3A_1249 = vector.broadcast %add3A_634 : f32 to vector<16xf32>
    %div3A_1250 = arith.divf %get3A_1248, %div3A_1249 : vector<16xf32>
    %swap3A_1251 = arith.constant 1088 : index
    %swap3A_1252 = tpu.vector_load %arg12[%swap3A_1251] {strides = array<i32>} : memref<2048xf32, #tpu.memory_space<vmem>>, vector<16xf32>,
    %swap3A_1253 = vector.shape_cast %swap3A_1252 : vector<16xf32> to vector<16xf32>
    %swap3A_1254 = vector.shape_cast %div3A_1250 : vector<16xf32> to vector<16xf32>
    tpu.vector_store %arg12[%swap3A_1251], %swap3A_1254 {strides = array<i32>} : memref<2048xf32, #tpu.memory_space<vmem>>, vector<16xf32>,
    %get3A_1255 = arith.constant 1104 : index
    %get3A_1256 = tpu.vector_load %arg12[%get3A_1255] {strides = array<i32>} : memref<2048xf32, #tpu.memory_space<vmem>>, vector<16xf32>,
    %get3A_1257 = vector.shape_cast %get3A_1256 : vector<16xf32> to vector<16xf32>
    %div3A_1258 = vector.broadcast %add3A_634 : f32 to vector<16xf32>
    %div3A_1259 = arith.divf %get3A_1257, %div3A_1258 : vector<16xf32>
    %swap3A_1260 = arith.constant 1104 : index
    %swap3A_1261 = tpu.vector_load %arg12[%swap3A_1260] {strides = array<i32>} : memref<2048xf32, #tpu.memory_space<vmem>>, vector<16xf32>,
    %swap3A_1262 = vector.shape_cast %swap3A_1261 : vector<16xf32> to vector<16xf32>
    %swap3A_1263 = vector.shape_cast %div3A_1259 : vector<16xf32> to vector<16xf32>
    tpu.vector_store %arg12[%swap3A_1260], %swap3A_1263 {strides = array<i32>} : memref<2048xf32, #tpu.memory_space<vmem>>, vector<16xf32>,
    %get3A_1264 = arith.constant 1120 : index
    %get3A_1265 = tpu.vector_load %arg12[%get3A_1264] {strides = array<i32>} : memref<2048xf32, #tpu.memory_space<vmem>>, vector<16xf32>,
    %get3A_1266 = vector.shape_cast %get3A_1265 : vector<16xf32> to vector<16xf32>
    %div3A_1267 = vector.broadcast %add3A_634 : f32 to vector<16xf32>
    %div3A_1268 = arith.divf %get3A_1266, %div3A_1267 : vector<16xf32>
    %swap3A_1269 = arith.constant 1120 : index
    %swap3A_1270 = tpu.vector_load %arg12[%swap3A_1269] {strides = array<i32>} : memref<2048xf32, #tpu.memory_space<vmem>>, vector<16xf32>,
    %swap3A_1271 = vector.shape_cast %swap3A_1270 : vector<16xf32> to vector<16xf32>
    %swap3A_1272 = vector.shape_cast %div3A_1268 : vector<16xf32> to vector<16xf32>
    tpu.vector_store %arg12[%swap3A_1269], %swap3A_1272 {strides = array<i32>} : memref<2048xf32, #tpu.memory_space<vmem>>, vector<16xf32>,
    %get3A_1273 = arith.constant 1136 : index
    %get3A_1274 = tpu.vector_load %arg12[%get3A_1273] {strides = array<i32>} : memref<2048xf32, #tpu.memory_space<vmem>>, vector<16xf32>,
    %get3A_1275 = vector.shape_cast %get3A_1274 : vector<16xf32> to vector<16xf32>
    %div3A_1276 = vector.broadcast %add3A_634 : f32 to vector<16xf32>
    %div3A_1277 = arith.divf %get3A_1275, %div3A_1276 : vector<16xf32>
    %swap3A_1278 = arith.constant 1136 : index
    %swap3A_1279 = tpu.vector_load %arg12[%swap3A_1278] {strides = array<i32>} : memref<2048xf32, #tpu.memory_space<vmem>>, vector<16xf32>,
    %swap3A_1280 = vector.shape_cast %swap3A_1279 : vector<16xf32> to vector<16xf32>
    %swap3A_1281 = vector.shape_cast %div3A_1277 : vector<16xf32> to vector<16xf32>
    tpu.vector_store %arg12[%swap3A_1278], %swap3A_1281 {strides = array<i32>} : memref<2048xf32, #tpu.memory_space<vmem>>, vector<16xf32>,
    %get3A_1282 = arith.constant 1152 : index
    %get3A_1283 = tpu.vector_load %arg12[%get3A_1282] {strides = array<i32>} : memref<2048xf32, #tpu.memory_space<vmem>>, vector<16xf32>,
    %get3A_1284 = vector.shape_cast %get3A_1283 : vector<16xf32> to vector<16xf32>
    %div3A_1285 = vector.broadcast %add3A_634 : f32 to vector<16xf32>
    %div3A_1286 = arith.divf %get3A_1284, %div3A_1285 : vector<16xf32>
    %swap3A_1287 = arith.constant 1152 : index
    %swap3A_1288 = tpu.vector_load %arg12[%swap3A_1287] {strides = array<i32>} : memref<2048xf32, #tpu.memory_space<vmem>>, vector<16xf32>,
    %swap3A_1289 = vector.shape_cast %swap3A_1288 : vector<16xf32> to vector<16xf32>
    %swap3A_1290 = vector.shape_cast %div3A_1286 : vector<16xf32> to vector<16xf32>
    tpu.vector_store %arg12[%swap3A_1287], %swap3A_1290 {strides = array<i32>} : memref<2048xf32, #tpu.memory_space<vmem>>, vector<16xf32>,
    %get3A_1291 = arith.constant 1168 : index
    %get3A_1292 = tpu.vector_load %arg12[%get3A_1291] {strides = array<i32>} : memref<2048xf32, #tpu.memory_space<vmem>>, vector<16xf32>,
    %get3A_1293 = vector.shape_cast %get3A_1292 : vector<16xf32> to vector<16xf32>
    %div3A_1294 = vector.broadcast %add3A_634 : f32 to vector<16xf32>
    %div3A_1295 = arith.divf %get3A_1293, %div3A_1294 : vector<16xf32>
    %swap3A_1296 = arith.constant 1168 : index
    %swap3A_1297 = tpu.vector_load %arg12[%swap3A_1296] {strides = array<i32>} : memref<2048xf32, #tpu.memory_space<vmem>>, vector<16xf32>,
    %swap3A_1298 = vector.shape_cast %swap3A_1297 : vector<16xf32> to vector<16xf32>
    %swap3A_1299 = vector.shape_cast %div3A_1295 : vector<16xf32> to vector<16xf32>
    tpu.vector_store %arg12[%swap3A_1296], %swap3A_1299 {strides = array<i32>} : memref<2048xf32, #tpu.memory_space<vmem>>, vector<16xf32>,
    %get3A_1300 = arith.constant 1184 : index
    %get3A_1301 = tpu.vector_load %arg12[%get3A_1300] {strides = array<i32>} : memref<2048xf32, #tpu.memory_space<vmem>>, vector<16xf32>,
    %get3A_1302 = vector.shape_cast %get3A_1301 : vector<16xf32> to vector<16xf32>
    %div3A_1303 = vector.broadcast %add3A_634 : f32 to vector<16xf32>
    %div3A_1304 = arith.divf %get3A_1302, %div3A_1303 : vector<16xf32>
    %swap3A_1305 = arith.constant 1184 : index
    %swap3A_1306 = tpu.vector_load %arg12[%swap3A_1305] {strides = array<i32>} : memref<2048xf32, #tpu.memory_space<vmem>>, vector<16xf32>,
    %swap3A_1307 = vector.shape_cast %swap3A_1306 : vector<16xf32> to vector<16xf32>
    %swap3A_1308 = vector.shape_cast %div3A_1304 : vector<16xf32> to vector<16xf32>
    tpu.vector_store %arg12[%swap3A_1305], %swap3A_1308 {strides = array<i32>} : memref<2048xf32, #tpu.memory_space<vmem>>, vector<16xf32>,
    %get3A_1309 = arith.constant 1200 : index
    %get3A_1310 = tpu.vector_load %arg12[%get3A_1309] {strides = array<i32>} : memref<2048xf32, #tpu.memory_space<vmem>>, vector<16xf32>,
    %get3A_1311 = vector.shape_cast %get3A_1310 : vector<16xf32> to vector<16xf32>
    %div3A_1312 = vector.broadcast %add3A_634 : f32 to vector<16xf32>
    %div3A_1313 = arith.divf %get3A_1311, %div3A_1312 : vector<16xf32>
    %swap3A_1314 = arith.constant 1200 : index
    %swap3A_1315 = tpu.vector_load %arg12[%swap3A_1314] {strides = array<i32>} : memref<2048xf32, #tpu.memory_space<vmem>>, vector<16xf32>,
    %swap3A_1316 = vector.shape_cast %swap3A_1315 : vector<16xf32> to vector<16xf32>
    %swap3A_1317 = vector.shape_cast %div3A_1313 : vector<16xf32> to vector<16xf32>
    tpu.vector_store %arg12[%swap3A_1314], %swap3A_1317 {strides = array<i32>} : memref<2048xf32, #tpu.memory_space<vmem>>, vector<16xf32>,
    %get3A_1318 = arith.constant 1216 : index
    %get3A_1319 = tpu.vector_load %arg12[%get3A_1318] {strides = array<i32>} : memref<2048xf32, #tpu.memory_space<vmem>>, vector<16xf32>,
    %get3A_1320 = vector.shape_cast %get3A_1319 : vector<16xf32> to vector<16xf32>
    %div3A_1321 = vector.broadcast %add3A_634 : f32 to vector<16xf32>
    %div3A_1322 = arith.divf %get3A_1320, %div3A_1321 : vector<16xf32>
    %swap3A_1323 = arith.constant 1216 : index
    %swap3A_1324 = tpu.vector_load %arg12[%swap3A_1323] {strides = array<i32>} : memref<2048xf32, #tpu.memory_space<vmem>>, vector<16xf32>,
    %swap3A_1325 = vector.shape_cast %swap3A_1324 : vector<16xf32> to vector<16xf32>
    %swap3A_1326 = vector.shape_cast %div3A_1322 : vector<16xf32> to vector<16xf32>
    tpu.vector_store %arg12[%swap3A_1323], %swap3A_1326 {strides = array<i32>} : memref<2048xf32, #tpu.memory_space<vmem>>, vector<16xf32>,
    %get3A_1327 = arith.constant 1232 : index
    %get3A_1328 = tpu.vector_load %arg12[%get3A_1327] {strides = array<i32>} : memref<2048xf32, #tpu.memory_space<vmem>>, vector<16xf32>,
    %get3A_1329 = vector.shape_cast %get3A_1328 : vector<16xf32> to vector<16xf32>
    %div3A_1330 = vector.broadcast %add3A_634 : f32 to vector<16xf32>
    %div3A_1331 = arith.divf %get3A_1329, %div3A_1330 : vector<16xf32>
    %swap3A_1332 = arith.constant 1232 : index
    %swap3A_1333 = tpu.vector_load %arg12[%swap3A_1332] {strides = array<i32>} : memref<2048xf32, #tpu.memory_space<vmem>>, vector<16xf32>,
    %swap3A_1334 = vector.shape_cast %swap3A_1333 : vector<16xf32> to vector<16xf32>
    %swap3A_1335 = vector.shape_cast %div3A_1331 : vector<16xf32> to vector<16xf32>
    tpu.vector_store %arg12[%swap3A_1332], %swap3A_1335 {strides = array<i32>} : memref<2048xf32, #tpu.memory_space<vmem>>, vector<16xf32>,
    %get3A_1336 = arith.constant 1248 : index
    %get3A_1337 = tpu.vector_load %arg12[%get3A_1336] {strides = array<i32>} : memref<2048xf32, #tpu.memory_space<vmem>>, vector<16xf32>,
    %get3A_1338 = vector.shape_cast %get3A_1337 : vector<16xf32> to vector<16xf32>
    %div3A_1339 = vector.broadcast %add3A_634 : f32 to vector<16xf32>
    %div3A_1340 = arith.divf %get3A_1338, %div3A_1339 : vector<16xf32>
    %swap3A_1341 = arith.constant 1248 : index
    %swap3A_1342 = tpu.vector_load %arg12[%swap3A_1341] {strides = array<i32>} : memref<2048xf32, #tpu.memory_space<vmem>>, vector<16xf32>,
    %swap3A_1343 = vector.shape_cast %swap3A_1342 : vector<16xf32> to vector<16xf32>
    %swap3A_1344 = vector.shape_cast %div3A_1340 : vector<16xf32> to vector<16xf32>
    tpu.vector_store %arg12[%swap3A_1341], %swap3A_1344 {strides = array<i32>} : memref<2048xf32, #tpu.memory_space<vmem>>, vector<16xf32>,
    %get3A_1345 = arith.constant 1264 : index
    %get3A_1346 = tpu.vector_load %arg12[%get3A_1345] {strides = array<i32>} : memref<2048xf32, #tpu.memory_space<vmem>>, vector<16xf32>,
    %get3A_1347 = vector.shape_cast %get3A_1346 : vector<16xf32> to vector<16xf32>
    %div3A_1348 = vector.broadcast %add3A_634 : f32 to vector<16xf32>
    %div3A_1349 = arith.divf %get3A_1347, %div3A_1348 : vector<16xf32>
    %swap3A_1350 = arith.constant 1264 : index
    %swap3A_1351 = tpu.vector_load %arg12[%swap3A_1350] {strides = array<i32>} : memref<2048xf32, #tpu.memory_space<vmem>>, vector<16xf32>,
    %swap3A_1352 = vector.shape_cast %swap3A_1351 : vector<16xf32> to vector<16xf32>
    %swap3A_1353 = vector.shape_cast %div3A_1349 : vector<16xf32> to vector<16xf32>
    tpu.vector_store %arg12[%swap3A_1350], %swap3A_1353 {strides = array<i32>} : memref<2048xf32, #tpu.memory_space<vmem>>, vector<16xf32>,
    %get3A_1354 = arith.constant 1280 : index
    %get3A_1355 = tpu.vector_load %arg12[%get3A_1354] {strides = array<i32>} : memref<2048xf32, #tpu.memory_space<vmem>>, vector<16xf32>,
    %get3A_1356 = vector.shape_cast %get3A_1355 : vector<16xf32> to vector<16xf32>
    %div3A_1357 = vector.broadcast %add3A_634 : f32 to vector<16xf32>
    %div3A_1358 = arith.divf %get3A_1356, %div3A_1357 : vector<16xf32>
    %swap3A_1359 = arith.constant 1280 : index
    %swap3A_1360 = tpu.vector_load %arg12[%swap3A_1359] {strides = array<i32>} : memref<2048xf32, #tpu.memory_space<vmem>>, vector<16xf32>,
    %swap3A_1361 = vector.shape_cast %swap3A_1360 : vector<16xf32> to vector<16xf32>
    %swap3A_1362 = vector.shape_cast %div3A_1358 : vector<16xf32> to vector<16xf32>
    tpu.vector_store %arg12[%swap3A_1359], %swap3A_1362 {strides = array<i32>} : memref<2048xf32, #tpu.memory_space<vmem>>, vector<16xf32>,
    %get3A_1363 = arith.constant 1296 : index
    %get3A_1364 = tpu.vector_load %arg12[%get3A_1363] {strides = array<i32>} : memref<2048xf32, #tpu.memory_space<vmem>>, vector<16xf32>,
    %get3A_1365 = vector.shape_cast %get3A_1364 : vector<16xf32> to vector<16xf32>
    %div3A_1366 = vector.broadcast %add3A_634 : f32 to vector<16xf32>
    %div3A_1367 = arith.divf %get3A_1365, %div3A_1366 : vector<16xf32>
    %swap3A_1368 = arith.constant 1296 : index
    %swap3A_1369 = tpu.vector_load %arg12[%swap3A_1368] {strides = array<i32>} : memref<2048xf32, #tpu.memory_space<vmem>>, vector<16xf32>,
    %swap3A_1370 = vector.shape_cast %swap3A_1369 : vector<16xf32> to vector<16xf32>
    %swap3A_1371 = vector.shape_cast %div3A_1367 : vector<16xf32> to vector<16xf32>
    tpu.vector_store %arg12[%swap3A_1368], %swap3A_1371 {strides = array<i32>} : memref<2048xf32, #tpu.memory_space<vmem>>, vector<16xf32>,
    %get3A_1372 = arith.constant 1312 : index
    %get3A_1373 = tpu.vector_load %arg12[%get3A_1372] {strides = array<i32>} : memref<2048xf32, #tpu.memory_space<vmem>>, vector<16xf32>,
    %get3A_1374 = vector.shape_cast %get3A_1373 : vector<16xf32> to vector<16xf32>
    %div3A_1375 = vector.broadcast %add3A_634 : f32 to vector<16xf32>
    %div3A_1376 = arith.divf %get3A_1374, %div3A_1375 : vector<16xf32>
    %swap3A_1377 = arith.constant 1312 : index
    %swap3A_1378 = tpu.vector_load %arg12[%swap3A_1377] {strides = array<i32>} : memref<2048xf32, #tpu.memory_space<vmem>>, vector<16xf32>,
    %swap3A_1379 = vector.shape_cast %swap3A_1378 : vector<16xf32> to vector<16xf32>
    %swap3A_1380 = vector.shape_cast %div3A_1376 : vector<16xf32> to vector<16xf32>
    tpu.vector_store %arg12[%swap3A_1377], %swap3A_1380 {strides = array<i32>} : memref<2048xf32, #tpu.memory_space<vmem>>, vector<16xf32>,
    %get3A_1381 = arith.constant 1328 : index
    %get3A_1382 = tpu.vector_load %arg12[%get3A_1381] {strides = array<i32>} : memref<2048xf32, #tpu.memory_space<vmem>>, vector<16xf32>,
    %get3A_1383 = vector.shape_cast %get3A_1382 : vector<16xf32> to vector<16xf32>
    %div3A_1384 = vector.broadcast %add3A_634 : f32 to vector<16xf32>
    %div3A_1385 = arith.divf %get3A_1383, %div3A_1384 : vector<16xf32>
    %swap3A_1386 = arith.constant 1328 : index
    %swap3A_1387 = tpu.vector_load %arg12[%swap3A_1386] {strides = array<i32>} : memref<2048xf32, #tpu.memory_space<vmem>>, vector<16xf32>,
    %swap3A_1388 = vector.shape_cast %swap3A_1387 : vector<16xf32> to vector<16xf32>
    %swap3A_1389 = vector.shape_cast %div3A_1385 : vector<16xf32> to vector<16xf32>
    tpu.vector_store %arg12[%swap3A_1386], %swap3A_1389 {strides = array<i32>} : memref<2048xf32, #tpu.memory_space<vmem>>, vector<16xf32>,
    %get3A_1390 = arith.constant 1344 : index
    %get3A_1391 = tpu.vector_load %arg12[%get3A_1390] {strides = array<i32>} : memref<2048xf32, #tpu.memory_space<vmem>>, vector<16xf32>,
    %get3A_1392 = vector.shape_cast %get3A_1391 : vector<16xf32> to vector<16xf32>
    %div3A_1393 = vector.broadcast %add3A_634 : f32 to vector<16xf32>
    %div3A_1394 = arith.divf %get3A_1392, %div3A_1393 : vector<16xf32>
    %swap3A_1395 = arith.constant 1344 : index
    %swap3A_1396 = tpu.vector_load %arg12[%swap3A_1395] {strides = array<i32>} : memref<2048xf32, #tpu.memory_space<vmem>>, vector<16xf32>,
    %swap3A_1397 = vector.shape_cast %swap3A_1396 : vector<16xf32> to vector<16xf32>
    %swap3A_1398 = vector.shape_cast %div3A_1394 : vector<16xf32> to vector<16xf32>
    tpu.vector_store %arg12[%swap3A_1395], %swap3A_1398 {strides = array<i32>} : memref<2048xf32, #tpu.memory_space<vmem>>, vector<16xf32>,
    %get3A_1399 = arith.constant 1360 : index
    %get3A_1400 = tpu.vector_load %arg12[%get3A_1399] {strides = array<i32>} : memref<2048xf32, #tpu.memory_space<vmem>>, vector<16xf32>,
    %get3A_1401 = vector.shape_cast %get3A_1400 : vector<16xf32> to vector<16xf32>
    %div3A_1402 = vector.broadcast %add3A_634 : f32 to vector<16xf32>
    %div3A_1403 = arith.divf %get3A_1401, %div3A_1402 : vector<16xf32>
    %swap3A_1404 = arith.constant 1360 : index
    %swap3A_1405 = tpu.vector_load %arg12[%swap3A_1404] {strides = array<i32>} : memref<2048xf32, #tpu.memory_space<vmem>>, vector<16xf32>,
    %swap3A_1406 = vector.shape_cast %swap3A_1405 : vector<16xf32> to vector<16xf32>
    %swap3A_1407 = vector.shape_cast %div3A_1403 : vector<16xf32> to vector<16xf32>
    tpu.vector_store %arg12[%swap3A_1404], %swap3A_1407 {strides = array<i32>} : memref<2048xf32, #tpu.memory_space<vmem>>, vector<16xf32>,
    %get3A_1408 = arith.constant 1376 : index
    %get3A_1409 = tpu.vector_load %arg12[%get3A_1408] {strides = array<i32>} : memref<2048xf32, #tpu.memory_space<vmem>>, vector<16xf32>,
    %get3A_1410 = vector.shape_cast %get3A_1409 : vector<16xf32> to vector<16xf32>
    %div3A_1411 = vector.broadcast %add3A_634 : f32 to vector<16xf32>
    %div3A_1412 = arith.divf %get3A_1410, %div3A_1411 : vector<16xf32>
    %swap3A_1413 = arith.constant 1376 : index
    %swap3A_1414 = tpu.vector_load %arg12[%swap3A_1413] {strides = array<i32>} : memref<2048xf32, #tpu.memory_space<vmem>>, vector<16xf32>,
    %swap3A_1415 = vector.shape_cast %swap3A_1414 : vector<16xf32> to vector<16xf32>
    %swap3A_1416 = vector.shape_cast %div3A_1412 : vector<16xf32> to vector<16xf32>
    tpu.vector_store %arg12[%swap3A_1413], %swap3A_1416 {strides = array<i32>} : memref<2048xf32, #tpu.memory_space<vmem>>, vector<16xf32>,
    %get3A_1417 = arith.constant 1392 : index
    %get3A_1418 = tpu.vector_load %arg12[%get3A_1417] {strides = array<i32>} : memref<2048xf32, #tpu.memory_space<vmem>>, vector<16xf32>,
    %get3A_1419 = vector.shape_cast %get3A_1418 : vector<16xf32> to vector<16xf32>
    %div3A_1420 = vector.broadcast %add3A_634 : f32 to vector<16xf32>
    %div3A_1421 = arith.divf %get3A_1419, %div3A_1420 : vector<16xf32>
    %swap3A_1422 = arith.constant 1392 : index
    %swap3A_1423 = tpu.vector_load %arg12[%swap3A_1422] {strides = array<i32>} : memref<2048xf32, #tpu.memory_space<vmem>>, vector<16xf32>,
    %swap3A_1424 = vector.shape_cast %swap3A_1423 : vector<16xf32> to vector<16xf32>
    %swap3A_1425 = vector.shape_cast %div3A_1421 : vector<16xf32> to vector<16xf32>
    tpu.vector_store %arg12[%swap3A_1422], %swap3A_1425 {strides = array<i32>} : memref<2048xf32, #tpu.memory_space<vmem>>, vector<16xf32>,
    %get3A_1426 = arith.constant 1408 : index
    %get3A_1427 = tpu.vector_load %arg12[%get3A_1426] {strides = array<i32>} : memref<2048xf32, #tpu.memory_space<vmem>>, vector<16xf32>,
    %get3A_1428 = vector.shape_cast %get3A_1427 : vector<16xf32> to vector<16xf32>
    %div3A_1429 = vector.broadcast %add3A_634 : f32 to vector<16xf32>
    %div3A_1430 = arith.divf %get3A_1428, %div3A_1429 : vector<16xf32>
    %swap3A_1431 = arith.constant 1408 : index
    %swap3A_1432 = tpu.vector_load %arg12[%swap3A_1431] {strides = array<i32>} : memref<2048xf32, #tpu.memory_space<vmem>>, vector<16xf32>,
    %swap3A_1433 = vector.shape_cast %swap3A_1432 : vector<16xf32> to vector<16xf32>
    %swap3A_1434 = vector.shape_cast %div3A_1430 : vector<16xf32> to vector<16xf32>
    tpu.vector_store %arg12[%swap3A_1431], %swap3A_1434 {strides = array<i32>} : memref<2048xf32, #tpu.memory_space<vmem>>, vector<16xf32>,
    %get3A_1435 = arith.constant 1424 : index
    %get3A_1436 = tpu.vector_load %arg12[%get3A_1435] {strides = array<i32>} : memref<2048xf32, #tpu.memory_space<vmem>>, vector<16xf32>,
    %get3A_1437 = vector.shape_cast %get3A_1436 : vector<16xf32> to vector<16xf32>
    %div3A_1438 = vector.broadcast %add3A_634 : f32 to vector<16xf32>
    %div3A_1439 = arith.divf %get3A_1437, %div3A_1438 : vector<16xf32>
    %swap3A_1440 = arith.constant 1424 : index
    %swap3A_1441 = tpu.vector_load %arg12[%swap3A_1440] {strides = array<i32>} : memref<2048xf32, #tpu.memory_space<vmem>>, vector<16xf32>,
    %swap3A_1442 = vector.shape_cast %swap3A_1441 : vector<16xf32> to vector<16xf32>
    %swap3A_1443 = vector.shape_cast %div3A_1439 : vector<16xf32> to vector<16xf32>
    tpu.vector_store %arg12[%swap3A_1440], %swap3A_1443 {strides = array<i32>} : memref<2048xf32, #tpu.memory_space<vmem>>, vector<16xf32>,
    %get3A_1444 = arith.constant 1440 : index
    %get3A_1445 = tpu.vector_load %arg12[%get3A_1444] {strides = array<i32>} : memref<2048xf32, #tpu.memory_space<vmem>>, vector<16xf32>,
    %get3A_1446 = vector.shape_cast %get3A_1445 : vector<16xf32> to vector<16xf32>
    %div3A_1447 = vector.broadcast %add3A_634 : f32 to vector<16xf32>
    %div3A_1448 = arith.divf %get3A_1446, %div3A_1447 : vector<16xf32>
    %swap3A_1449 = arith.constant 1440 : index
    %swap3A_1450 = tpu.vector_load %arg12[%swap3A_1449] {strides = array<i32>} : memref<2048xf32, #tpu.memory_space<vmem>>, vector<16xf32>,
    %swap3A_1451 = vector.shape_cast %swap3A_1450 : vector<16xf32> to vector<16xf32>
    %swap3A_1452 = vector.shape_cast %div3A_1448 : vector<16xf32> to vector<16xf32>
    tpu.vector_store %arg12[%swap3A_1449], %swap3A_1452 {strides = array<i32>} : memref<2048xf32, #tpu.memory_space<vmem>>, vector<16xf32>,
    %get3A_1453 = arith.constant 1456 : index
    %get3A_1454 = tpu.vector_load %arg12[%get3A_1453] {strides = array<i32>} : memref<2048xf32, #tpu.memory_space<vmem>>, vector<16xf32>,
    %get3A_1455 = vector.shape_cast %get3A_1454 : vector<16xf32> to vector<16xf32>
    %div3A_1456 = vector.broadcast %add3A_634 : f32 to vector<16xf32>
    %div3A_1457 = arith.divf %get3A_1455, %div3A_1456 : vector<16xf32>
    %swap3A_1458 = arith.constant 1456 : index
    %swap3A_1459 = tpu.vector_load %arg12[%swap3A_1458] {strides = array<i32>} : memref<2048xf32, #tpu.memory_space<vmem>>, vector<16xf32>,
    %swap3A_1460 = vector.shape_cast %swap3A_1459 : vector<16xf32> to vector<16xf32>
    %swap3A_1461 = vector.shape_cast %div3A_1457 : vector<16xf32> to vector<16xf32>
    tpu.vector_store %arg12[%swap3A_1458], %swap3A_1461 {strides = array<i32>} : memref<2048xf32, #tpu.memory_space<vmem>>, vector<16xf32>,
    %get3A_1462 = arith.constant 1472 : index
    %get3A_1463 = tpu.vector_load %arg12[%get3A_1462] {strides = array<i32>} : memref<2048xf32, #tpu.memory_space<vmem>>, vector<16xf32>,
    %get3A_1464 = vector.shape_cast %get3A_1463 : vector<16xf32> to vector<16xf32>
    %div3A_1465 = vector.broadcast %add3A_634 : f32 to vector<16xf32>
    %div3A_1466 = arith.divf %get3A_1464, %div3A_1465 : vector<16xf32>
    %swap3A_1467 = arith.constant 1472 : index
    %swap3A_1468 = tpu.vector_load %arg12[%swap3A_1467] {strides = array<i32>} : memref<2048xf32, #tpu.memory_space<vmem>>, vector<16xf32>,
    %swap3A_1469 = vector.shape_cast %swap3A_1468 : vector<16xf32> to vector<16xf32>
    %swap3A_1470 = vector.shape_cast %div3A_1466 : vector<16xf32> to vector<16xf32>
    tpu.vector_store %arg12[%swap3A_1467], %swap3A_1470 {strides = array<i32>} : memref<2048xf32, #tpu.memory_space<vmem>>, vector<16xf32>,
    %get3A_1471 = arith.constant 1488 : index
    %get3A_1472 = tpu.vector_load %arg12[%get3A_1471] {strides = array<i32>} : memref<2048xf32, #tpu.memory_space<vmem>>, vector<16xf32>,
    %get3A_1473 = vector.shape_cast %get3A_1472 : vector<16xf32> to vector<16xf32>
    %div3A_1474 = vector.broadcast %add3A_634 : f32 to vector<16xf32>
    %div3A_1475 = arith.divf %get3A_1473, %div3A_1474 : vector<16xf32>
    %swap3A_1476 = arith.constant 1488 : index
    %swap3A_1477 = tpu.vector_load %arg12[%swap3A_1476] {strides = array<i32>} : memref<2048xf32, #tpu.memory_space<vmem>>, vector<16xf32>,
    %swap3A_1478 = vector.shape_cast %swap3A_1477 : vector<16xf32> to vector<16xf32>
    %swap3A_1479 = vector.shape_cast %div3A_1475 : vector<16xf32> to vector<16xf32>
    tpu.vector_store %arg12[%swap3A_1476], %swap3A_1479 {strides = array<i32>} : memref<2048xf32, #tpu.memory_space<vmem>>, vector<16xf32>,
    %get3A_1480 = arith.constant 1504 : index
    %get3A_1481 = tpu.vector_load %arg12[%get3A_1480] {strides = array<i32>} : memref<2048xf32, #tpu.memory_space<vmem>>, vector<16xf32>,
    %get3A_1482 = vector.shape_cast %get3A_1481 : vector<16xf32> to vector<16xf32>
    %div3A_1483 = vector.broadcast %add3A_634 : f32 to vector<16xf32>
    %div3A_1484 = arith.divf %get3A_1482, %div3A_1483 : vector<16xf32>
    %swap3A_1485 = arith.constant 1504 : index
    %swap3A_1486 = tpu.vector_load %arg12[%swap3A_1485] {strides = array<i32>} : memref<2048xf32, #tpu.memory_space<vmem>>, vector<16xf32>,
    %swap3A_1487 = vector.shape_cast %swap3A_1486 : vector<16xf32> to vector<16xf32>
    %swap3A_1488 = vector.shape_cast %div3A_1484 : vector<16xf32> to vector<16xf32>
    tpu.vector_store %arg12[%swap3A_1485], %swap3A_1488 {strides = array<i32>} : memref<2048xf32, #tpu.memory_space<vmem>>, vector<16xf32>,
    %get3A_1489 = arith.constant 1520 : index
    %get3A_1490 = tpu.vector_load %arg12[%get3A_1489] {strides = array<i32>} : memref<2048xf32, #tpu.memory_space<vmem>>, vector<16xf32>,
    %get3A_1491 = vector.shape_cast %get3A_1490 : vector<16xf32> to vector<16xf32>
    %div3A_1492 = vector.broadcast %add3A_634 : f32 to vector<16xf32>
    %div3A_1493 = arith.divf %get3A_1491, %div3A_1492 : vector<16xf32>
    %swap3A_1494 = arith.constant 1520 : index
    %swap3A_1495 = tpu.vector_load %arg12[%swap3A_1494] {strides = array<i32>} : memref<2048xf32, #tpu.memory_space<vmem>>, vector<16xf32>,
    %swap3A_1496 = vector.shape_cast %swap3A_1495 : vector<16xf32> to vector<16xf32>
    %swap3A_1497 = vector.shape_cast %div3A_1493 : vector<16xf32> to vector<16xf32>
    tpu.vector_store %arg12[%swap3A_1494], %swap3A_1497 {strides = array<i32>} : memref<2048xf32, #tpu.memory_space<vmem>>, vector<16xf32>,
    %get3A_1498 = arith.constant 1536 : index
    %get3A_1499 = tpu.vector_load %arg12[%get3A_1498] {strides = array<i32>} : memref<2048xf32, #tpu.memory_space<vmem>>, vector<16xf32>,
    %get3A_1500 = vector.shape_cast %get3A_1499 : vector<16xf32> to vector<16xf32>
    %div3A_1501 = vector.broadcast %add3A_634 : f32 to vector<16xf32>
    %div3A_1502 = arith.divf %get3A_1500, %div3A_1501 : vector<16xf32>
    %swap3A_1503 = arith.constant 1536 : index
    %swap3A_1504 = tpu.vector_load %arg12[%swap3A_1503] {strides = array<i32>} : memref<2048xf32, #tpu.memory_space<vmem>>, vector<16xf32>,
    %swap3A_1505 = vector.shape_cast %swap3A_1504 : vector<16xf32> to vector<16xf32>
    %swap3A_1506 = vector.shape_cast %div3A_1502 : vector<16xf32> to vector<16xf32>
    tpu.vector_store %arg12[%swap3A_1503], %swap3A_1506 {strides = array<i32>} : memref<2048xf32, #tpu.memory_space<vmem>>, vector<16xf32>,
    %get3A_1507 = arith.constant 1552 : index
    %get3A_1508 = tpu.vector_load %arg12[%get3A_1507] {strides = array<i32>} : memref<2048xf32, #tpu.memory_space<vmem>>, vector<16xf32>,
    %get3A_1509 = vector.shape_cast %get3A_1508 : vector<16xf32> to vector<16xf32>
    %div3A_1510 = vector.broadcast %add3A_634 : f32 to vector<16xf32>
    %div3A_1511 = arith.divf %get3A_1509, %div3A_1510 : vector<16xf32>
    %swap3A_1512 = arith.constant 1552 : index
    %swap3A_1513 = tpu.vector_load %arg12[%swap3A_1512] {strides = array<i32>} : memref<2048xf32, #tpu.memory_space<vmem>>, vector<16xf32>,
    %swap3A_1514 = vector.shape_cast %swap3A_1513 : vector<16xf32> to vector<16xf32>
    %swap3A_1515 = vector.shape_cast %div3A_1511 : vector<16xf32> to vector<16xf32>
    tpu.vector_store %arg12[%swap3A_1512], %swap3A_1515 {strides = array<i32>} : memref<2048xf32, #tpu.memory_space<vmem>>, vector<16xf32>,
    %get3A_1516 = arith.constant 1568 : index
    %get3A_1517 = tpu.vector_load %arg12[%get3A_1516] {strides = array<i32>} : memref<2048xf32, #tpu.memory_space<vmem>>, vector<16xf32>,
    %get3A_1518 = vector.shape_cast %get3A_1517 : vector<16xf32> to vector<16xf32>
    %div3A_1519 = vector.broadcast %add3A_634 : f32 to vector<16xf32>
    %div3A_1520 = arith.divf %get3A_1518, %div3A_1519 : vector<16xf32>
    %swap3A_1521 = arith.constant 1568 : index
    %swap3A_1522 = tpu.vector_load %arg12[%swap3A_1521] {strides = array<i32>} : memref<2048xf32, #tpu.memory_space<vmem>>, vector<16xf32>,
    %swap3A_1523 = vector.shape_cast %swap3A_1522 : vector<16xf32> to vector<16xf32>
    %swap3A_1524 = vector.shape_cast %div3A_1520 : vector<16xf32> to vector<16xf32>
    tpu.vector_store %arg12[%swap3A_1521], %swap3A_1524 {strides = array<i32>} : memref<2048xf32, #tpu.memory_space<vmem>>, vector<16xf32>,
    %get3A_1525 = arith.constant 1584 : index
    %get3A_1526 = tpu.vector_load %arg12[%get3A_1525] {strides = array<i32>} : memref<2048xf32, #tpu.memory_space<vmem>>, vector<16xf32>,
    %get3A_1527 = vector.shape_cast %get3A_1526 : vector<16xf32> to vector<16xf32>
    %div3A_1528 = vector.broadcast %add3A_634 : f32 to vector<16xf32>
    %div3A_1529 = arith.divf %get3A_1527, %div3A_1528 : vector<16xf32>
    %swap3A_1530 = arith.constant 1584 : index
    %swap3A_1531 = tpu.vector_load %arg12[%swap3A_1530] {strides = array<i32>} : memref<2048xf32, #tpu.memory_space<vmem>>, vector<16xf32>,
    %swap3A_1532 = vector.shape_cast %swap3A_1531 : vector<16xf32> to vector<16xf32>
    %swap3A_1533 = vector.shape_cast %div3A_1529 : vector<16xf32> to vector<16xf32>
    tpu.vector_store %arg12[%swap3A_1530], %swap3A_1533 {strides = array<i32>} : memref<2048xf32, #tpu.memory_space<vmem>>, vector<16xf32>,
    %get3A_1534 = arith.constant 1600 : index
    %get3A_1535 = tpu.vector_load %arg12[%get3A_1534] {strides = array<i32>} : memref<2048xf32, #tpu.memory_space<vmem>>, vector<16xf32>,
    %get3A_1536 = vector.shape_cast %get3A_1535 : vector<16xf32> to vector<16xf32>
    %div3A_1537 = vector.broadcast %add3A_634 : f32 to vector<16xf32>
    %div3A_1538 = arith.divf %get3A_1536, %div3A_1537 : vector<16xf32>
    %swap3A_1539 = arith.constant 1600 : index
    %swap3A_1540 = tpu.vector_load %arg12[%swap3A_1539] {strides = array<i32>} : memref<2048xf32, #tpu.memory_space<vmem>>, vector<16xf32>,
    %swap3A_1541 = vector.shape_cast %swap3A_1540 : vector<16xf32> to vector<16xf32>
    %swap3A_1542 = vector.shape_cast %div3A_1538 : vector<16xf32> to vector<16xf32>
    tpu.vector_store %arg12[%swap3A_1539], %swap3A_1542 {strides = array<i32>} : memref<2048xf32, #tpu.memory_space<vmem>>, vector<16xf32>,
    %get3A_1543 = arith.constant 1616 : index
    %get3A_1544 = tpu.vector_load %arg12[%get3A_1543] {strides = array<i32>} : memref<2048xf32, #tpu.memory_space<vmem>>, vector<16xf32>,
    %get3A_1545 = vector.shape_cast %get3A_1544 : vector<16xf32> to vector<16xf32>
    %div3A_1546 = vector.broadcast %add3A_634 : f32 to vector<16xf32>
    %div3A_1547 = arith.divf %get3A_1545, %div3A_1546 : vector<16xf32>
    %swap3A_1548 = arith.constant 1616 : index
    %swap3A_1549 = tpu.vector_load %arg12[%swap3A_1548] {strides = array<i32>} : memref<2048xf32, #tpu.memory_space<vmem>>, vector<16xf32>,
    %swap3A_1550 = vector.shape_cast %swap3A_1549 : vector<16xf32> to vector<16xf32>
    %swap3A_1551 = vector.shape_cast %div3A_1547 : vector<16xf32> to vector<16xf32>
    tpu.vector_store %arg12[%swap3A_1548], %swap3A_1551 {strides = array<i32>} : memref<2048xf32, #tpu.memory_space<vmem>>, vector<16xf32>,
    %get3A_1552 = arith.constant 1632 : index
    %get3A_1553 = tpu.vector_load %arg12[%get3A_1552] {strides = array<i32>} : memref<2048xf32, #tpu.memory_space<vmem>>, vector<16xf32>,
    %get3A_1554 = vector.shape_cast %get3A_1553 : vector<16xf32> to vector<16xf32>
    %div3A_1555 = vector.broadcast %add3A_634 : f32 to vector<16xf32>
    %div3A_1556 = arith.divf %get3A_1554, %div3A_1555 : vector<16xf32>
    %swap3A_1557 = arith.constant 1632 : index
    %swap3A_1558 = tpu.vector_load %arg12[%swap3A_1557] {strides = array<i32>} : memref<2048xf32, #tpu.memory_space<vmem>>, vector<16xf32>,
    %swap3A_1559 = vector.shape_cast %swap3A_1558 : vector<16xf32> to vector<16xf32>
    %swap3A_1560 = vector.shape_cast %div3A_1556 : vector<16xf32> to vector<16xf32>
    tpu.vector_store %arg12[%swap3A_1557], %swap3A_1560 {strides = array<i32>} : memref<2048xf32, #tpu.memory_space<vmem>>, vector<16xf32>,
    %get3A_1561 = arith.constant 1648 : index
    %get3A_1562 = tpu.vector_load %arg12[%get3A_1561] {strides = array<i32>} : memref<2048xf32, #tpu.memory_space<vmem>>, vector<16xf32>,
    %get3A_1563 = vector.shape_cast %get3A_1562 : vector<16xf32> to vector<16xf32>
    %div3A_1564 = vector.broadcast %add3A_634 : f32 to vector<16xf32>
    %div3A_1565 = arith.divf %get3A_1563, %div3A_1564 : vector<16xf32>
    %swap3A_1566 = arith.constant 1648 : index
    %swap3A_1567 = tpu.vector_load %arg12[%swap3A_1566] {strides = array<i32>} : memref<2048xf32, #tpu.memory_space<vmem>>, vector<16xf32>,
    %swap3A_1568 = vector.shape_cast %swap3A_1567 : vector<16xf32> to vector<16xf32>
    %swap3A_1569 = vector.shape_cast %div3A_1565 : vector<16xf32> to vector<16xf32>
    tpu.vector_store %arg12[%swap3A_1566], %swap3A_1569 {strides = array<i32>} : memref<2048xf32, #tpu.memory_space<vmem>>, vector<16xf32>,
    %get3A_1570 = arith.constant 1664 : index
    %get3A_1571 = tpu.vector_load %arg12[%get3A_1570] {strides = array<i32>} : memref<2048xf32, #tpu.memory_space<vmem>>, vector<16xf32>,
    %get3A_1572 = vector.shape_cast %get3A_1571 : vector<16xf32> to vector<16xf32>
    %div3A_1573 = vector.broadcast %add3A_634 : f32 to vector<16xf32>
    %div3A_1574 = arith.divf %get3A_1572, %div3A_1573 : vector<16xf32>
    %swap3A_1575 = arith.constant 1664 : index
    %swap3A_1576 = tpu.vector_load %arg12[%swap3A_1575] {strides = array<i32>} : memref<2048xf32, #tpu.memory_space<vmem>>, vector<16xf32>,
    %swap3A_1577 = vector.shape_cast %swap3A_1576 : vector<16xf32> to vector<16xf32>
    %swap3A_1578 = vector.shape_cast %div3A_1574 : vector<16xf32> to vector<16xf32>
    tpu.vector_store %arg12[%swap3A_1575], %swap3A_1578 {strides = array<i32>} : memref<2048xf32, #tpu.memory_space<vmem>>, vector<16xf32>,
    %get3A_1579 = arith.constant 1680 : index
    %get3A_1580 = tpu.vector_load %arg12[%get3A_1579] {strides = array<i32>} : memref<2048xf32, #tpu.memory_space<vmem>>, vector<16xf32>,
    %get3A_1581 = vector.shape_cast %get3A_1580 : vector<16xf32> to vector<16xf32>
    %div3A_1582 = vector.broadcast %add3A_634 : f32 to vector<16xf32>
    %div3A_1583 = arith.divf %get3A_1581, %div3A_1582 : vector<16xf32>
    %swap3A_1584 = arith.constant 1680 : index
    %swap3A_1585 = tpu.vector_load %arg12[%swap3A_1584] {strides = array<i32>} : memref<2048xf32, #tpu.memory_space<vmem>>, vector<16xf32>,
    %swap3A_1586 = vector.shape_cast %swap3A_1585 : vector<16xf32> to vector<16xf32>
    %swap3A_1587 = vector.shape_cast %div3A_1583 : vector<16xf32> to vector<16xf32>
    tpu.vector_store %arg12[%swap3A_1584], %swap3A_1587 {strides = array<i32>} : memref<2048xf32, #tpu.memory_space<vmem>>, vector<16xf32>,
    %get3A_1588 = arith.constant 1696 : index
    %get3A_1589 = tpu.vector_load %arg12[%get3A_1588] {strides = array<i32>} : memref<2048xf32, #tpu.memory_space<vmem>>, vector<16xf32>,
    %get3A_1590 = vector.shape_cast %get3A_1589 : vector<16xf32> to vector<16xf32>
    %div3A_1591 = vector.broadcast %add3A_634 : f32 to vector<16xf32>
    %div3A_1592 = arith.divf %get3A_1590, %div3A_1591 : vector<16xf32>
    %swap3A_1593 = arith.constant 1696 : index
    %swap3A_1594 = tpu.vector_load %arg12[%swap3A_1593] {strides = array<i32>} : memref<2048xf32, #tpu.memory_space<vmem>>, vector<16xf32>,
    %swap3A_1595 = vector.shape_cast %swap3A_1594 : vector<16xf32> to vector<16xf32>
    %swap3A_1596 = vector.shape_cast %div3A_1592 : vector<16xf32> to vector<16xf32>
    tpu.vector_store %arg12[%swap3A_1593], %swap3A_1596 {strides = array<i32>} : memref<2048xf32, #tpu.memory_space<vmem>>, vector<16xf32>,
    %get3A_1597 = arith.constant 1712 : index
    %get3A_1598 = tpu.vector_load %arg12[%get3A_1597] {strides = array<i32>} : memref<2048xf32, #tpu.memory_space<vmem>>, vector<16xf32>,
    %get3A_1599 = vector.shape_cast %get3A_1598 : vector<16xf32> to vector<16xf32>
    %div3A_1600 = vector.broadcast %add3A_634 : f32 to vector<16xf32>
    %div3A_1601 = arith.divf %get3A_1599, %div3A_1600 : vector<16xf32>
    %swap3A_1602 = arith.constant 1712 : index
    %swap3A_1603 = tpu.vector_load %arg12[%swap3A_1602] {strides = array<i32>} : memref<2048xf32, #tpu.memory_space<vmem>>, vector<16xf32>,
    %swap3A_1604 = vector.shape_cast %swap3A_1603 : vector<16xf32> to vector<16xf32>
    %swap3A_1605 = vector.shape_cast %div3A_1601 : vector<16xf32> to vector<16xf32>
    tpu.vector_store %arg12[%swap3A_1602], %swap3A_1605 {strides = array<i32>} : memref<2048xf32, #tpu.memory_space<vmem>>, vector<16xf32>,
    %get3A_1606 = arith.constant 1728 : index
    %get3A_1607 = tpu.vector_load %arg12[%get3A_1606] {strides = array<i32>} : memref<2048xf32, #tpu.memory_space<vmem>>, vector<16xf32>,
    %get3A_1608 = vector.shape_cast %get3A_1607 : vector<16xf32> to vector<16xf32>
    %div3A_1609 = vector.broadcast %add3A_634 : f32 to vector<16xf32>
    %div3A_1610 = arith.divf %get3A_1608, %div3A_1609 : vector<16xf32>
    %swap3A_1611 = arith.constant 1728 : index
    %swap3A_1612 = tpu.vector_load %arg12[%swap3A_1611] {strides = array<i32>} : memref<2048xf32, #tpu.memory_space<vmem>>, vector<16xf32>,
    %swap3A_1613 = vector.shape_cast %swap3A_1612 : vector<16xf32> to vector<16xf32>
    %swap3A_1614 = vector.shape_cast %div3A_1610 : vector<16xf32> to vector<16xf32>
    tpu.vector_store %arg12[%swap3A_1611], %swap3A_1614 {strides = array<i32>} : memref<2048xf32, #tpu.memory_space<vmem>>, vector<16xf32>,
    %get3A_1615 = arith.constant 1744 : index
    %get3A_1616 = tpu.vector_load %arg12[%get3A_1615] {strides = array<i32>} : memref<2048xf32, #tpu.memory_space<vmem>>, vector<16xf32>,
    %get3A_1617 = vector.shape_cast %get3A_1616 : vector<16xf32> to vector<16xf32>
    %div3A_1618 = vector.broadcast %add3A_634 : f32 to vector<16xf32>
    %div3A_1619 = arith.divf %get3A_1617, %div3A_1618 : vector<16xf32>
    %swap3A_1620 = arith.constant 1744 : index
    %swap3A_1621 = tpu.vector_load %arg12[%swap3A_1620] {strides = array<i32>} : memref<2048xf32, #tpu.memory_space<vmem>>, vector<16xf32>,
    %swap3A_1622 = vector.shape_cast %swap3A_1621 : vector<16xf32> to vector<16xf32>
    %swap3A_1623 = vector.shape_cast %div3A_1619 : vector<16xf32> to vector<16xf32>
    tpu.vector_store %arg12[%swap3A_1620], %swap3A_1623 {strides = array<i32>} : memref<2048xf32, #tpu.memory_space<vmem>>, vector<16xf32>,
    %get3A_1624 = arith.constant 1760 : index
    %get3A_1625 = tpu.vector_load %arg12[%get3A_1624] {strides = array<i32>} : memref<2048xf32, #tpu.memory_space<vmem>>, vector<16xf32>,
    %get3A_1626 = vector.shape_cast %get3A_1625 : vector<16xf32> to vector<16xf32>
    %div3A_1627 = vector.broadcast %add3A_634 : f32 to vector<16xf32>
    %div3A_1628 = arith.divf %get3A_1626, %div3A_1627 : vector<16xf32>
    %swap3A_1629 = arith.constant 1760 : index
    %swap3A_1630 = tpu.vector_load %arg12[%swap3A_1629] {strides = array<i32>} : memref<2048xf32, #tpu.memory_space<vmem>>, vector<16xf32>,
    %swap3A_1631 = vector.shape_cast %swap3A_1630 : vector<16xf32> to vector<16xf32>
    %swap3A_1632 = vector.shape_cast %div3A_1628 : vector<16xf32> to vector<16xf32>
    tpu.vector_store %arg12[%swap3A_1629], %swap3A_1632 {strides = array<i32>} : memref<2048xf32, #tpu.memory_space<vmem>>, vector<16xf32>,
    %get3A_1633 = arith.constant 1776 : index
    %get3A_1634 = tpu.vector_load %arg12[%get3A_1633] {strides = array<i32>} : memref<2048xf32, #tpu.memory_space<vmem>>, vector<16xf32>,
    %get3A_1635 = vector.shape_cast %get3A_1634 : vector<16xf32> to vector<16xf32>
    %div3A_1636 = vector.broadcast %add3A_634 : f32 to vector<16xf32>
    %div3A_1637 = arith.divf %get3A_1635, %div3A_1636 : vector<16xf32>
    %swap3A_1638 = arith.constant 1776 : index
    %swap3A_1639 = tpu.vector_load %arg12[%swap3A_1638] {strides = array<i32>} : memref<2048xf32, #tpu.memory_space<vmem>>, vector<16xf32>,
    %swap3A_1640 = vector.shape_cast %swap3A_1639 : vector<16xf32> to vector<16xf32>
    %swap3A_1641 = vector.shape_cast %div3A_1637 : vector<16xf32> to vector<16xf32>
    tpu.vector_store %arg12[%swap3A_1638], %swap3A_1641 {strides = array<i32>} : memref<2048xf32, #tpu.memory_space<vmem>>, vector<16xf32>,
    %get3A_1642 = arith.constant 1792 : index
    %get3A_1643 = tpu.vector_load %arg12[%get3A_1642] {strides = array<i32>} : memref<2048xf32, #tpu.memory_space<vmem>>, vector<16xf32>,
    %get3A_1644 = vector.shape_cast %get3A_1643 : vector<16xf32> to vector<16xf32>
    %div3A_1645 = vector.broadcast %add3A_634 : f32 to vector<16xf32>
    %div3A_1646 = arith.divf %get3A_1644, %div3A_1645 : vector<16xf32>
    %swap3A_1647 = arith.constant 1792 : index
    %swap3A_1648 = tpu.vector_load %arg12[%swap3A_1647] {strides = array<i32>} : memref<2048xf32, #tpu.memory_space<vmem>>, vector<16xf32>,
    %swap3A_1649 = vector.shape_cast %swap3A_1648 : vector<16xf32> to vector<16xf32>
    %swap3A_1650 = vector.shape_cast %div3A_1646 : vector<16xf32> to vector<16xf32>
    tpu.vector_store %arg12[%swap3A_1647], %swap3A_1650 {strides = array<i32>} : memref<2048xf32, #tpu.memory_space<vmem>>, vector<16xf32>,
    %get3A_1651 = arith.constant 1808 : index
    %get3A_1652 = tpu.vector_load %arg12[%get3A_1651] {strides = array<i32>} : memref<2048xf32, #tpu.memory_space<vmem>>, vector<16xf32>,
    %get3A_1653 = vector.shape_cast %get3A_1652 : vector<16xf32> to vector<16xf32>
    %div3A_1654 = vector.broadcast %add3A_634 : f32 to vector<16xf32>
    %div3A_1655 = arith.divf %get3A_1653, %div3A_1654 : vector<16xf32>
    %swap3A_1656 = arith.constant 1808 : index
    %swap3A_1657 = tpu.vector_load %arg12[%swap3A_1656] {strides = array<i32>} : memref<2048xf32, #tpu.memory_space<vmem>>, vector<16xf32>,
    %swap3A_1658 = vector.shape_cast %swap3A_1657 : vector<16xf32> to vector<16xf32>
    %swap3A_1659 = vector.shape_cast %div3A_1655 : vector<16xf32> to vector<16xf32>
    tpu.vector_store %arg12[%swap3A_1656], %swap3A_1659 {strides = array<i32>} : memref<2048xf32, #tpu.memory_space<vmem>>, vector<16xf32>,
    %get3A_1660 = arith.constant 1824 : index
    %get3A_1661 = tpu.vector_load %arg12[%get3A_1660] {strides = array<i32>} : memref<2048xf32, #tpu.memory_space<vmem>>, vector<16xf32>,
    %get3A_1662 = vector.shape_cast %get3A_1661 : vector<16xf32> to vector<16xf32>
    %div3A_1663 = vector.broadcast %add3A_634 : f32 to vector<16xf32>
    %div3A_1664 = arith.divf %get3A_1662, %div3A_1663 : vector<16xf32>
    %swap3A_1665 = arith.constant 1824 : index
    %swap3A_1666 = tpu.vector_load %arg12[%swap3A_1665] {strides = array<i32>} : memref<2048xf32, #tpu.memory_space<vmem>>, vector<16xf32>,
    %swap3A_1667 = vector.shape_cast %swap3A_1666 : vector<16xf32> to vector<16xf32>
    %swap3A_1668 = vector.shape_cast %div3A_1664 : vector<16xf32> to vector<16xf32>
    tpu.vector_store %arg12[%swap3A_1665], %swap3A_1668 {strides = array<i32>} : memref<2048xf32, #tpu.memory_space<vmem>>, vector<16xf32>,
    %get3A_1669 = arith.constant 1840 : index
    %get3A_1670 = tpu.vector_load %arg12[%get3A_1669] {strides = array<i32>} : memref<2048xf32, #tpu.memory_space<vmem>>, vector<16xf32>,
    %get3A_1671 = vector.shape_cast %get3A_1670 : vector<16xf32> to vector<16xf32>
    %div3A_1672 = vector.broadcast %add3A_634 : f32 to vector<16xf32>
    %div3A_1673 = arith.divf %get3A_1671, %div3A_1672 : vector<16xf32>
    %swap3A_1674 = arith.constant 1840 : index
    %swap3A_1675 = tpu.vector_load %arg12[%swap3A_1674] {strides = array<i32>} : memref<2048xf32, #tpu.memory_space<vmem>>, vector<16xf32>,
    %swap3A_1676 = vector.shape_cast %swap3A_1675 : vector<16xf32> to vector<16xf32>
    %swap3A_1677 = vector.shape_cast %div3A_1673 : vector<16xf32> to vector<16xf32>
    tpu.vector_store %arg12[%swap3A_1674], %swap3A_1677 {strides = array<i32>} : memref<2048xf32, #tpu.memory_space<vmem>>, vector<16xf32>,
    %get3A_1678 = arith.constant 1856 : index
    %get3A_1679 = tpu.vector_load %arg12[%get3A_1678] {strides = array<i32>} : memref<2048xf32, #tpu.memory_space<vmem>>, vector<16xf32>,
    %get3A_1680 = vector.shape_cast %get3A_1679 : vector<16xf32> to vector<16xf32>
    %div3A_1681 = vector.broadcast %add3A_634 : f32 to vector<16xf32>
    %div3A_1682 = arith.divf %get3A_1680, %div3A_1681 : vector<16xf32>
    %swap3A_1683 = arith.constant 1856 : index
    %swap3A_1684 = tpu.vector_load %arg12[%swap3A_1683] {strides = array<i32>} : memref<2048xf32, #tpu.memory_space<vmem>>, vector<16xf32>,
    %swap3A_1685 = vector.shape_cast %swap3A_1684 : vector<16xf32> to vector<16xf32>
    %swap3A_1686 = vector.shape_cast %div3A_1682 : vector<16xf32> to vector<16xf32>
    tpu.vector_store %arg12[%swap3A_1683], %swap3A_1686 {strides = array<i32>} : memref<2048xf32, #tpu.memory_space<vmem>>, vector<16xf32>,
    %get3A_1687 = arith.constant 1872 : index
    %get3A_1688 = tpu.vector_load %arg12[%get3A_1687] {strides = array<i32>} : memref<2048xf32, #tpu.memory_space<vmem>>, vector<16xf32>,
    %get3A_1689 = vector.shape_cast %get3A_1688 : vector<16xf32> to vector<16xf32>
    %div3A_1690 = vector.broadcast %add3A_634 : f32 to vector<16xf32>
    %div3A_1691 = arith.divf %get3A_1689, %div3A_1690 : vector<16xf32>
    %swap3A_1692 = arith.constant 1872 : index
    %swap3A_1693 = tpu.vector_load %arg12[%swap3A_1692] {strides = array<i32>} : memref<2048xf32, #tpu.memory_space<vmem>>, vector<16xf32>,
    %swap3A_1694 = vector.shape_cast %swap3A_1693 : vector<16xf32> to vector<16xf32>
    %swap3A_1695 = vector.shape_cast %div3A_1691 : vector<16xf32> to vector<16xf32>
    tpu.vector_store %arg12[%swap3A_1692], %swap3A_1695 {strides = array<i32>} : memref<2048xf32, #tpu.memory_space<vmem>>, vector<16xf32>,
    %get3A_1696 = arith.constant 1888 : index
    %get3A_1697 = tpu.vector_load %arg12[%get3A_1696] {strides = array<i32>} : memref<2048xf32, #tpu.memory_space<vmem>>, vector<16xf32>,
    %get3A_1698 = vector.shape_cast %get3A_1697 : vector<16xf32> to vector<16xf32>
    %div3A_1699 = vector.broadcast %add3A_634 : f32 to vector<16xf32>
    %div3A_1700 = arith.divf %get3A_1698, %div3A_1699 : vector<16xf32>
    %swap3A_1701 = arith.constant 1888 : index
    %swap3A_1702 = tpu.vector_load %arg12[%swap3A_1701] {strides = array<i32>} : memref<2048xf32, #tpu.memory_space<vmem>>, vector<16xf32>,
    %swap3A_1703 = vector.shape_cast %swap3A_1702 : vector<16xf32> to vector<16xf32>
    %swap3A_1704 = vector.shape_cast %div3A_1700 : vector<16xf32> to vector<16xf32>
    tpu.vector_store %arg12[%swap3A_1701], %swap3A_1704 {strides = array<i32>} : memref<2048xf32, #tpu.memory_space<vmem>>, vector<16xf32>,
    %get3A_1705 = arith.constant 1904 : index
    %get3A_1706 = tpu.vector_load %arg12[%get3A_1705] {strides = array<i32>} : memref<2048xf32, #tpu.memory_space<vmem>>, vector<16xf32>,
    %get3A_1707 = vector.shape_cast %get3A_1706 : vector<16xf32> to vector<16xf32>
    %div3A_1708 = vector.broadcast %add3A_634 : f32 to vector<16xf32>
    %div3A_1709 = arith.divf %get3A_1707, %div3A_1708 : vector<16xf32>
    %swap3A_1710 = arith.constant 1904 : index
    %swap3A_1711 = tpu.vector_load %arg12[%swap3A_1710] {strides = array<i32>} : memref<2048xf32, #tpu.memory_space<vmem>>, vector<16xf32>,
    %swap3A_1712 = vector.shape_cast %swap3A_1711 : vector<16xf32> to vector<16xf32>
    %swap3A_1713 = vector.shape_cast %div3A_1709 : vector<16xf32> to vector<16xf32>
    tpu.vector_store %arg12[%swap3A_1710], %swap3A_1713 {strides = array<i32>} : memref<2048xf32, #tpu.memory_space<vmem>>, vector<16xf32>,
    %get3A_1714 = arith.constant 1920 : index
    %get3A_1715 = tpu.vector_load %arg12[%get3A_1714] {strides = array<i32>} : memref<2048xf32, #tpu.memory_space<vmem>>, vector<16xf32>,
    %get3A_1716 = vector.shape_cast %get3A_1715 : vector<16xf32> to vector<16xf32>
    %div3A_1717 = vector.broadcast %add3A_634 : f32 to vector<16xf32>
    %div3A_1718 = arith.divf %get3A_1716, %div3A_1717 : vector<16xf32>
    %swap3A_1719 = arith.constant 1920 : index
    %swap3A_1720 = tpu.vector_load %arg12[%swap3A_1719] {strides = array<i32>} : memref<2048xf32, #tpu.memory_space<vmem>>, vector<16xf32>,
    %swap3A_1721 = vector.shape_cast %swap3A_1720 : vector<16xf32> to vector<16xf32>
    %swap3A_1722 = vector.shape_cast %div3A_1718 : vector<16xf32> to vector<16xf32>
    tpu.vector_store %arg12[%swap3A_1719], %swap3A_1722 {strides = array<i32>} : memref<2048xf32, #tpu.memory_space<vmem>>, vector<16xf32>,
    %get3A_1723 = arith.constant 1936 : index
    %get3A_1724 = tpu.vector_load %arg12[%get3A_1723] {strides = array<i32>} : memref<2048xf32, #tpu.memory_space<vmem>>, vector<16xf32>,
    %get3A_1725 = vector.shape_cast %get3A_1724 : vector<16xf32> to vector<16xf32>
    %div3A_1726 = vector.broadcast %add3A_634 : f32 to vector<16xf32>
    %div3A_1727 = arith.divf %get3A_1725, %div3A_1726 : vector<16xf32>
    %swap3A_1728 = arith.constant 1936 : index
    %swap3A_1729 = tpu.vector_load %arg12[%swap3A_1728] {strides = array<i32>} : memref<2048xf32, #tpu.memory_space<vmem>>, vector<16xf32>,
    %swap3A_1730 = vector.shape_cast %swap3A_1729 : vector<16xf32> to vector<16xf32>
    %swap3A_1731 = vector.shape_cast %div3A_1727 : vector<16xf32> to vector<16xf32>
    tpu.vector_store %arg12[%swap3A_1728], %swap3A_1731 {strides = array<i32>} : memref<2048xf32, #tpu.memory_space<vmem>>, vector<16xf32>,
    %get3A_1732 = arith.constant 1952 : index
    %get3A_1733 = tpu.vector_load %arg12[%get3A_1732] {strides = array<i32>} : memref<2048xf32, #tpu.memory_space<vmem>>, vector<16xf32>,
    %get3A_1734 = vector.shape_cast %get3A_1733 : vector<16xf32> to vector<16xf32>
    %div3A_1735 = vector.broadcast %add3A_634 : f32 to vector<16xf32>
    %div3A_1736 = arith.divf %get3A_1734, %div3A_1735 : vector<16xf32>
    %swap3A_1737 = arith.constant 1952 : index
    %swap3A_1738 = tpu.vector_load %arg12[%swap3A_1737] {strides = array<i32>} : memref<2048xf32, #tpu.memory_space<vmem>>, vector<16xf32>,
    %swap3A_1739 = vector.shape_cast %swap3A_1738 : vector<16xf32> to vector<16xf32>
    %swap3A_1740 = vector.shape_cast %div3A_1736 : vector<16xf32> to vector<16xf32>
    tpu.vector_store %arg12[%swap3A_1737], %swap3A_1740 {strides = array<i32>} : memref<2048xf32, #tpu.memory_space<vmem>>, vector<16xf32>,
    %get3A_1741 = arith.constant 1968 : index
    %get3A_1742 = tpu.vector_load %arg12[%get3A_1741] {strides = array<i32>} : memref<2048xf32, #tpu.memory_space<vmem>>, vector<16xf32>,
    %get3A_1743 = vector.shape_cast %get3A_1742 : vector<16xf32> to vector<16xf32>
    %div3A_1744 = vector.broadcast %add3A_634 : f32 to vector<16xf32>
    %div3A_1745 = arith.divf %get3A_1743, %div3A_1744 : vector<16xf32>
    %swap3A_1746 = arith.constant 1968 : index
    %swap3A_1747 = tpu.vector_load %arg12[%swap3A_1746] {strides = array<i32>} : memref<2048xf32, #tpu.memory_space<vmem>>, vector<16xf32>,
    %swap3A_1748 = vector.shape_cast %swap3A_1747 : vector<16xf32> to vector<16xf32>
    %swap3A_1749 = vector.shape_cast %div3A_1745 : vector<16xf32> to vector<16xf32>
    tpu.vector_store %arg12[%swap3A_1746], %swap3A_1749 {strides = array<i32>} : memref<2048xf32, #tpu.memory_space<vmem>>, vector<16xf32>,
    %get3A_1750 = arith.constant 1984 : index
    %get3A_1751 = tpu.vector_load %arg12[%get3A_1750] {strides = array<i32>} : memref<2048xf32, #tpu.memory_space<vmem>>, vector<16xf32>,
    %get3A_1752 = vector.shape_cast %get3A_1751 : vector<16xf32> to vector<16xf32>
    %div3A_1753 = vector.broadcast %add3A_634 : f32 to vector<16xf32>
    %div3A_1754 = arith.divf %get3A_1752, %div3A_1753 : vector<16xf32>
    %swap3A_1755 = arith.constant 1984 : index
    %swap3A_1756 = tpu.vector_load %arg12[%swap3A_1755] {strides = array<i32>} : memref<2048xf32, #tpu.memory_space<vmem>>, vector<16xf32>,
    %swap3A_1757 = vector.shape_cast %swap3A_1756 : vector<16xf32> to vector<16xf32>
    %swap3A_1758 = vector.shape_cast %div3A_1754 : vector<16xf32> to vector<16xf32>
    tpu.vector_store %arg12[%swap3A_1755], %swap3A_1758 {strides = array<i32>} : memref<2048xf32, #tpu.memory_space<vmem>>, vector<16xf32>,
    %get3A_1759 = arith.constant 2000 : index
    %get3A_1760 = tpu.vector_load %arg12[%get3A_1759] {strides = array<i32>} : memref<2048xf32, #tpu.memory_space<vmem>>, vector<16xf32>,
    %get3A_1761 = vector.shape_cast %get3A_1760 : vector<16xf32> to vector<16xf32>
    %div3A_1762 = vector.broadcast %add3A_634 : f32 to vector<16xf32>
    %div3A_1763 = arith.divf %get3A_1761, %div3A_1762 : vector<16xf32>
    %swap3A_1764 = arith.constant 2000 : index
    %swap3A_1765 = tpu.vector_load %arg12[%swap3A_1764] {strides = array<i32>} : memref<2048xf32, #tpu.memory_space<vmem>>, vector<16xf32>,
    %swap3A_1766 = vector.shape_cast %swap3A_1765 : vector<16xf32> to vector<16xf32>
    %swap3A_1767 = vector.shape_cast %div3A_1763 : vector<16xf32> to vector<16xf32>
    tpu.vector_store %arg12[%swap3A_1764], %swap3A_1767 {strides = array<i32>} : memref<2048xf32, #tpu.memory_space<vmem>>, vector<16xf32>,
    %get3A_1768 = arith.constant 2016 : index
    %get3A_1769 = tpu.vector_load %arg12[%get3A_1768] {strides = array<i32>} : memref<2048xf32, #tpu.memory_space<vmem>>, vector<16xf32>,
    %get3A_1770 = vector.shape_cast %get3A_1769 : vector<16xf32> to vector<16xf32>
    %div3A_1771 = vector.broadcast %add3A_634 : f32 to vector<16xf32>
    %div3A_1772 = arith.divf %get3A_1770, %div3A_1771 : vector<16xf32>
    %swap3A_1773 = arith.constant 2016 : index
    %swap3A_1774 = tpu.vector_load %arg12[%swap3A_1773] {strides = array<i32>} : memref<2048xf32, #tpu.memory_space<vmem>>, vector<16xf32>,
    %swap3A_1775 = vector.shape_cast %swap3A_1774 : vector<16xf32> to vector<16xf32>
    %swap3A_1776 = vector.shape_cast %div3A_1772 : vector<16xf32> to vector<16xf32>
    tpu.vector_store %arg12[%swap3A_1773], %swap3A_1776 {strides = array<i32>} : memref<2048xf32, #tpu.memory_space<vmem>>, vector<16xf32>,
    %get3A_1777 = arith.constant 2032 : index
    %get3A_1778 = tpu.vector_load %arg12[%get3A_1777] {strides = array<i32>} : memref<2048xf32, #tpu.memory_space<vmem>>, vector<16xf32>,
    %get3A_1779 = vector.shape_cast %get3A_1778 : vector<16xf32> to vector<16xf32>
    %div3A_1780 = vector.broadcast %add3A_634 : f32 to vector<16xf32>
    %div3A_1781 = arith.divf %get3A_1779, %div3A_1780 : vector<16xf32>
    %swap3A_1782 = arith.constant 2032 : index
    %swap3A_1783 = tpu.vector_load %arg12[%swap3A_1782] {strides = array<i32>} : memref<2048xf32, #tpu.memory_space<vmem>>, vector<16xf32>,
    %swap3A_1784 = vector.shape_cast %swap3A_1783 : vector<16xf32> to vector<16xf32>
    %swap3A_1785 = vector.shape_cast %div3A_1781 : vector<16xf32> to vector<16xf32>
    tpu.vector_store %arg12[%swap3A_1782], %swap3A_1785 {strides = array<i32>} : memref<2048xf32, #tpu.memory_space<vmem>>, vector<16xf32>,
    %eq3A_1786 = arith.constant 0 : i32
    %eq3A_1787 = arith.cmpi eq, %arg0, %eq3A_1786 : i32
    %convert_element_type3A_1788 = arith.extui %eq3A_1787 : i1 to i32
    %cond3A_1789 = arith.constant 0 : i32
    %cond3A_1790 = arith.cmpi ne, %convert_element_type3A_1788, %cond3A_1789 : i32
    scf.if %cond3A_1790 {
      "tpu.region"() ({
        %run_scoped3A = tpu.sem_alloc : memref<!tpu.dma_semaphore, #tpu.memory_space<semaphore_mem>>
        %dma_start3A = arith.constant 0 : i32
        %dma_start3A_1796 = tpu.memref_slice %arg12[%dma_start3A] : memref<2048xf32, #tpu.memory_space<vmem>> -> memref<1024xf32, #tpu.memory_space<vmem>>
        %dma_start3A_1797 = tpu.memref_slice %arg7[%mul3A_0] : memref<16384xf32, #tpu.memory_space<hbm>> -> memref<1024xf32, #tpu.memory_space<hbm>>
        %dma_start3A_1798 = tpu.memref_slice %arg7[%mul3A_0] : memref<16384xf32, #tpu.memory_space<hbm>> -> memref<1024xf32, #tpu.memory_space<hbm>>
        %dma_start3A_1799 = arith.constant 0 : i32
        %dma_start3A_1800 = tpu.memref_slice %arg12[%dma_start3A_1799] : memref<2048xf32, #tpu.memory_space<vmem>> -> memref<1024xf32, #tpu.memory_space<vmem>>
        tpu.enqueue_dma source(%dma_start3A_1800 : memref<1024xf32, #tpu.memory_space<vmem>>) target(%dma_start3A_1798 : memref<1024xf32, #tpu.memory_space<hbm>>) target_semaphore(%run_scoped3A : memref<!tpu.dma_semaphore, #tpu.memory_space<semaphore_mem>>)
        %dma_wait3A = arith.constant 0 : i32
        %dma_wait3A_1801 = tpu.memref_slice %arg12[%dma_wait3A] : memref<2048xf32, #tpu.memory_space<vmem>> -> memref<1024xf32, #tpu.memory_space<vmem>>
        %dma_wait3A_1802 = tpu.memref_slice %arg7[%mul3A_0] : memref<16384xf32, #tpu.memory_space<hbm>> -> memref<1024xf32, #tpu.memory_space<hbm>>
        %dma_wait3A_1803 = tpu.memref_slice %arg7[%mul3A_0] : memref<16384xf32, #tpu.memory_space<hbm>> -> memref<1024xf32, #tpu.memory_space<hbm>>
        %dma_wait3A_1804 = arith.constant 0 : i32
        %dma_wait3A_1805 = tpu.memref_slice %arg12[%dma_wait3A_1804] : memref<2048xf32, #tpu.memory_space<vmem>> -> memref<1024xf32, #tpu.memory_space<vmem>>
        tpu.wait_dma2 semaphore(%run_scoped3A : memref<!tpu.dma_semaphore, #tpu.memory_space<semaphore_mem>>) src(%dma_wait3A_1805 : memref<1024xf32, #tpu.memory_space<vmem>>) dst(%dma_wait3A_1803 : memref<1024xf32, #tpu.memory_space<hbm>>)
        tpu.yield
      }) : () -> ()
      "tpu.region"() ({
        %run_scoped3A = tpu.sem_alloc : memref<!tpu.dma_semaphore, #tpu.memory_space<semaphore_mem>>
        %dma_start3A = arith.constant 1024 : i32
        %dma_start3A_1796 = tpu.memref_slice %arg12[%dma_start3A] : memref<2048xf32, #tpu.memory_space<vmem>> -> memref<1024xf32, #tpu.memory_space<vmem>>
        %dma_start3A_1797 = tpu.memref_slice %arg8[%mul3A_0] : memref<16384xf32, #tpu.memory_space<hbm>> -> memref<1024xf32, #tpu.memory_space<hbm>>
        %dma_start3A_1798 = tpu.memref_slice %arg8[%mul3A_0] : memref<16384xf32, #tpu.memory_space<hbm>> -> memref<1024xf32, #tpu.memory_space<hbm>>
        %dma_start3A_1799 = arith.constant 1024 : i32
        %dma_start3A_1800 = tpu.memref_slice %arg12[%dma_start3A_1799] : memref<2048xf32, #tpu.memory_space<vmem>> -> memref<1024xf32, #tpu.memory_space<vmem>>
        tpu.enqueue_dma source(%dma_start3A_1800 : memref<1024xf32, #tpu.memory_space<vmem>>) target(%dma_start3A_1798 : memref<1024xf32, #tpu.memory_space<hbm>>) target_semaphore(%run_scoped3A : memref<!tpu.dma_semaphore, #tpu.memory_space<semaphore_mem>>)
        %dma_wait3A = arith.constant 1024 : i32
        %dma_wait3A_1801 = tpu.memref_slice %arg12[%dma_wait3A] : memref<2048xf32, #tpu.memory_space<vmem>> -> memref<1024xf32, #tpu.memory_space<vmem>>
        %dma_wait3A_1802 = tpu.memref_slice %arg8[%mul3A_0] : memref<16384xf32, #tpu.memory_space<hbm>> -> memref<1024xf32, #tpu.memory_space<hbm>>
        %dma_wait3A_1803 = tpu.memref_slice %arg8[%mul3A_0] : memref<16384xf32, #tpu.memory_space<hbm>> -> memref<1024xf32, #tpu.memory_space<hbm>>
        %dma_wait3A_1804 = arith.constant 1024 : i32
        %dma_wait3A_1805 = tpu.memref_slice %arg12[%dma_wait3A_1804] : memref<2048xf32, #tpu.memory_space<vmem>> -> memref<1024xf32, #tpu.memory_space<vmem>>
        tpu.wait_dma2 semaphore(%run_scoped3A : memref<!tpu.dma_semaphore, #tpu.memory_space<semaphore_mem>>) src(%dma_wait3A_1805 : memref<1024xf32, #tpu.memory_space<vmem>>) dst(%dma_wait3A_1803 : memref<1024xf32, #tpu.memory_space<hbm>>)
        tpu.yield
      }) : () -> ()
    } else {
    }
    %eq3A_1791 = arith.constant 1 : i32
    %eq3A_1792 = arith.cmpi eq, %arg0, %eq3A_1791 : i32
    %convert_element_type3A_1793 = arith.extui %eq3A_1792 : i1 to i32
    %cond3A_1794 = arith.constant 0 : i32
    %cond3A_1795 = arith.cmpi ne, %convert_element_type3A_1793, %cond3A_1794 : i32
    scf.if %cond3A_1795 {
      "tpu.region"() ({
        %run_scoped3A = tpu.sem_alloc : memref<!tpu.dma_semaphore, #tpu.memory_space<semaphore_mem>>
        %dma_start3A = arith.constant 0 : i32
        %dma_start3A_1796 = tpu.memref_slice %arg12[%dma_start3A] : memref<2048xf32, #tpu.memory_space<vmem>> -> memref<1024xf32, #tpu.memory_space<vmem>>
        %dma_start3A_1797 = tpu.memref_slice %arg9[%mul3A_0] : memref<16384xf32, #tpu.memory_space<hbm>> -> memref<1024xf32, #tpu.memory_space<hbm>>
        %dma_start3A_1798 = tpu.memref_slice %arg9[%mul3A_0] : memref<16384xf32, #tpu.memory_space<hbm>> -> memref<1024xf32, #tpu.memory_space<hbm>>
        %dma_start3A_1799 = arith.constant 0 : i32
        %dma_start3A_1800 = tpu.memref_slice %arg12[%dma_start3A_1799] : memref<2048xf32, #tpu.memory_space<vmem>> -> memref<1024xf32, #tpu.memory_space<vmem>>
        tpu.enqueue_dma source(%dma_start3A_1800 : memref<1024xf32, #tpu.memory_space<vmem>>) target(%dma_start3A_1798 : memref<1024xf32, #tpu.memory_space<hbm>>) target_semaphore(%run_scoped3A : memref<!tpu.dma_semaphore, #tpu.memory_space<semaphore_mem>>)
        %dma_wait3A = arith.constant 0 : i32
        %dma_wait3A_1801 = tpu.memref_slice %arg12[%dma_wait3A] : memref<2048xf32, #tpu.memory_space<vmem>> -> memref<1024xf32, #tpu.memory_space<vmem>>
        %dma_wait3A_1802 = tpu.memref_slice %arg9[%mul3A_0] : memref<16384xf32, #tpu.memory_space<hbm>> -> memref<1024xf32, #tpu.memory_space<hbm>>
        %dma_wait3A_1803 = tpu.memref_slice %arg9[%mul3A_0] : memref<16384xf32, #tpu.memory_space<hbm>> -> memref<1024xf32, #tpu.memory_space<hbm>>
        %dma_wait3A_1804 = arith.constant 0 : i32
        %dma_wait3A_1805 = tpu.memref_slice %arg12[%dma_wait3A_1804] : memref<2048xf32, #tpu.memory_space<vmem>> -> memref<1024xf32, #tpu.memory_space<vmem>>
        tpu.wait_dma2 semaphore(%run_scoped3A : memref<!tpu.dma_semaphore, #tpu.memory_space<semaphore_mem>>) src(%dma_wait3A_1805 : memref<1024xf32, #tpu.memory_space<vmem>>) dst(%dma_wait3A_1803 : memref<1024xf32, #tpu.memory_space<hbm>>)
        tpu.yield
      }) : () -> ()
      "tpu.region"() ({
        %run_scoped3A = tpu.sem_alloc : memref<!tpu.dma_semaphore, #tpu.memory_space<semaphore_mem>>
        %dma_start3A = arith.constant 1024 : i32
        %dma_start3A_1796 = tpu.memref_slice %arg12[%dma_start3A] : memref<2048xf32, #tpu.memory_space<vmem>> -> memref<1024xf32, #tpu.memory_space<vmem>>
        %dma_start3A_1797 = tpu.memref_slice %arg10[%mul3A_0] : memref<16384xf32, #tpu.memory_space<hbm>> -> memref<1024xf32, #tpu.memory_space<hbm>>
        %dma_start3A_1798 = tpu.memref_slice %arg10[%mul3A_0] : memref<16384xf32, #tpu.memory_space<hbm>> -> memref<1024xf32, #tpu.memory_space<hbm>>
        %dma_start3A_1799 = arith.constant 1024 : i32
        %dma_start3A_1800 = tpu.memref_slice %arg12[%dma_start3A_1799] : memref<2048xf32, #tpu.memory_space<vmem>> -> memref<1024xf32, #tpu.memory_space<vmem>>
        tpu.enqueue_dma source(%dma_start3A_1800 : memref<1024xf32, #tpu.memory_space<vmem>>) target(%dma_start3A_1798 : memref<1024xf32, #tpu.memory_space<hbm>>) target_semaphore(%run_scoped3A : memref<!tpu.dma_semaphore, #tpu.memory_space<semaphore_mem>>)
        %dma_wait3A = arith.constant 1024 : i32
        %dma_wait3A_1801 = tpu.memref_slice %arg12[%dma_wait3A] : memref<2048xf32, #tpu.memory_space<vmem>> -> memref<1024xf32, #tpu.memory_space<vmem>>
        %dma_wait3A_1802 = tpu.memref_slice %arg10[%mul3A_0] : memref<16384xf32, #tpu.memory_space<hbm>> -> memref<1024xf32, #tpu.memory_space<hbm>>
        %dma_wait3A_1803 = tpu.memref_slice %arg10[%mul3A_0] : memref<16384xf32, #tpu.memory_space<hbm>> -> memref<1024xf32, #tpu.memory_space<hbm>>
        %dma_wait3A_1804 = arith.constant 1024 : i32
        %dma_wait3A_1805 = tpu.memref_slice %arg12[%dma_wait3A_1804] : memref<2048xf32, #tpu.memory_space<vmem>> -> memref<1024xf32, #tpu.memory_space<vmem>>
        tpu.wait_dma2 semaphore(%run_scoped3A : memref<!tpu.dma_semaphore, #tpu.memory_space<semaphore_mem>>) src(%dma_wait3A_1805 : memref<1024xf32, #tpu.memory_space<vmem>>) dst(%dma_wait3A_1803 : memref<1024xf32, #tpu.memory_space<hbm>>)
        tpu.yield
      }) : () -> ()
    } else {
    }
    return
  }
}

</mosaic_0001>

<sc_bundles>
// kernel: kernel.3.cloned.1.call-start
scs
__scs_entry_jumppad:
0x0: {  	(pc) =	sbr.rel $0x88, $3  }
0x1: {  	(tag) =	ssettag $0x0;
	lr =	simm.s32 $0x1  }
0x2: {  	[smem:$0x3F9E] =	sst lr;
	_ =	strace $0xD0000000  }
0x3: {  	_ = 	snop  }
0x4: {  	_ = 	snop  }
0x5: {  	_ = 	snop  }
0x6: {  	_ = 	snop  }
0x7: {  	_ = 	snop  }
__scs_overlays_trampoline_lowered:
0x8: {  	[smem:$0x3FAD] =	sst s0  }
0x9: {  	[smem:$0x3FAE] =	sst s1  }
0xa: {  	[smem:$0x3FAF] =	sst s2  }
0xb: {  	[smem:$0x3FB0] =	sst s3  }
0xc: {  	[smem:$0x3FB1] =	sst s4  }
0xd: {  	[smem:$0x3FB2] =	sst s5  }
0xe: {  	[smem:$0x3FB3] =	sst s6  }
0xf: {  	[smem:$0x3FB4] =	sst s7  }
0x10: {  	[smem:$0x3FB5] =	sst s8  }
0x11: {  	[smem:$0x3FB6] =	sst s9;
	s0 =	simm.s32 @!p0 $0x0  }
0x12: {  	s1 =	sld [smem:$0x3F9C];
	s0 =	simm.s32 @p0 $0x1  }
0x13: {  	[smem:$0x3FB7] =	sst s0;
	s0 =	simm.s32 @!p1 $0x0  }
0x14: {  	s2 =	sld [smem:$0x3F9B];
	s0 =	simm.s32 @p1 $0x1  }
0x15: {  	[smem:$0x3FB8] =	sst s0;
	s0 =	simm.s32 @!p2 $0x0  }
0x16: {  	s3 =	sld [smem:$0x3FDB];
	s0 =	simm.s32 @p2 $0x1  }
0x17: {  	s4 =	simm.s32 $0x1BF5;
	[smem:$0x3FBA] =	sst s0  }
0x18: {  	s0 =	sld [smem:$0x3F9D];
	_ =	swait.ge [sflag:s4], $0x0  }
0x19: {  	s7 =	sld [smem:$0x3F9E]  }
0x1a: {  	s8 =	sadd.s32 $0xFFFFE003, lr  }
0x1b: {  	s9 =	sadd.s32 $0xFFFFFEF7, lr;
	s5 =	simm.s32 $0xFFFFFFFF;
	p2 =	slt.u32 s8, $0xFFFFF086  }
0x1c: {  	p1 =	slt.u32 s9, $0xF7A;
	s5 =	simm.s32 @!p2 $0x0  }
0x1d: {  	s5 =	simm.s32 @p1 $0x1;
	p0 =	seq.s32 s7, s2  }
0x1e: {  	s7 =	smul.u32 @!p0 $0xF7A, s2;
	p2 =	seq.s32 @!p0 s5, $0x0  }
0x1f: {  	s9 =	smul.u32 $0xF7A, s1;
	s8 =	simm.s32 @!p0 $0x1BF5;
	p2 =	por !p2, p0  }
0x20: {  	[sflag:s8] =	ssyncset.s32 @!p0 $0xFFFFF086;
	s6 =	sadd.s32 @!p0 s3, s7;
	s7 =	simm.s32 @!p0 $0x108  }
0x21: {  	s3 =	sadd.s32 s3, s9;
	s6 =	sadd.s32 @!p0 $0x88, s6;
	s7 =	simm.s32 @p2 $0x1082  }
0x22: {  	[simem:s7], [sflag:s8] =	dma.local @!p0 [hbm:s6], $0xF7A  }
0x23: {  	s9 =	sor.u32 $0xD0000000, s2;
	s6 =	simm.s32 $0x108;
	_ =	swait.ge @!p0 [sflag:s8], $0x0  }
0x24: {  	s3 =	sadd.s32 $0x88, s3;
	s6 =	simm.s32 @!p1 $0x1082;
	[sflag:s4] =	ssyncset.s32 $0xFFFFF086  }
0x25: {  	[simem:s6], [sflag:s4] =	dma.local [hbm:s3], $0xF7A  }
0x26: {  	[smem:$0x3F9E] =	sst s1;
	(tag) =	ssettag s2;
	_ =	strace s9  }
0x27: {  	s1 =	sld [smem:$0x3FAE]  }
0x28: {  	s2 =	sld [smem:$0x3FAF]  }
0x29: {  	s4 =	sld [smem:$0x3FB1]  }
0x2a: {  	p0 =	seq.s32 s5, $0x0;
	s5 =	sld [smem:$0x3FB2]  }
0x2b: {  	s6 =	sld [smem:$0x3FB3]  }
0x2c: {  	s7 =	sld [smem:$0x3FB4]  }
0x2d: {  	s3 =	simm.s32 $0x108;
	s8 =	sld [smem:$0x3FB5]  }
0x2e: {  	s3 =	simm.s32 @!p0 $0x1082;
	s9 =	sld [smem:$0x3FB6]  }
0x2f: {  	lr =	sadd.s32 s0, s3;
	s0 =	sld [smem:$0x3FAD]  }
0x30: {  	s3 =	sld [smem:$0x3FB0]  }
0x31: {  	[smem:$0x3FB9] =	sst s10  }
0x32: {  	s10 =	sld [smem:$0x3FB7];
	_ =	sdelay $0x3  }
0x33: {  	p0 =	seq.s32 s10, $0x1;
	s10 =	sld [smem:$0x3FB9];
	_ =	sdelay $0x3  }
0x34: {  	[smem:$0x3FB9] =	sst s10  }
0x35: {  	s10 =	sld [smem:$0x3FB8];
	_ =	sdelay $0x3  }
0x36: {  	p1 =	seq.s32 s10, $0x1;
	s10 =	sld [smem:$0x3FB9];
	_ =	sdelay $0x3  }
0x37: {  	[smem:$0x3FB9] =	sst s10  }
0x38: {  	s10 =	sld [smem:$0x3FBA]  }
0x39: {  	_ = 	snop;
	(pc) =	sbr.ind lr, $3  }
0x3a: {  	_ = 	snop  }
0x3b: {  	_ = 	snop  }
0x3c: {  	p2 =	seq.s32 s10, $0x1;
	s10 =	sld [smem:$0x3FB9]  }
0x3d: {  	_ =	shalt  }
0x3e: {  	_ =	shalt  }
0x3f: {  	_ =	shalt  }
0x40: {  	_ =	shalt  }
0x41: {  	_ =	shalt  }
0x42: {  	_ =	shalt  }
0x43: {  	_ =	shalt  }
0x44: {  	_ =	shalt  }
0x45: {  	_ =	shalt  }
0x46: {  	_ =	shalt  }
0x47: {  	_ =	shalt  }
0x48: {  	_ =	shalt  }
0x49: {  	_ =	shalt  }
0x4a: {  	_ =	shalt  }
0x4b: {  	_ =	shalt  }
0x4c: {  	_ =	shalt  }
0x4d: {  	_ =	shalt  }
0x4e: {  	_ =	shalt  }
0x4f: {  	_ =	shalt  }
0x50: {  	_ =	shalt  }
0x51: {  	_ =	shalt  }
0x52: {  	_ =	shalt  }
0x53: {  	_ =	shalt  }
0x54: {  	_ =	shalt  }
0x55: {  	_ =	shalt  }
0x56: {  	_ =	shalt  }
0x57: {  	_ =	shalt  }
0x58: {  	_ =	shalt  }
0x59: {  	_ =	shalt  }
0x5a: {  	_ =	shalt  }
0x5b: {  	_ =	shalt  }
0x5c: {  	_ =	shalt  }
0x5d: {  	_ =	shalt  }
0x5e: {  	_ =	shalt  }
0x5f: {  	_ =	shalt  }
0x60: {  	_ =	shalt  }
0x61: {  	_ =	shalt  }
0x62: {  	_ =	shalt  }
0x63: {  	_ =	shalt  }
0x64: {  	_ =	shalt  }
0x65: {  	_ =	shalt  }
0x66: {  	_ =	shalt  }
0x67: {  	_ =	shalt  }
0x68: {  	_ =	shalt  }
0x69: {  	_ =	shalt  }
0x6a: {  	_ =	shalt  }
0x6b: {  	_ =	shalt  }
0x6c: {  	_ =	shalt  }
0x6d: {  	_ =	shalt  }
0x6e: {  	_ =	shalt  }
0x6f: {  	_ =	shalt  }
0x70: {  	_ =	shalt  }
0x71: {  	_ =	shalt  }
0x72: {  	_ =	shalt  }
0x73: {  	_ =	shalt  }
0x74: {  	_ =	shalt  }
0x75: {  	_ =	shalt  }
0x76: {  	_ =	shalt  }
0x77: {  	_ =	shalt  }
0x78: {  	_ =	shalt  }
0x79: {  	_ =	shalt  }
0x7a: {  	_ =	shalt  }
0x7b: {  	_ =	shalt  }
0x7c: {  	_ =	shalt  }
0x7d: {  	_ =	shalt  }
0x7e: {  	_ =	shalt  }
0x7f: {  	_ =	shalt  }
0x80: {  	_ =	shalt  }
0x81: {  	_ =	shalt  }
0x82: {  	_ =	shalt  }
0x83: {  	_ =	shalt  }
0x84: {  	_ =	shalt  }
0x85: {  	_ =	shalt  }
0x86: {  	_ =	shalt  }
0x87: {  	_ =	shalt  }
.Lfunc_end0:
.L_simem_size_0:
called_computation_lowered:
.L_overlay_start_0:
0x88: {  	s2 =	sld [smem:$0x3FD9]  }
0x89: {  	s3 =	sld [smem:$0x3FFE];
	_ =	sdelay $0x1  }
0x8a: {  	s1 =	srdreg.scid  }
0x8b: {  	s0 =	sand.u32 $0x1, s1  }
0x8c: {  	s14 =	sshll.u32 s0, $0xA;
	s2 =	sadd.s32 s3, s2  }
0x8d: {  	s2 =	sadd.s32 s2, s14  }
0x8e: {  	[smem:$0x3FC5] =	sst s2  }
0x8f: {  	_ = 	snop  }
0x90: {  	s2 =	sld [smem:$0x3FD0];
	_ =	sdelay $0x2  }
0x91: {  	s4 =	simm.s32 $0xA;
	s5 =	simm.s32 $0x10;
	s15 =	sld [smem:$0x3FC9]  }
0x92: {  	[smem:s5], [sflag:s4] =	dma.local [hbm:s2], $0x1  }
0x93: {  	_ =	swait.eq [sflag:s4], $0x1  }
0x94: {  	[sflag:s4] =	ssyncset.done $0x0  }
0x95: {  	[sflag:s4] =	ssyncadd.s32 $0xFFFFFFFF  }
0x96: {  	s16 =	sld [smem:$0x11];
	(tm) =	ssettm $0x1  }
0x97: {  	s17 =	sld [smem:$0x3FFB];
	_ =	sdelay $0x3  }
0x98: {  	_ =	strace s17  }
0x99: {  	s4 =	sld [smem:$0x3FFC];
	_ =	sdelay $0x3  }
0x9a: {  	_ =	strace s4  }
0x9b: {  	s4 =	sld [smem:$0x3FFD];
	_ =	sdelay $0x3  }
0x9c: {  	_ =	strace s4  }
0x9d: {  	_ =	strace $0x8FFFFFFF  }
0x9e: {  	s18 =	sld [smem:$0x3FDB];
	_ =	sdelay $0x1  }
0x9f: {  	s19 =	simm.s32 $_scs_section_size  }
0xa0: {  	s6 =	simm.s32 $_size__tile_overlayer_lowered;
	s7 =	simm.s32 $_tile_overlayer_lowered  }
0xa1: {  	s22 =	simm.s32 $0x1BFF;
	s21 =	sshll.u32 s7, $0x1;
	s4 =	sadd.s32 s19, s18  }
0xa2: {  	s8 =	simm.s32 $0x0;
	s20 =	sshll.u32 s6, $0x1;
	s6 =	sadd.s32 s21, s4  }
0xa3: {  	[timem:s8], [sflag:s22] =	dma.local [hbm:s6], s20  }
0xa4: {  	_ =	swait.ge [sflag:s22], s20  }
0xa5: {  	s5 =	ssub.s32 $0x0, s20;
	[sflag:s22] =	ssyncset.done $0x0  }
0xa6: {  	[sflag:s22] =	ssyncadd.s32 s5;
	_ =	sdelay $0x1  }
0xa7: {  	s23 =	simm.s32 $0x1B8B  }
0xa8: {  	_ =	swait.ge [sflag:s23], $0x1  }
0xa9: {  	[sflag:s23] =	ssyncset.done $0x0  }
0xaa: {  	s25 =	simm.s32 $0x1B8E;
	s24 =	sld [smem:$0x3FFE];
	[sflag:s23] =	ssyncadd.s32 $0xFFFFFFFF  }
0xab: {  	s26 =	simm.s32 $execute0_lowered;
	[smem:$0x3FD2] =	sst s25  }
0xac: {  	s6 =	sshll.u32 s26, $0x1;
	_ =	strace $0x80000046;
	[dreg:$0x1] =	wrdreg $0xFFFFFFFF  }
0xad: {  	s28 =	simm.s32 $_size_execute0_lowered;
	s4 =	sadd.s32 s4, s6;
	[dreg:$0x0] =	wrdreg $0x0  }
0xae: {  	s6 =	sshll.u32 s28, $0x1;
	[dreg:$0x2] =	wrdreg s4  }
0xaf: {  	[dreg:$0x3] =	wrdreg s6  }
0xb0: {  	[dreg:$0x4] =	wrdreg $0xC0  }
0xb1: {  	_ =	task [dreg:s8], $0x5FFFF  }
0xb2: {  	[dreg:$0x1] =	wrdreg $0xFFFFFFFF  }
0xb3: {  	[dreg:$0x0] =	wrdreg $0x60  }
0xb4: {  	[dreg:$0x2] =	wrdreg s15  }
0xb5: {  	[dreg:$0x3] =	wrdreg s24  }
0xb6: {  	[dreg:$0x4] =	wrdreg s16  }
0xb7: {  	[dreg:$0x5] =	wrdreg $0xD800  }
0xb8: {  	[dreg:$0x6] =	wrdreg $0x9  }
0xb9: {  	_ =	task.clear_ibuf [dreg:s8], $0x7FFFF;
	_ =	strace $0x90000046  }
0xba: {  	s29 =	simm.s32 $0x9;
	_ =	strace $0x80000048  }
0xbb: {  	_ =	swait.ge [sflag:s29], $0x1  }
0xbc: {  	[sflag:s29] =	ssyncadd.s32 $0xFFFFFFFF  }
0xbd: {  	_ =	strace $0x90000048  }
0xbe: {  	_ =	sfence  }
0xbf: {  	s30 =	sld [smem:$0x0];
	_ =	sdelay $0x2  }
0xc0: {  	s31 =	sshll.u32 s1, $0xD;
	s1 =	sshrl.u32 s1, $0x2  }
0xc1: {  	s3 =	sand.u32 $0x4000, s31;
	s1 =	sadd.s32 s1, s30  }
0xc2: {  	s0 =	sor.u32 s3, s0;
	s1 =	sshll.u32 s1, $0x11  }
0xc3: {  	s0 =	sor.u32 s1, s0  }
0xc4: {  	s0 =	sadd.s32 $0x8F2B, s0  }
0xc5: {  	[sflag:s0] =	ssyncadd.remote.s32 $0x1  }
0xc6: {  	_ =	sfence.sel $0xFFFF  }
0xc7: {  	[dreg:$0x0] =	wrdreg $0xFFFFFFFF;
	(pc) =	sbr.abs _section_cstart, $3  }
0xc8: {  	[dreg:$0x1] =	wrdreg $0xFFFFFFFF  }
0xc9: {  	_ =	task.clear_ibuf [dreg:s8], $0x2FFFF;
	_ =	strace $0x9FFFFFFF  }
0xca: {  	(tm) =	ssettm $0x7FFFFFFF  }
0xcb: {  	_ =	shalt  }
tec
execute0_lowered:
.L_overlay_start_1:
0x0: {  	(tag) =	ssettag $0x1  }
0x1: {  	s5 =	rddreg [dreg:$0x0]  }
0x2: {  	s1 =	rddreg [dreg:$0x1]  }
0x3: {  	s6 =	rddreg [dreg:$0x2]  }
0x4: {  	s2 =	rddreg [dreg:$0x3]  }
0x5: {  	s0 =	rddreg [dreg:$0x4];
	s3 =	simm.s32 $0x0;
	s10 =	srdreg.scid  }
0x6: {  	s4 =	stileid.u32;
	s18 =	simm.s32 $0x480;
	[smem:$0x7FF] =	sst s3  }
0x7: {  	s20 =	simm.s32 $0x500;
	_ =	strace $0x80000047;
	[dreg:$0x9] =	wrdreg s18  }
0x8: {  	s21 =	simm.s32 $0x580;
	s22 =	simm.s32 $0x600;
	[dreg:$0xa] =	wrdreg s20  }
0x9: {  	s23 =	simm.s32 $0x680;
	s24 =	simm.s32 $0x700;
	[dreg:$0xb] =	wrdreg s21  }
0xa: {  	s25 =	simm.s32 $0x780;
	s26 =	simm.s32 $0x880;
	[dreg:$0xc] =	wrdreg s22  }
0xb: {  	s28 =	simm.s32 $0x900;
	s29 =	simm.s32 $0x980;
	[dreg:$0xd] =	wrdreg s23  }
0xc: {  	s30 =	simm.s32 $0xA00;
	s31 =	simm.s32 $0xA80;
	[dreg:$0xe] =	wrdreg s24  }
0xd: {  	s14 =	simm.s32 $0xB00;
	s7 =	sadd.s32 $0x3D400, s1;
	[dreg:$0xf] =	wrdreg s25  }
0xe: {  	s8 =	sadd.s32 $0x7A800, s1;
	s9 =	sadd.s32 $0x7B000, s1;
	[dreg:$0x10] =	wrdreg s26  }
0xf: {  	s11 =	sadd.s32 $0x7B800, s1;
	s10 =	sand.u32 $0x1, s10;
	[dreg:$0x11] =	wrdreg s28  }
0x10: {  	s12 =	sshll.u32 s4, $0x7;
	s13 =	sshll.u32 s4, $0x4;
	[dreg:$0x12] =	wrdreg s29  }
0x11: {  	s5 =	sadd.s32 s5, s12;
	p0 =	seq.s32 s10, $0x0;
	[dreg:$0x13] =	wrdreg s30  }
0x12: {  	s15 =	sadd.s32 s13, s2;
	s19 =	ssub.s32 $0x2, s10;
	[dreg:$0x14] =	wrdreg s31  }
0x13: {  	s13 =	simm.s32 $0x280;
	[dreg:$0x15] =	wrdreg s14;
	s14 =	simm.s32 $0x300  }
0x14: {  	s18 =	simm.s32 $0xC80;
	[dreg:$0x5] =	wrdreg s5;
	s9 =	smov.u32 @p0 s6  }
0x15: {  	[dreg:$0x6] =	wrdreg s15;
	s11 =	smov.u32 @p0 s8;
	s8 =	sadd.s32 $0x5BE00, s1  }
0x16: {  	s5 =	sadd.s32 $0x1EA00, s1;
	s10 =	sshrl.u32 s19, $0x1;
	s15 =	simm.s32 $0xB80  }
0x17: {  	[dreg:$0x18] =	wrdreg s18;
	s16 =	sadd.s32 s9, s12;
	s17 =	sadd.s32 s11, s12  }
0x18: {  	s9 =	ssub.s32 s19, s10;
	s5 =	smov.u32 @p0 s7;
	s1 =	smov.u32 @p0 s8  }
0x19: {  	s7 =	simm.s32 $0x2;
	s8 =	simm.s32 $0x80;
	[dreg:$0x16] =	wrdreg s15  }
0x1a: {  	s10 =	simm.s32 $0x100;
	s11 =	simm.s32 $0x180;
	[dreg:$0x7] =	wrdreg s16  }
0x1b: {  	s12 =	simm.s32 $0x200;
	s15 =	simm.s32 $0x380;
	[dreg:$0x8] =	wrdreg s17  }
0x1c: {  	s6 =	smax.u32 s9, $0x1;
	s9 =	simm.s32 $0x400;
	s16 =	simm.s32 $0xC00  }
0x1d: {  	s17 =	simm.s32 $0x1;
	[dreg:$0x17] =	wrdreg s16;
	s16 =	simm.s32 $0x800  }
.LBB2_1:
0x1e: {  	s18 =	rddreg [dreg:$0x5]  }
0x1f: {  	[tilespmem:s3], [sflag:$0x2] =	stream.linear.gather [hbm4b:s18+s3], $0x400, $0x38;
	[tilespmem:$0xD90] =	vst v63  }
0x20: {  	_ =	swait.ge [sflag:s7], $0x400  }
0x21: {  	[sflag:s7] =	ssyncset.done $0x0  }
0x22: {  	[sflag:s7] =	ssyncadd.s32 $0xFFFFFC00  }
0x23: {  	[tilespmem:s9], [sflag:$0x1] =	stream.indirect.gather [hbm4b:s5+s8], $0x1, s3, s8, $0xb8;
	[tilespmem:$0xD90] =	vst v63  }
0x24: {  	s20 =	rddreg [dreg:$0x9]  }
0x25: {  	[tilespmem:s20], [sflag:$0x1] =	stream.indirect.gather [hbm4b:s5+s8], $0x1, s8, s8, $0xb8;
	[tilespmem:$0xD90] =	vst v63  }
0x26: {  	s19 =	rddreg [dreg:$0xa]  }
0x27: {  	[tilespmem:s19], [sflag:$0x1] =	stream.indirect.gather [hbm4b:s5+s8], $0x1, s10, s8, $0xb8;
	[tilespmem:$0xD90] =	vst v63  }
0x28: {  	s21 =	rddreg [dreg:$0xb]  }
0x29: {  	[tilespmem:s21], [sflag:$0x1] =	stream.indirect.gather [hbm4b:s5+s8], $0x1, s11, s8, $0xb8;
	[tilespmem:$0xD90] =	vst v63  }
0x2a: {  	s22 =	rddreg [dreg:$0xc]  }
0x2b: {  	[tilespmem:s22], [sflag:$0x1] =	stream.indirect.gather [hbm4b:s5+s8], $0x1, s12, s8, $0xb8;
	[tilespmem:$0xD90] =	vst v63  }
0x2c: {  	s23 =	rddreg [dreg:$0xd]  }
0x2d: {  	[tilespmem:s23], [sflag:$0x1] =	stream.indirect.gather [hbm4b:s5+s8], $0x1, s13, s8, $0xb8;
	[tilespmem:$0xD90] =	vst v63  }
0x2e: {  	s24 =	rddreg [dreg:$0xe]  }
0x2f: {  	[tilespmem:s24], [sflag:$0x1] =	stream.indirect.gather [hbm4b:s5+s8], $0x1, s14, s8, $0xb8;
	[tilespmem:$0xD90] =	vst v63  }
0x30: {  	s25 =	rddreg [dreg:$0xf]  }
0x31: {  	[tilespmem:s25], [sflag:$0x1] =	stream.indirect.gather [hbm4b:s5+s8], $0x1, s15, s8, $0xb8;
	[tilespmem:$0xD90] =	vst v63  }
0x32: {  	_ = 	snop  }
0x33: {  	[tilespmem:s16], [sflag:$0x1] =	stream.indirect.gather [hbm4b:s1+s8], $0x1, s3, s8, $0xb8;
	[tilespmem:$0xD90] =	vst v63  }
0x34: {  	s18 =	rddreg [dreg:$0x10]  }
0x35: {  	[tilespmem:s18], [sflag:$0x1] =	stream.indirect.gather [hbm4b:s1+s8], $0x1, s8, s8, $0xb8;
	[tilespmem:$0xD90] =	vst v63  }
0x36: {  	s26 =	rddreg [dreg:$0x11]  }
0x37: {  	[tilespmem:s26], [sflag:$0x1] =	stream.indirect.gather [hbm4b:s1+s8], $0x1, s10, s8, $0xb8;
	[tilespmem:$0xD90] =	vst v63  }
0x38: {  	s28 =	rddreg [dreg:$0x12]  }
0x39: {  	[tilespmem:s28], [sflag:$0x1] =	stream.indirect.gather [hbm4b:s1+s8], $0x1, s11, s8, $0xb8;
	[tilespmem:$0xD90] =	vst v63  }
0x3a: {  	s29 =	rddreg [dreg:$0x13]  }
0x3b: {  	[tilespmem:s29], [sflag:$0x1] =	stream.indirect.gather [hbm4b:s1+s8], $0x1, s12, s8, $0xb8;
	[tilespmem:$0xD90] =	vst v63  }
0x3c: {  	s30 =	rddreg [dreg:$0x14]  }
0x3d: {  	[tilespmem:s30], [sflag:$0x1] =	stream.indirect.gather [hbm4b:s1+s8], $0x1, s13, s8, $0xb8;
	[tilespmem:$0xD90] =	vst v63  }
0x3e: {  	s31 =	rddreg [dreg:$0x15]  }
0x3f: {  	[tilespmem:s31], [sflag:$0x1] =	stream.indirect.gather [hbm4b:s1+s8], $0x1, s14, s8, $0xb8;
	[tilespmem:$0xD90] =	vst v63  }
0x40: {  	s20 =	rddreg [dreg:$0x16]  }
0x41: {  	[tilespmem:s20], [sflag:$0x1] =	stream.indirect.gather [hbm4b:s1+s8], $0x1, s15, s8, $0xb8;
	[tilespmem:$0xD90] =	vst v63  }
0x42: {  	_ =	swait.ge [sflag:s17], $0x80  }
0x43: {  	[sflag:s17] =	ssyncset.done $0x0  }
0x44: {  	[sflag:s17] =	ssyncadd.s32 $0xFFFFFF80  }
0x45: {  	_ =	swait.ge [sflag:s17], $0x80  }
0x46: {  	[sflag:s17] =	ssyncset.done $0x0  }
0x47: {  	[sflag:s17] =	ssyncadd.s32 $0xFFFFFF80  }
0x48: {  	_ =	swait.ge [sflag:s17], $0x80  }
0x49: {  	[sflag:s17] =	ssyncset.done $0x0  }
0x4a: {  	[sflag:s17] =	ssyncadd.s32 $0xFFFFFF80  }
0x4b: {  	_ =	swait.ge [sflag:s17], $0x80  }
0x4c: {  	[sflag:s17] =	ssyncset.done $0x0  }
0x4d: {  	[sflag:s17] =	ssyncadd.s32 $0xFFFFFF80  }
0x4e: {  	_ =	swait.ge [sflag:s17], $0x80  }
0x4f: {  	[sflag:s17] =	ssyncset.done $0x0  }
0x50: {  	[sflag:s17] =	ssyncadd.s32 $0xFFFFFF80  }
0x51: {  	_ =	swait.ge [sflag:s17], $0x80  }
0x52: {  	[sflag:s17] =	ssyncset.done $0x0  }
0x53: {  	[sflag:s17] =	ssyncadd.s32 $0xFFFFFF80  }
0x54: {  	_ =	swait.ge [sflag:s17], $0x80  }
0x55: {  	[sflag:s17] =	ssyncset.done $0x0  }
0x56: {  	[sflag:s17] =	ssyncadd.s32 $0xFFFFFF80  }
0x57: {  	_ =	swait.ge [sflag:s17], $0x80  }
0x58: {  	[sflag:s17] =	ssyncset.done $0x0  }
0x59: {  	[sflag:s17] =	ssyncadd.s32 $0xFFFFFF80  }
0x5a: {  	_ =	swait.ge [sflag:s17], $0x80  }
0x5b: {  	[sflag:s17] =	ssyncset.done $0x0  }
0x5c: {  	[sflag:s17] =	ssyncadd.s32 $0xFFFFFF80  }
0x5d: {  	_ =	swait.ge [sflag:s17], $0x80  }
0x5e: {  	[sflag:s17] =	ssyncset.done $0x0  }
0x5f: {  	[sflag:s17] =	ssyncadd.s32 $0xFFFFFF80  }
0x60: {  	_ =	swait.ge [sflag:s17], $0x80  }
0x61: {  	[sflag:s17] =	ssyncset.done $0x0  }
0x62: {  	[sflag:s17] =	ssyncadd.s32 $0xFFFFFF80  }
0x63: {  	_ =	swait.ge [sflag:s17], $0x80  }
0x64: {  	[sflag:s17] =	ssyncset.done $0x0  }
0x65: {  	[sflag:s17] =	ssyncadd.s32 $0xFFFFFF80  }
0x66: {  	_ =	swait.ge [sflag:s17], $0x80  }
0x67: {  	[sflag:s17] =	ssyncset.done $0x0  }
0x68: {  	[sflag:s17] =	ssyncadd.s32 $0xFFFFFF80  }
0x69: {  	_ =	swait.ge [sflag:s17], $0x80  }
0x6a: {  	[sflag:s17] =	ssyncset.done $0x0  }
0x6b: {  	[sflag:s17] =	ssyncadd.s32 $0xFFFFFF80  }
0x6c: {  	_ =	swait.ge [sflag:s17], $0x80  }
0x6d: {  	[sflag:s17] =	ssyncset.done $0x0  }
0x6e: {  	[sflag:s17] =	ssyncadd.s32 $0xFFFFFF80  }
0x6f: {  	_ =	swait.ge [sflag:s17], $0x80  }
0x70: {  	[sflag:s17] =	ssyncset.done $0x0  }
0x71: {  	[sflag:s17] =	ssyncadd.s32 $0xFFFFFF80  }
0x72: {  	v0 =	vld [tilespmem:$0x400];
	_ =	sdelay $0x1  }
0x73: {  	v1 =	vld [tilespmem:$0x410];
	_ =	sdelay $0x1  }
0x74: {  	v2 =	vld [tilespmem:$0x420]  }
0x75: {  	v0 =	vadd.f32 $0.0e+00, v0  }
0x76: {  	v3 =	vld [tilespmem:$0x430]  }
0x77: {  	v0 =	vadd.f32 v1, v0  }
0x78: {  	v11 =	vld [tilespmem:$0x440]  }
0x79: {  	v0 =	vadd.f32 v2, v0  }
0x7a: {  	v12 =	vld [tilespmem:$0x450]  }
0x7b: {  	v0 =	vadd.f32 v3, v0  }
0x7c: {  	v13 =	vld [tilespmem:$0x460]  }
0x7d: {  	v0 =	vadd.f32 v11, v0  }
0x7e: {  	v14 =	vld [tilespmem:$0x470]  }
0x7f: {  	v0 =	vadd.f32 v12, v0  }
0x80: {  	v15 =	vld [tilespmem:$0x480]  }
0x81: {  	v0 =	vadd.f32 v13, v0  }
0x82: {  	v16 =	vld [tilespmem:$0x490]  }
0x83: {  	v0 =	vadd.f32 v14, v0  }
0x84: {  	v17 =	vld [tilespmem:$0x4A0]  }
0x85: {  	v0 =	vadd.f32 v15, v0  }
0x86: {  	v18 =	vld [tilespmem:$0x4B0]  }
0x87: {  	v0 =	vadd.f32 v16, v0  }
0x88: {  	v19 =	vld [tilespmem:$0x4C0]  }
0x89: {  	v0 =	vadd.f32 v17, v0  }
0x8a: {  	v20 =	vld [tilespmem:$0x4D0]  }
0x8b: {  	v0 =	vadd.f32 v18, v0  }
0x8c: {  	v21 =	vld [tilespmem:$0x4E0]  }
0x8d: {  	v0 =	vadd.f32 v19, v0  }
0x8e: {  	v22 =	vld [tilespmem:$0x4F0]  }
0x8f: {  	v0 =	vadd.f32 v20, v0  }
0x90: {  	v23 =	vld [tilespmem:$0x500]  }
0x91: {  	v0 =	vadd.f32 v21, v0  }
0x92: {  	v24 =	vld [tilespmem:$0x510]  }
0x93: {  	v0 =	vadd.f32 v22, v0  }
0x94: {  	v25 =	vld [tilespmem:$0x520]  }
0x95: {  	v0 =	vadd.f32 v23, v0  }
0x96: {  	v26 =	vld [tilespmem:$0x530]  }
0x97: {  	v0 =	vadd.f32 v24, v0  }
0x98: {  	v27 =	vld [tilespmem:$0x540]  }
0x99: {  	v0 =	vadd.f32 v25, v0  }
0x9a: {  	v28 =	vld [tilespmem:$0x550]  }
0x9b: {  	v0 =	vadd.f32 v26, v0  }
0x9c: {  	v29 =	vld [tilespmem:$0x560]  }
0x9d: {  	v0 =	vadd.f32 v27, v0  }
0x9e: {  	v30 =	vld [tilespmem:$0x570]  }
0x9f: {  	v0 =	vadd.f32 v28, v0  }
0xa0: {  	v31 =	vld [tilespmem:$0x580]  }
0xa1: {  	v0 =	vadd.f32 v29, v0  }
0xa2: {  	v32 =	vld [tilespmem:$0x590]  }
0xa3: {  	v0 =	vadd.f32 v30, v0  }
0xa4: {  	v33 =	vld [tilespmem:$0x5A0]  }
0xa5: {  	v0 =	vadd.f32 v31, v0  }
0xa6: {  	v34 =	vld [tilespmem:$0x5B0]  }
0xa7: {  	v0 =	vadd.f32 v32, v0  }
0xa8: {  	v35 =	vld [tilespmem:$0x5C0]  }
0xa9: {  	v0 =	vadd.f32 v33, v0  }
0xaa: {  	v36 =	vld [tilespmem:$0x5D0]  }
0xab: {  	v0 =	vadd.f32 v34, v0  }
0xac: {  	v37 =	vld [tilespmem:$0x5E0]  }
0xad: {  	v0 =	vadd.f32 v35, v0  }
0xae: {  	v38 =	vld [tilespmem:$0x5F0]  }
0xaf: {  	v0 =	vadd.f32 v36, v0  }
0xb0: {  	v39 =	vld [tilespmem:$0x600]  }
0xb1: {  	v0 =	vadd.f32 v37, v0  }
0xb2: {  	v40 =	vld [tilespmem:$0x610]  }
0xb3: {  	v0 =	vadd.f32 v38, v0  }
0xb4: {  	v41 =	vld [tilespmem:$0x620]  }
0xb5: {  	v0 =	vadd.f32 v39, v0  }
0xb6: {  	v42 =	vld [tilespmem:$0x630]  }
0xb7: {  	v0 =	vadd.f32 v40, v0  }
0xb8: {  	v43 =	vld [tilespmem:$0x640]  }
0xb9: {  	v0 =	vadd.f32 v41, v0  }
0xba: {  	v44 =	vld [tilespmem:$0x650]  }
0xbb: {  	v0 =	vadd.f32 v42, v0  }
0xbc: {  	v45 =	vld [tilespmem:$0x660]  }
0xbd: {  	v0 =	vadd.f32 v43, v0  }
0xbe: {  	v46 =	vld [tilespmem:$0x670]  }
0xbf: {  	v0 =	vadd.f32 v44, v0  }
0xc0: {  	v47 =	vld [tilespmem:$0x680]  }
0xc1: {  	v0 =	vadd.f32 v45, v0  }
0xc2: {  	v48 =	vld [tilespmem:$0x690]  }
0xc3: {  	v0 =	vadd.f32 v46, v0  }
0xc4: {  	v49 =	vld [tilespmem:$0x6A0]  }
0xc5: {  	v0 =	vadd.f32 v47, v0  }
0xc6: {  	v50 =	vld [tilespmem:$0x6B0]  }
0xc7: {  	v0 =	vadd.f32 v48, v0  }
0xc8: {  	v51 =	vld [tilespmem:$0x6C0]  }
0xc9: {  	v0 =	vadd.f32 v49, v0  }
0xca: {  	v52 =	vld [tilespmem:$0x6D0]  }
0xcb: {  	v0 =	vadd.f32 v50, v0  }
0xcc: {  	v53 =	vld [tilespmem:$0x6E0]  }
0xcd: {  	v0 =	vadd.f32 v51, v0  }
0xce: {  	v54 =	vld [tilespmem:$0x6F0]  }
0xcf: {  	v0 =	vadd.f32 v52, v0  }
0xd0: {  	v55 =	vld [tilespmem:$0x700]  }
0xd1: {  	v0 =	vadd.f32 v53, v0  }
0xd2: {  	v56 =	vld [tilespmem:$0x710]  }
0xd3: {  	v0 =	vadd.f32 v54, v0  }
0xd4: {  	v57 =	vld [tilespmem:$0x720]  }
0xd5: {  	v0 =	vadd.f32 v55, v0  }
0xd6: {  	v58 =	vld [tilespmem:$0x730]  }
0xd7: {  	v0 =	vadd.f32 v56, v0  }
0xd8: {  	v59 =	vld [tilespmem:$0x740]  }
0xd9: {  	v0 =	vadd.f32 v57, v0  }
0xda: {  	v60 =	vld [tilespmem:$0x750]  }
0xdb: {  	v0 =	vadd.f32 v58, v0  }
0xdc: {  	v61 =	vld [tilespmem:$0x760]  }
0xdd: {  	v0 =	vadd.f32 v59, v0  }
0xde: {  	v62 =	vld [tilespmem:$0x770]  }
0xdf: {  	v0 =	vadd.f32 v60, v0  }
0xe0: {  	v63 =	vld [tilespmem:$0x780]  }
0xe1: {  	v0 =	vadd.f32 v61, v0  }
0xe2: {  	v6 =	vld [tilespmem:$0x790]  }
0xe3: {  	v0 =	vadd.f32 v62, v0  }
0xe4: {  	v7 =	vld [tilespmem:$0x7A0]  }
0xe5: {  	v0 =	vadd.f32 v63, v0  }
0xe6: {  	v8 =	vld [tilespmem:$0x7B0]  }
0xe7: {  	v0 =	vadd.f32 v6, v0  }
0xe8: {  	v9 =	vld [tilespmem:$0x7C0]  }
0xe9: {  	v0 =	vadd.f32 v7, v0  }
0xea: {  	v10 =	vld [tilespmem:$0x7D0]  }
0xeb: {  	v0 =	vadd.f32 v8, v0  }
0xec: {  	v11 =	vld [tilespmem:$0x7E0]  }
0xed: {  	v0 =	vadd.f32 v9, v0  }
0xee: {  	v12 =	vld [tilespmem:$0x7F0]  }
0xef: {  	v0 =	vadd.f32 v10, v0  }
0xf0: {  	v13 =	vld [tilespmem:$0x800]  }
0xf1: {  	v0 =	vadd.f32 v11, v0  }
0xf2: {  	v14 =	vld [tilespmem:$0x810]  }
0xf3: {  	v0 =	vadd.f32 v12, v0  }
0xf4: {  	v15 =	vld [tilespmem:$0x820]  }
0xf5: {  	v0 =	vadd.f32 v13, v0  }
0xf6: {  	v16 =	vld [tilespmem:$0x830]  }
0xf7: {  	v0 =	vadd.f32 v14, v0  }
0xf8: {  	v17 =	vld [tilespmem:$0x840]  }
0xf9: {  	v0 =	vadd.f32 v15, v0  }
0xfa: {  	v18 =	vld [tilespmem:$0x850]  }
0xfb: {  	v0 =	vadd.f32 v16, v0  }
0xfc: {  	v19 =	vld [tilespmem:$0x860]  }
0xfd: {  	v0 =	vadd.f32 v17, v0  }
0xfe: {  	v20 =	vld [tilespmem:$0x870]  }
0xff: {  	v0 =	vadd.f32 v18, v0  }
0x100: {  	v21 =	vld [tilespmem:$0x880]  }
0x101: {  	v0 =	vadd.f32 v19, v0  }
0x102: {  	v22 =	vld [tilespmem:$0x890]  }
0x103: {  	v0 =	vadd.f32 v20, v0  }
0x104: {  	v23 =	vld [tilespmem:$0x8A0]  }
0x105: {  	v0 =	vadd.f32 v21, v0  }
0x106: {  	v24 =	vld [tilespmem:$0x8B0]  }
0x107: {  	v0 =	vadd.f32 v22, v0  }
0x108: {  	v25 =	vld [tilespmem:$0x8C0]  }
0x109: {  	v0 =	vadd.f32 v23, v0  }
0x10a: {  	v26 =	vld [tilespmem:$0x8D0]  }
0x10b: {  	v0 =	vadd.f32 v24, v0  }
0x10c: {  	v27 =	vld [tilespmem:$0x8E0]  }
0x10d: {  	v0 =	vadd.f32 v25, v0  }
0x10e: {  	v28 =	vld [tilespmem:$0x8F0]  }
0x10f: {  	v0 =	vadd.f32 v26, v0  }
0x110: {  	v29 =	vld [tilespmem:$0x900]  }
0x111: {  	v0 =	vadd.f32 v27, v0  }
0x112: {  	v30 =	vld [tilespmem:$0x910]  }
0x113: {  	v0 =	vadd.f32 v28, v0  }
0x114: {  	v31 =	vld [tilespmem:$0x920]  }
0x115: {  	v0 =	vadd.f32 v29, v0  }
0x116: {  	v32 =	vld [tilespmem:$0x930]  }
0x117: {  	v0 =	vadd.f32 v30, v0  }
0x118: {  	v33 =	vld [tilespmem:$0x940]  }
0x119: {  	v0 =	vadd.f32 v31, v0  }
0x11a: {  	v34 =	vld [tilespmem:$0x950]  }
0x11b: {  	v0 =	vadd.f32 v32, v0  }
0x11c: {  	v35 =	vld [tilespmem:$0x960]  }
0x11d: {  	v0 =	vadd.f32 v33, v0  }
0x11e: {  	v36 =	vld [tilespmem:$0x970]  }
0x11f: {  	v0 =	vadd.f32 v34, v0  }
0x120: {  	v37 =	vld [tilespmem:$0x980]  }
0x121: {  	v0 =	vadd.f32 v35, v0  }
0x122: {  	v38 =	vld [tilespmem:$0x990]  }
0x123: {  	v0 =	vadd.f32 v36, v0  }
0x124: {  	v39 =	vld [tilespmem:$0x9A0]  }
0x125: {  	v0 =	vadd.f32 v37, v0  }
0x126: {  	v40 =	vld [tilespmem:$0x9B0]  }
0x127: {  	v0 =	vadd.f32 v38, v0  }
0x128: {  	v41 =	vld [tilespmem:$0x9C0]  }
0x129: {  	v0 =	vadd.f32 v39, v0  }
0x12a: {  	v42 =	vld [tilespmem:$0x9D0]  }
0x12b: {  	v0 =	vadd.f32 v40, v0  }
0x12c: {  	v43 =	vld [tilespmem:$0x9E0]  }
0x12d: {  	v0 =	vadd.f32 v41, v0  }
0x12e: {  	v44 =	vld [tilespmem:$0x9F0]  }
0x12f: {  	v0 =	vadd.f32 v42, v0  }
0x130: {  	v45 =	vld [tilespmem:$0xA00]  }
0x131: {  	v0 =	vadd.f32 v43, v0  }
0x132: {  	v46 =	vld [tilespmem:$0xA10]  }
0x133: {  	v0 =	vadd.f32 v44, v0  }
0x134: {  	v47 =	vld [tilespmem:$0xA20]  }
0x135: {  	v0 =	vadd.f32 v45, v0  }
0x136: {  	v48 =	vld [tilespmem:$0xA30]  }
0x137: {  	v0 =	vadd.f32 v46, v0  }
0x138: {  	v49 =	vld [tilespmem:$0xA40]  }
0x139: {  	v0 =	vadd.f32 v47, v0  }
0x13a: {  	v50 =	vld [tilespmem:$0xA50]  }
0x13b: {  	v0 =	vadd.f32 v48, v0  }
0x13c: {  	v51 =	vld [tilespmem:$0xA60]  }
0x13d: {  	v0 =	vadd.f32 v49, v0  }
0x13e: {  	v52 =	vld [tilespmem:$0xA70]  }
0x13f: {  	v0 =	vadd.f32 v50, v0  }
0x140: {  	v53 =	vld [tilespmem:$0xA80]  }
0x141: {  	v0 =	vadd.f32 v51, v0  }
0x142: {  	v54 =	vld [tilespmem:$0xA90]  }
0x143: {  	v0 =	vadd.f32 v52, v0  }
0x144: {  	v55 =	vld [tilespmem:$0xAA0]  }
0x145: {  	v0 =	vadd.f32 v53, v0  }
0x146: {  	v56 =	vld [tilespmem:$0xAB0]  }
0x147: {  	v0 =	vadd.f32 v54, v0  }
0x148: {  	v57 =	vld [tilespmem:$0xAC0]  }
0x149: {  	v0 =	vadd.f32 v55, v0  }
0x14a: {  	v58 =	vld [tilespmem:$0xAD0]  }
0x14b: {  	v0 =	vadd.f32 v56, v0  }
0x14c: {  	v59 =	vld [tilespmem:$0xAE0]  }
0x14d: {  	v0 =	vadd.f32 v57, v0  }
0x14e: {  	v60 =	vld [tilespmem:$0xAF0]  }
0x14f: {  	v0 =	vadd.f32 v58, v0  }
0x150: {  	v61 =	vld [tilespmem:$0xB00]  }
0x151: {  	v0 =	vadd.f32 v59, v0  }
0x152: {  	v62 =	vld [tilespmem:$0xB10]  }
0x153: {  	v0 =	vadd.f32 v60, v0  }
0x154: {  	v63 =	vld [tilespmem:$0xB20]  }
0x155: {  	v0 =	vadd.f32 v61, v0  }
0x156: {  	v6 =	vld [tilespmem:$0xB30]  }
0x157: {  	v0 =	vadd.f32 v62, v0  }
0x158: {  	v7 =	vld [tilespmem:$0xB40]  }
0x159: {  	v0 =	vadd.f32 v63, v0  }
0x15a: {  	v8 =	vld [tilespmem:$0xB50]  }
0x15b: {  	v0 =	vadd.f32 v6, v0  }
0x15c: {  	v9 =	vld [tilespmem:$0xB60]  }
0x15d: {  	v0 =	vadd.f32 v7, v0  }
0x15e: {  	v10 =	vld [tilespmem:$0xB70]  }
0x15f: {  	v0 =	vadd.f32 v8, v0  }
0x160: {  	v11 =	vld [tilespmem:$0xB80]  }
0x161: {  	v0 =	vadd.f32 v9, v0  }
0x162: {  	v12 =	vld [tilespmem:$0xB90]  }
0x163: {  	v0 =	vadd.f32 v10, v0  }
0x164: {  	v13 =	vld [tilespmem:$0xBA0]  }
0x165: {  	v0 =	vadd.f32 v11, v0  }
0x166: {  	v14 =	vld [tilespmem:$0xBB0]  }
0x167: {  	v0 =	vadd.f32 v12, v0  }
0x168: {  	v15 =	vld [tilespmem:$0xBC0]  }
0x169: {  	v0 =	vadd.f32 v13, v0  }
0x16a: {  	v16 =	vld [tilespmem:$0xBD0]  }
0x16b: {  	v0 =	vadd.f32 v14, v0  }
0x16c: {  	v17 =	vld [tilespmem:$0xBE0]  }
0x16d: {  	v0 =	vadd.f32 v15, v0  }
0x16e: {  	v18 =	vld [tilespmem:$0xBF0]  }
0x16f: {  	v0 =	vadd.f32 v16, v0;
	_ =	sdelay $0x1  }
0x170: {  	v0 =	vadd.f32 v17, v0;
	_ =	sdelay $0x1  }
0x171: {  	v0 =	vadd.f32 v18, v0  }
0x172: {  	s21 =	rddreg [dreg:$0x6]  }
0x173: {  	s22 =	rddreg [dreg:$0x17];
	[tilespmem:$0xC00] =	vst v0  }
0x174: {  	[spmem:s21] =	stream.linear.scatter [tilespmem:s22], [sflag:$0x2], $0x10, $0x38;
	[tilespmem:$0xD90] =	vst v63  }
0x175: {  	_ =	swait.ge [sflag:s7], $0x10  }
0x176: {  	[sflag:s7] =	ssyncset.done $0x0  }
0x177: {  	[sflag:s7] =	ssyncadd.s32 $0xFFFFFFF0  }
0x178: {  	[bflag:$0x0] =	sbarrier.arrive $0xFFFF  }
0x179: {  	s23 =	rddreg [dreg:$0x18]  }
0x17a: {  	[tilespmem:s23], [sflag:$0x2] =	stream.linear.gather [spmem:s2], $0x100, $0x38;
	[tilespmem:$0xD90] =	vst v63  }
0x17b: {  	_ =	swait.ge [sflag:s7], $0x100  }
0x17c: {  	[sflag:s7] =	ssyncset.done $0x0  }
0x17d: {  	[sflag:s7] =	ssyncadd.s32 $0xFFFFFF00  }
0x17e: {  	v19 =	vld [tilespmem:$0xC80];
	_ =	sdelay $0x1  }
0x17f: {  	v20 =	vld [tilespmem:$0xC90];
	_ =	sdelay $0x1  }
0x180: {  	v21 =	vld [tilespmem:$0xCA0]  }
0x181: {  	v0 =	vadd.f32 $0.0e+00, v19  }
0x182: {  	v22 =	vld [tilespmem:$0xCB0]  }
0x183: {  	v0 =	vadd.f32 v20, v0  }
0x184: {  	v23 =	vld [tilespmem:$0xCC0]  }
0x185: {  	v0 =	vadd.f32 v21, v0  }
0x186: {  	v24 =	vld [tilespmem:$0xCD0]  }
0x187: {  	v0 =	vadd.f32 v22, v0  }
0x188: {  	v25 =	vld [tilespmem:$0xCE0]  }
0x189: {  	v0 =	vadd.f32 v23, v0  }
0x18a: {  	v26 =	vld [tilespmem:$0xCF0]  }
0x18b: {  	v0 =	vadd.f32 v24, v0  }
0x18c: {  	v27 =	vld [tilespmem:$0xD00]  }
0x18d: {  	v0 =	vadd.f32 v25, v0  }
0x18e: {  	v28 =	vld [tilespmem:$0xD10]  }
0x18f: {  	v0 =	vadd.f32 v26, v0  }
0x190: {  	v29 =	vld [tilespmem:$0xD20]  }
0x191: {  	v0 =	vadd.f32 v27, v0  }
0x192: {  	v30 =	vld [tilespmem:$0xD30]  }
0x193: {  	v0 =	vadd.f32 v28, v0  }
0x194: {  	v31 =	vld [tilespmem:$0xD40]  }
0x195: {  	v0 =	vadd.f32 v29, v0  }
0x196: {  	v32 =	vld [tilespmem:$0xD50]  }
0x197: {  	v0 =	vadd.f32 v30, v0  }
0x198: {  	v33 =	vld [tilespmem:$0xD60]  }
0x199: {  	v0 =	vadd.f32 v31, v0  }
0x19a: {  	v34 =	vld [tilespmem:$0xD70]  }
0x19b: {  	v0 =	vadd.f32 v32, v0;
	_ =	sdelay $0x1  }
0x19c: {  	v0 =	vadd.f32 v33, v0;
	_ =	sdelay $0x1  }
0x19d: {  	v0 =	vadd.f32 v34, v0;
	_ =	sdelay $0x1  }
0x19e: {  	(v2sf) =	vpush v0, $0x0  }
0x19f: {  	(v2sf) =	vpush v0, $0x1;
	_ =	sdelay $0x1  }
0x1a0: {  	(v2sf) =	vpush v0, $0x2;
	_ =	sdelay $0x1  }
0x1a1: {  	(v2sf) =	vpush v0, $0x3;
	_ =	sdelay $0x1  }
0x1a2: {  	(v2sf) =	vpush v0, $0x4;
	_ =	sdelay $0x1  }
0x1a3: {  	(v2sf) =	vpush v0, $0x5;
	_ =	sdelay $0x1  }
0x1a4: {  	(v2sf) =	vpush v0, $0x6;
	_ =	sdelay $0x1  }
0x1a5: {  	(v2sf) =	vpush v0, $0x7;
	_ =	sdelay $0x1  }
0x1a6: {  	s24 =	spop (v2sf);
	(v2sf) =	vpush v0, $0x8  }
0x1a7: {  	s25 =	spop (v2sf)  }
0x1a8: {  	(v2sf) =	vpush v0, $0x9;
	s18 =	sadd.f32 s25, s24  }
0x1a9: {  	s26 =	spop (v2sf)  }
0x1aa: {  	(v2sf) =	vpush v0, $0xA;
	s18 =	sadd.f32 s18, s26  }
0x1ab: {  	s28 =	spop (v2sf)  }
0x1ac: {  	(v2sf) =	vpush v0, $0xB;
	s18 =	sadd.f32 s18, s28  }
0x1ad: {  	s29 =	spop (v2sf)  }
0x1ae: {  	(v2sf) =	vpush v0, $0xC;
	s18 =	sadd.f32 s18, s29  }
0x1af: {  	s30 =	spop (v2sf)  }
0x1b0: {  	(v2sf) =	vpush v0, $0xD;
	s18 =	sadd.f32 s18, s30  }
0x1b1: {  	s31 =	spop (v2sf)  }
0x1b2: {  	(v2sf) =	vpush v0, $0xE;
	s18 =	sadd.f32 s18, s31  }
0x1b3: {  	s20 =	spop (v2sf)  }
0x1b4: {  	(v2sf) =	vpush v0, $0xF;
	s18 =	sadd.f32 s18, s20  }
0x1b5: {  	s21 =	spop (v2sf)  }
0x1b6: {  	s18 =	sadd.f32 s18, s21  }
0x1b7: {  	s22 =	spop (v2sf)  }
0x1b8: {  	s18 =	sadd.f32 s18, s22  }
0x1b9: {  	s23 =	spop (v2sf)  }
0x1ba: {  	s18 =	sadd.f32 s18, s23  }
0x1bb: {  	s24 =	spop (v2sf)  }
0x1bc: {  	s18 =	sadd.f32 s18, s24  }
0x1bd: {  	s25 =	spop (v2sf)  }
0x1be: {  	s18 =	sadd.f32 s18, s25  }
0x1bf: {  	s26 =	spop (v2sf)  }
0x1c0: {  	s18 =	sadd.f32 s18, s26  }
0x1c1: {  	s28 =	spop (v2sf)  }
0x1c2: {  	s18 =	sadd.f32 s18, s28  }
0x1c3: {  	s29 =	spop (v2sf)  }
0x1c4: {  	s18 =	sadd.f32 s18, s29;
	_ =	sdelay $0x1  }
0x1c5: {  	v35 =	vmov s18  }
0x1c6: {  	(erf) = vrcp.f32 v35;
	_ =	sdelay $0x4  }
0x1c7: {  	v36 =	vld [tilespmem:$0x400]  }
0x1c8: {  	v37 =	vld [tilespmem:$0x410]  }
0x1c9: {  	v38 =	vld [tilespmem:$0x420]  }
0x1ca: {  	v4 =	vld [tilespmem:$0x430]  }
0x1cb: {  	v5 =	vld [tilespmem:$0x440];
	v0 =	vpop (erf)  }
0x1cc: {  	v6 =	vld [tilespmem:$0x450];
	v1 =	vmul.f32 v0, v36  }
0x1cd: {  	v7 =	vld [tilespmem:$0x460];
	v2 =	vmul.f32 v0, v37  }
0x1ce: {  	v40 =	vld [tilespmem:$0x470];
	v39 =	vmul.f32 v0, v38;
	[tilespmem:$0x400] =	vst v1  }
0x1cf: {  	v42 =	vld [tilespmem:$0x480];
	v41 =	vmul.f32 v0, v4;
	[tilespmem:$0x410] =	vst v2  }
0x1d0: {  	v44 =	vld [tilespmem:$0x490];
	v43 =	vmul.f32 v0, v5;
	[tilespmem:$0x420] =	vst v39  }
0x1d1: {  	v46 =	vld [tilespmem:$0x4A0];
	v45 =	vmul.f32 v0, v6;
	[tilespmem:$0x430] =	vst v41  }
0x1d2: {  	v48 =	vld [tilespmem:$0x4B0];
	v47 =	vmul.f32 v0, v7;
	[tilespmem:$0x440] =	vst v43  }
0x1d3: {  	v50 =	vld [tilespmem:$0x4C0];
	v49 =	vmul.f32 v0, v40;
	[tilespmem:$0x450] =	vst v45  }
0x1d4: {  	v52 =	vld [tilespmem:$0x4D0];
	v51 =	vmul.f32 v0, v42;
	[tilespmem:$0x460] =	vst v47  }
0x1d5: {  	v54 =	vld [tilespmem:$0x4E0];
	v53 =	vmul.f32 v0, v44;
	[tilespmem:$0x470] =	vst v49  }
0x1d6: {  	v56 =	vld [tilespmem:$0x4F0];
	v55 =	vmul.f32 v46, v0;
	[tilespmem:$0x480] =	vst v51  }
0x1d7: {  	v58 =	vld [tilespmem:$0x500];
	v57 =	vmul.f32 v48, v0;
	[tilespmem:$0x490] =	vst v53  }
0x1d8: {  	v60 =	vld [tilespmem:$0x510];
	v59 =	vmul.f32 v50, v0;
	[tilespmem:$0x4A0] =	vst v55  }
0x1d9: {  	v62 =	vld [tilespmem:$0x520];
	v61 =	vmul.f32 v52, v0;
	[tilespmem:$0x4B0] =	vst v57  }
0x1da: {  	v9 =	vld [tilespmem:$0x530];
	v63 =	vmul.f32 v54, v0;
	[tilespmem:$0x4C0] =	vst v59  }
0x1db: {  	v11 =	vld [tilespmem:$0x540];
	v10 =	vmul.f32 v56, v0;
	[tilespmem:$0x4D0] =	vst v61  }
0x1dc: {  	v13 =	vld [tilespmem:$0x550];
	v12 =	vmul.f32 v58, v0;
	[tilespmem:$0x4E0] =	vst v63  }
0x1dd: {  	v15 =	vld [tilespmem:$0x560];
	v14 =	vmul.f32 v60, v0;
	[tilespmem:$0x4F0] =	vst v10  }
0x1de: {  	v17 =	vld [tilespmem:$0x570];
	v16 =	vmul.f32 v62, v0;
	[tilespmem:$0x500] =	vst v12  }
0x1df: {  	v19 =	vld [tilespmem:$0x580];
	v18 =	vmul.f32 v9, v0;
	[tilespmem:$0x510] =	vst v14  }
0x1e0: {  	v21 =	vld [tilespmem:$0x590];
	v20 =	vmul.f32 v11, v0;
	[tilespmem:$0x520] =	vst v16  }
0x1e1: {  	v23 =	vld [tilespmem:$0x5A0];
	v22 =	vmul.f32 v13, v0;
	[tilespmem:$0x530] =	vst v18  }
0x1e2: {  	v25 =	vld [tilespmem:$0x5B0];
	v24 =	vmul.f32 v15, v0;
	[tilespmem:$0x540] =	vst v20  }
0x1e3: {  	v27 =	vld [tilespmem:$0x5C0];
	v26 =	vmul.f32 v17, v0;
	[tilespmem:$0x550] =	vst v22  }
0x1e4: {  	v29 =	vld [tilespmem:$0x5D0];
	v28 =	vmul.f32 v19, v0;
	[tilespmem:$0x560] =	vst v24  }
0x1e5: {  	v31 =	vld [tilespmem:$0x5E0];
	v30 =	vmul.f32 v21, v0;
	[tilespmem:$0x570] =	vst v26  }
0x1e6: {  	v33 =	vld [tilespmem:$0x5F0];
	v32 =	vmul.f32 v23, v0;
	[tilespmem:$0x580] =	vst v28  }
0x1e7: {  	v35 =	vld [tilespmem:$0x600];
	v34 =	vmul.f32 v25, v0;
	[tilespmem:$0x590] =	vst v30  }
0x1e8: {  	v36 =	vmul.f32 v27, v0;
	v37 =	vld [tilespmem:$0x610];
	[tilespmem:$0x5A0] =	vst v32  }
0x1e9: {  	v38 =	vmul.f32 v29, v0;
	[tilespmem:$0x5B0] =	vst v34;
	v39 =	vld [tilespmem:$0x620]  }
0x1ea: {  	v40 =	vmul.f32 v31, v0;
	[tilespmem:$0x5C0] =	vst v36;
	v41 =	vld [tilespmem:$0x630]  }
0x1eb: {  	v42 =	vmul.f32 v33, v0;
	[tilespmem:$0x5D0] =	vst v38;
	v43 =	vld [tilespmem:$0x640]  }
0x1ec: {  	v44 =	vmul.f32 v35, v0;
	[tilespmem:$0x5E0] =	vst v40;
	v45 =	vld [tilespmem:$0x650]  }
0x1ed: {  	[tilespmem:$0x5F0] =	vst v42;
	v47 =	vld [tilespmem:$0x660];
	v46 =	vmul.f32 v37, v0  }
0x1ee: {  	[tilespmem:$0x600] =	vst v44;
	v49 =	vld [tilespmem:$0x670];
	v48 =	vmul.f32 v39, v0  }
0x1ef: {  	v51 =	vld [tilespmem:$0x680];
	[tilespmem:$0x610] =	vst v46;
	v50 =	vmul.f32 v41, v0  }
0x1f0: {  	v53 =	vld [tilespmem:$0x690];
	v52 =	vmul.f32 v43, v0;
	[tilespmem:$0x620] =	vst v48  }
0x1f1: {  	v55 =	vld [tilespmem:$0x6A0];
	v54 =	vmul.f32 v45, v0;
	[tilespmem:$0x630] =	vst v50  }
0x1f2: {  	v57 =	vld [tilespmem:$0x6B0];
	v56 =	vmul.f32 v47, v0;
	[tilespmem:$0x640] =	vst v52  }
0x1f3: {  	v59 =	vld [tilespmem:$0x6C0];
	v58 =	vmul.f32 v49, v0;
	[tilespmem:$0x650] =	vst v54  }
0x1f4: {  	v61 =	vld [tilespmem:$0x6D0];
	v60 =	vmul.f32 v51, v0;
	[tilespmem:$0x660] =	vst v56  }
0x1f5: {  	v63 =	vld [tilespmem:$0x6E0];
	v62 =	vmul.f32 v53, v0;
	[tilespmem:$0x670] =	vst v58  }
0x1f6: {  	v10 =	vld [tilespmem:$0x6F0];
	v9 =	vmul.f32 v55, v0;
	[tilespmem:$0x680] =	vst v60  }
0x1f7: {  	v12 =	vld [tilespmem:$0x700];
	v11 =	vmul.f32 v57, v0;
	[tilespmem:$0x690] =	vst v62  }
0x1f8: {  	v14 =	vld [tilespmem:$0x710];
	v13 =	vmul.f32 v59, v0;
	[tilespmem:$0x6A0] =	vst v9  }
0x1f9: {  	v16 =	vld [tilespmem:$0x720];
	v15 =	vmul.f32 v61, v0;
	[tilespmem:$0x6B0] =	vst v11  }
0x1fa: {  	v18 =	vld [tilespmem:$0x730];
	v17 =	vmul.f32 v63, v0;
	[tilespmem:$0x6C0] =	vst v13  }
0x1fb: {  	v20 =	vld [tilespmem:$0x740];
	v19 =	vmul.f32 v10, v0;
	[tilespmem:$0x6D0] =	vst v15  }
0x1fc: {  	v22 =	vld [tilespmem:$0x750];
	v21 =	vmul.f32 v12, v0;
	[tilespmem:$0x6E0] =	vst v17  }
0x1fd: {  	v24 =	vld [tilespmem:$0x760];
	v23 =	vmul.f32 v14, v0;
	[tilespmem:$0x6F0] =	vst v19  }
0x1fe: {  	v26 =	vld [tilespmem:$0x770];
	v25 =	vmul.f32 v16, v0;
	[tilespmem:$0x700] =	vst v21  }
0x1ff: {  	v28 =	vld [tilespmem:$0x780];
	v27 =	vmul.f32 v18, v0;
	[tilespmem:$0x710] =	vst v23  }
0x200: {  	v30 =	vld [tilespmem:$0x790];
	v29 =	vmul.f32 v20, v0;
	[tilespmem:$0x720] =	vst v25  }
0x201: {  	v32 =	vld [tilespmem:$0x7A0];
	v31 =	vmul.f32 v22, v0;
	[tilespmem:$0x730] =	vst v27  }
0x202: {  	v34 =	vld [tilespmem:$0x7B0];
	v33 =	vmul.f32 v24, v0;
	[tilespmem:$0x740] =	vst v29  }
0x203: {  	v36 =	vld [tilespmem:$0x7C0];
	v35 =	vmul.f32 v26, v0;
	[tilespmem:$0x750] =	vst v31  }
0x204: {  	v38 =	vld [tilespmem:$0x7D0];
	v37 =	vmul.f32 v28, v0;
	[tilespmem:$0x760] =	vst v33  }
0x205: {  	v40 =	vld [tilespmem:$0x7E0];
	v39 =	vmul.f32 v30, v0;
	[tilespmem:$0x770] =	vst v35  }
0x206: {  	v42 =	vld [tilespmem:$0x7F0];
	v41 =	vmul.f32 v32, v0;
	[tilespmem:$0x780] =	vst v37  }
0x207: {  	v44 =	vld [tilespmem:$0x800];
	v43 =	vmul.f32 v34, v0;
	[tilespmem:$0x790] =	vst v39  }
0x208: {  	v45 =	vmul.f32 v36, v0;
	v46 =	vld [tilespmem:$0x810];
	[tilespmem:$0x7A0] =	vst v41  }
0x209: {  	v47 =	vmul.f32 v38, v0;
	[tilespmem:$0x7B0] =	vst v43;
	v48 =	vld [tilespmem:$0x820]  }
0x20a: {  	v49 =	vmul.f32 v40, v0;
	[tilespmem:$0x7C0] =	vst v45;
	v50 =	vld [tilespmem:$0x830]  }
0x20b: {  	v51 =	vmul.f32 v42, v0;
	[tilespmem:$0x7D0] =	vst v47;
	v52 =	vld [tilespmem:$0x840]  }
0x20c: {  	v53 =	vmul.f32 v44, v0;
	[tilespmem:$0x7E0] =	vst v49;
	v54 =	vld [tilespmem:$0x850]  }
0x20d: {  	[tilespmem:$0x7F0] =	vst v51;
	v56 =	vld [tilespmem:$0x860];
	v55 =	vmul.f32 v46, v0  }
0x20e: {  	[tilespmem:$0x800] =	vst v53;
	v58 =	vld [tilespmem:$0x870];
	v57 =	vmul.f32 v48, v0  }
0x20f: {  	v60 =	vld [tilespmem:$0x880];
	[tilespmem:$0x810] =	vst v55;
	v59 =	vmul.f32 v50, v0  }
0x210: {  	v62 =	vld [tilespmem:$0x890];
	v61 =	vmul.f32 v52, v0;
	[tilespmem:$0x820] =	vst v57  }
0x211: {  	v9 =	vld [tilespmem:$0x8A0];
	v63 =	vmul.f32 v54, v0;
	[tilespmem:$0x830] =	vst v59  }
0x212: {  	v11 =	vld [tilespmem:$0x8B0];
	v10 =	vmul.f32 v56, v0;
	[tilespmem:$0x840] =	vst v61  }
0x213: {  	v13 =	vld [tilespmem:$0x8C0];
	v12 =	vmul.f32 v58, v0;
	[tilespmem:$0x850] =	vst v63  }
0x214: {  	v15 =	vld [tilespmem:$0x8D0];
	v14 =	vmul.f32 v60, v0;
	[tilespmem:$0x860] =	vst v10  }
0x215: {  	v17 =	vld [tilespmem:$0x8E0];
	v16 =	vmul.f32 v62, v0;
	[tilespmem:$0x870] =	vst v12  }
0x216: {  	v19 =	vld [tilespmem:$0x8F0];
	v18 =	vmul.f32 v9, v0;
	[tilespmem:$0x880] =	vst v14  }
0x217: {  	v21 =	vld [tilespmem:$0x900];
	v20 =	vmul.f32 v11, v0;
	[tilespmem:$0x890] =	vst v16  }
0x218: {  	v23 =	vld [tilespmem:$0x910];
	v22 =	vmul.f32 v13, v0;
	[tilespmem:$0x8A0] =	vst v18  }
0x219: {  	v25 =	vld [tilespmem:$0x920];
	v24 =	vmul.f32 v15, v0;
	[tilespmem:$0x8B0] =	vst v20  }
0x21a: {  	v27 =	vld [tilespmem:$0x930];
	v26 =	vmul.f32 v17, v0;
	[tilespmem:$0x8C0] =	vst v22  }
0x21b: {  	v29 =	vld [tilespmem:$0x940];
	v28 =	vmul.f32 v19, v0;
	[tilespmem:$0x8D0] =	vst v24  }
0x21c: {  	v31 =	vld [tilespmem:$0x950];
	v30 =	vmul.f32 v21, v0;
	[tilespmem:$0x8E0] =	vst v26  }
0x21d: {  	v33 =	vld [tilespmem:$0x960];
	v32 =	vmul.f32 v23, v0;
	[tilespmem:$0x8F0] =	vst v28  }
0x21e: {  	v35 =	vld [tilespmem:$0x970];
	v34 =	vmul.f32 v25, v0;
	[tilespmem:$0x900] =	vst v30  }
0x21f: {  	v37 =	vld [tilespmem:$0x980];
	v36 =	vmul.f32 v27, v0;
	[tilespmem:$0x910] =	vst v32  }
0x220: {  	v39 =	vld [tilespmem:$0x990];
	v38 =	vmul.f32 v29, v0;
	[tilespmem:$0x920] =	vst v34  }
0x221: {  	v41 =	vld [tilespmem:$0x9A0];
	v40 =	vmul.f32 v31, v0;
	[tilespmem:$0x930] =	vst v36  }
0x222: {  	v43 =	vld [tilespmem:$0x9B0];
	v42 =	vmul.f32 v33, v0;
	[tilespmem:$0x940] =	vst v38  }
0x223: {  	v45 =	vld [tilespmem:$0x9C0];
	v44 =	vmul.f32 v35, v0;
	[tilespmem:$0x950] =	vst v40  }
0x224: {  	v47 =	vld [tilespmem:$0x9D0];
	v46 =	vmul.f32 v37, v0;
	[tilespmem:$0x960] =	vst v42  }
0x225: {  	v49 =	vld [tilespmem:$0x9E0];
	v48 =	vmul.f32 v39, v0;
	[tilespmem:$0x970] =	vst v44  }
0x226: {  	v51 =	vld [tilespmem:$0x9F0];
	v50 =	vmul.f32 v41, v0;
	[tilespmem:$0x980] =	vst v46  }
0x227: {  	v53 =	vld [tilespmem:$0xA00];
	v52 =	vmul.f32 v43, v0;
	[tilespmem:$0x990] =	vst v48  }
0x228: {  	v54 =	vmul.f32 v45, v0;
	v55 =	vld [tilespmem:$0xA10];
	[tilespmem:$0x9A0] =	vst v50  }
0x229: {  	v56 =	vmul.f32 v47, v0;
	v9 =	vld [tilespmem:$0xA60];
	[tilespmem:$0x9B0] =	vst v52  }
0x22a: {  	v58 =	vmul.f32 v49, v0;
	v11 =	vld [tilespmem:$0xA70];
	[tilespmem:$0x9C0] =	vst v54  }
0x22b: {  	v60 =	vmul.f32 v51, v0;
	v13 =	vld [tilespmem:$0xA80];
	[tilespmem:$0x9D0] =	vst v56  }
0x22c: {  	v62 =	vmul.f32 v53, v0;
	v15 =	vld [tilespmem:$0xA90];
	[tilespmem:$0x9E0] =	vst v58  }
0x22d: {  	v17 =	vld [tilespmem:$0xAA0];
	[tilespmem:$0x9F0] =	vst v60;
	v8 =	vmul.f32 v55, v0  }
0x22e: {  	v19 =	vld [tilespmem:$0xAB0];
	[tilespmem:$0xA00] =	vst v62;
	v18 =	vmul.f32 v9, v0  }
0x22f: {  	v21 =	vld [tilespmem:$0xAC0];
	v20 =	vmul.f32 v11, v0;
	[tilespmem:$0xA10] =	vst v8  }
0x230: {  	v23 =	vld [tilespmem:$0xAD0];
	v22 =	vmul.f32 v13, v0;
	[tilespmem:$0xA60] =	vst v18  }
0x231: {  	v25 =	vld [tilespmem:$0xAE0];
	v24 =	vmul.f32 v15, v0;
	[tilespmem:$0xA70] =	vst v20  }
0x232: {  	v27 =	vld [tilespmem:$0xAF0];
	v26 =	vmul.f32 v17, v0;
	[tilespmem:$0xA80] =	vst v22  }
0x233: {  	v29 =	vld [tilespmem:$0xB00];
	v28 =	vmul.f32 v19, v0;
	[tilespmem:$0xA90] =	vst v24  }
0x234: {  	v31 =	vld [tilespmem:$0xB10];
	v30 =	vmul.f32 v21, v0;
	[tilespmem:$0xAA0] =	vst v26  }
0x235: {  	v33 =	vld [tilespmem:$0xB20];
	v32 =	vmul.f32 v23, v0;
	[tilespmem:$0xAB0] =	vst v28  }
0x236: {  	v35 =	vld [tilespmem:$0xB30];
	v34 =	vmul.f32 v25, v0;
	[tilespmem:$0xAC0] =	vst v30  }
0x237: {  	v37 =	vld [tilespmem:$0xB40];
	v36 =	vmul.f32 v27, v0;
	[tilespmem:$0xAD0] =	vst v32  }
0x238: {  	v39 =	vld [tilespmem:$0xB50];
	v38 =	vmul.f32 v29, v0;
	[tilespmem:$0xAE0] =	vst v34  }
0x239: {  	v41 =	vld [tilespmem:$0xB60];
	v40 =	vmul.f32 v31, v0;
	[tilespmem:$0xAF0] =	vst v36  }
0x23a: {  	v43 =	vld [tilespmem:$0xB70];
	v42 =	vmul.f32 v33, v0;
	[tilespmem:$0xB00] =	vst v38  }
0x23b: {  	v45 =	vld [tilespmem:$0xB80];
	v44 =	vmul.f32 v35, v0;
	[tilespmem:$0xB10] =	vst v40  }
0x23c: {  	v47 =	vld [tilespmem:$0xB90];
	v46 =	vmul.f32 v37, v0;
	[tilespmem:$0xB20] =	vst v42  }
0x23d: {  	v49 =	vld [tilespmem:$0xBA0];
	v48 =	vmul.f32 v39, v0;
	[tilespmem:$0xB30] =	vst v44  }
0x23e: {  	v51 =	vld [tilespmem:$0xBB0];
	v50 =	vmul.f32 v41, v0;
	[tilespmem:$0xB40] =	vst v46  }
0x23f: {  	v57 =	vld [tilespmem:$0xA20];
	v52 =	vmul.f32 v43, v0;
	[tilespmem:$0xB50] =	vst v48  }
0x240: {  	v59 =	vld [tilespmem:$0xA30];
	v54 =	vmul.f32 v45, v0;
	[tilespmem:$0xB60] =	vst v50  }
0x241: {  	v61 =	vld [tilespmem:$0xA40];
	v56 =	vmul.f32 v47, v0;
	[tilespmem:$0xB70] =	vst v52  }
0x242: {  	v63 =	vld [tilespmem:$0xA50];
	v58 =	vmul.f32 v49, v0;
	[tilespmem:$0xB80] =	vst v54  }
0x243: {  	v53 =	vld [tilespmem:$0xBC0];
	v60 =	vmul.f32 v51, v0;
	[tilespmem:$0xB90] =	vst v56  }
0x244: {  	v55 =	vld [tilespmem:$0xBD0];
	v10 =	vmul.f32 v57, v0;
	[tilespmem:$0xBA0] =	vst v58  }
0x245: {  	v12 =	vmul.f32 v59, v0;
	v57 =	vld [tilespmem:$0xBE0];
	[tilespmem:$0xBB0] =	vst v60  }
0x246: {  	v14 =	vmul.f32 v61, v0;
	v59 =	vld [tilespmem:$0xBF0];
	[tilespmem:$0xA20] =	vst v10  }
0x247: {  	v16 =	vmul.f32 v63, v0;
	[tilespmem:$0xA30] =	vst v12  }
0x248: {  	v61 =	vmul.f32 v53, v0;
	[tilespmem:$0xA40] =	vst v14  }
0x249: {  	[tilespmem:$0xA50] =	vst v16;
	v62 =	vmul.f32 v55, v0  }
0x24a: {  	[tilespmem:$0xBC0] =	vst v61;
	v63 =	vmul.f32 v57, v0  }
0x24b: {  	[tilespmem:$0xBD0] =	vst v62;
	v0 =	vmul.f32 v59, v0  }
0x24c: {  	[tilespmem:$0xBE0] =	vst v63  }
0x24d: {  	s30 =	rddreg [dreg:$0x7];
	[tilespmem:$0xBF0] =	vst v0  }
0x24e: {  	[hbm4b:s30+s3] =	stream.linear.scatter [tilespmem:s9], [sflag:$0x2], $0x400, $0x38;
	[tilespmem:$0xD90] =	vst v63  }
0x24f: {  	_ =	swait.ge [sflag:s7], $0x400  }
0x250: {  	p0 =	sne.s32 s6, $0x1;
	[sflag:s7] =	ssyncset.done $0x0  }
.Ltmp0:
0x251: {  	s31 =	rddreg [dreg:$0x8];
	[sflag:s7] =	ssyncadd.s32 $0xFFFFFC00;
	(pc) =	sbr.rel @p0 .LBB2_1-.Ltmp0, $4  }
0x252: {  	[hbm4b:s31+s3] =	stream.linear.scatter [tilespmem:s16], [sflag:$0x2], $0x400, $0x38;
	[tilespmem:$0xD90] =	vst v63  }
0x253: {  	_ =	swait.ge [sflag:s7], $0x400  }
0x254: {  	[sflag:s7] =	ssyncset.done $0x0  }
0x255: {  	s6 =	sadd.s32 $0xFFFFFFFF, s6;
	[sflag:s7] =	ssyncadd.s32 $0xFFFFFC00  }
0x256: {  	_ =	sfence.sel $0x180000  }
0x257: {  	[bflag:$0x0] =	sbarrier.arrive $0xFFFF  }
0x258: {  	p0 =	sne.s32 s4, $0x0;
	_ =	strace $0x90000047  }
0x259: {  	s0 =	sadd.s32 @!p0 $0x100000, s0;
	[bflag:$0x2] =	sbarrier.arrive $0xFFFF  }
0x25a: {  	[sflag:s0] =	ssyncadd.tile.s32 @!p0 $0x1;
	_ =	shalt  }
.Lfunc_end2:
_tile_overlayer_lowered:
.L_overlay_start_2:
0x25b: {  	(tag) =	ssettag $0x2  }
0x25c: {  	s0 =	rddreg [dreg:$0x0];
	s2 =	stileid.u32  }
0x25d: {  	s1 =	rddreg [dreg:$0x1];
	p0 =	sne.s32 s2, $0x0  }
0x25e: {  	s3 =	rddreg [dreg:$0x2];
	[bflag:$0x3] =	sbarrier.arrive $0xFFFF;
	s2 =	simm.s32 @!p0 $0x1C02  }
0x25f: {  	[timem:s3], [sflag:s2] =	dma.local @!p0 [hbm:s0], s1  }
0x260: {  	s0 =	simm.s32 @!p0 $0x2  }
0x261: {  	_ =	swait.ge @!p0 [sflag:s0], s1  }
0x262: {  	s1 =	ssub.s32 @!p0 $0x0, s1;
	[sflag:s0] =	ssyncset.done @!p0 $0x0  }
0x263: {  	[sflag:s0] =	ssyncadd.s32 @!p0 s1  }
0x264: {  	[bflag:$0x3] =	sbarrier.arrive $0xFFFF  }
0x265: {  	_ =	shalt  }

</sc_bundles>
